<compile_context>
chip_gen: v7x
topology: tpu7x:2x2x1
jax: 0.10.2.dev20260603
libtpu: 0.0.44.dev20260713+nightly
codegen_flags: <defaults>
</compile_context>

<pallas_src>
import functools

import jax
import jax.numpy as jnp
from jax import lax
from jax.experimental import pallas as pl
from jax.experimental.pallas import tpu as pltpu
from jax.experimental.pallas import tpu_sc as plsc

BETA = 0.25


def _argmin_body(K, KC, KS, carry_bf16, r_ref, cb_ref, idx_ref, bd_ref, bi_ref):
    j = pl.program_id(1)
    r = r_ref[...]
    zz = jnp.sum(r * r, axis=1, keepdims=True)
    best = []
    for s in range(KC // KS):
        cb = cb_ref[pl.ds(s * KS, KS), :]
        cc = jnp.sum(cb * cb, axis=1)
        mm = lax.dot_general(r, cb, (((1,), (1,)), ((), ())),
                             preferred_element_type=jnp.float32)
        e = (zz + cc[None, :]) - 2.0 * mm
        m = jnp.min(e, axis=1, keepdims=True)
        ii = lax.broadcasted_iota(jnp.int32, e.shape, 1)
        li = (jnp.min(jnp.where(e == m, ii, K), axis=1, keepdims=True)
              + (j * KC + s * KS))
        best.append((m, li))
    while len(best) > 1:
        nxt = []
        for a in range(0, len(best) - 1, 2):
            (ma, ia), (mb, ib) = best[a], best[a + 1]
            b = mb < ma
            nxt.append((jnp.where(b, mb, ma), jnp.where(b, ib, ia)))
        if len(best) % 2:
            nxt.append(best[-1])
        best = nxt
    m, li = best[0]

    def _round(v):
        if carry_bf16:
            return v.astype(jnp.bfloat16).astype(jnp.float32)
        return v

    @pl.when(j == 0)
    def _():
        bd_ref[...] = _round(m)
        bi_ref[...] = li

    @pl.when(j > 0)
    def _():
        better = m < bd_ref[...]
        bi_ref[...] = jnp.where(better, li, bi_ref[...])
        bd_ref[...] = _round(jnp.where(better, m, bd_ref[...]))

    @pl.when(j == pl.num_programs(1) - 1)
    def _():
        idx_ref[...] = bi_ref[...]


def _layer_argmin(r, cb, carry_bf16):
    B, D = r.shape
    K = cb.shape[0]
    BB = min(512, B)
    KC = min(4096, K)
    KS = min(256, KC)
    out = pl.pallas_call(
        functools.partial(_argmin_body, K, KC, KS, carry_bf16),
        grid=(B // BB, K // KC),
        in_specs=[
            pl.BlockSpec((BB, D), lambda i, j: (i, 0)),
            pl.BlockSpec((KC, D), lambda i, j: (j, 0)),
        ],
        out_specs=pl.BlockSpec((BB, 1), lambda i, j: (i, 0)),
        out_shape=jax.ShapeDtypeStruct((B, 1), jnp.int32),
        scratch_shapes=[
            pltpu.VMEM((BB, 1), jnp.float32),
            pltpu.VMEM((BB, 1), jnp.int32),
        ],
    )(r, cb)
    return out[:, 0]


def _sc_update(cb, idx, r, x=None):
    B, D = r.shape
    NC, NS = 2, 16
    NW = NC * NS
    bw = B // NW
    mesh = plsc.VectorSubcoreMesh(core_axis_name="c", subcore_axis_name="s")

    scratch = [
        pltpu.VMEM((bw,), jnp.int32),
        pltpu.VMEM((bw, D), jnp.float32),
        pltpu.VMEM((bw, D), jnp.float32),
        pltpu.VMEM((16,), jnp.float32),
        pltpu.SemaphoreType.DMA,
    ]
    out_type = (
        jax.ShapeDtypeStruct((B, D), jnp.float32),
        jax.ShapeDtypeStruct((NW, 16), jnp.float32),
    )

    params = pltpu.CompilerParams(use_tc_tiling_on_sc=False)

    if x is None:

        @functools.partial(pl.kernel, out_type=out_type, mesh=mesh,
                           scratch_types=scratch, compiler_params=params)
        def k(cb_hbm, idx_hbm, r_hbm, rout_hbm, loss_hbm,
              idx_v, q_v, r_v, acc_v, sem):
            wid = lax.axis_index("s") * NC + lax.axis_index("c")
            base = wid * bw
            pltpu.sync_copy(idx_hbm.at[pl.ds(base, bw)], idx_v)
            cp = pltpu.async_copy(cb_hbm.at[idx_v], q_v, sem)
            pltpu.sync_copy(r_hbm.at[pl.ds(base, bw)], r_v)
            cp.wait()

            def body(i, acc):
                for j in range(D // 16):
                    q = q_v[i, pl.ds(j * 16, 16)]
                    rr = r_v[i, pl.ds(j * 16, 16)]
                    t = q - rr
                    acc = acc + t * t
                    r_v[i, pl.ds(j * 16, 16)] = rr - (rr + t)
                return acc

            acc = lax.fori_loop(0, bw, body, jnp.zeros((16,), jnp.float32))
            acc_v[...] = acc
            pltpu.sync_copy(r_v, rout_hbm.at[pl.ds(base, bw)])
            pltpu.sync_copy(acc_v, loss_hbm.at[wid])

        return k(cb, idx, r)

    @functools.partial(pl.kernel, out_type=out_type, mesh=mesh,
                       scratch_types=scratch + [pltpu.VMEM((bw, D), jnp.float32)],
                       compiler_params=params)
    def kl(cb_hbm, idx_hbm, r_hbm, x_hbm, yout_hbm, loss_hbm,
           idx_v, q_v, r_v, acc_v, sem, x_v):
        wid = lax.axis_index("s") * NC + lax.axis_index("c")
        base = wid * bw
        pltpu.sync_copy(idx_hbm.at[pl.ds(base, bw)], idx_v)
        cp = pltpu.async_copy(cb_hbm.at[idx_v], q_v, sem)
        pltpu.sync_copy(r_hbm.at[pl.ds(base, bw)], r_v)
        pltpu.sync_copy(x_hbm.at[pl.ds(base, bw)], x_v)
        cp.wait()

        def body(i, acc):
            for j in range(D // 16):
                q = q_v[i, pl.ds(j * 16, 16)]
                rr = r_v[i, pl.ds(j * 16, 16)]
                t = q - rr
                acc = acc + t * t
                r_new = rr - (rr + t)
                r_v[i, pl.ds(j * 16, 16)] = x_v[i, pl.ds(j * 16, 16)] - r_new
            return acc

        acc = lax.fori_loop(0, bw, body, jnp.zeros((16,), jnp.float32))
        acc_v[...] = acc
        pltpu.sync_copy(r_v, yout_hbm.at[pl.ds(base, bw)])
        pltpu.sync_copy(acc_v, loss_hbm.at[wid])

    return kl(cb, idx, r, x)


def kernel(x, codebooks):
    L = codebooks.shape[0]
    B, D = x.shape
    r = x
    idxs = []
    parts = []
    for l in range(L):
        cb = codebooks[l]
        idx = _layer_argmin(r, cb, carry_bf16=(l == 0))
        r, lp = _sc_update(cb, idx, r, x=x if l == L - 1 else None)
        parts.append(lp)
        idxs.append(idx)
    y = r
    total = (1.0 + BETA) * jnp.sum(jnp.stack(parts)) / (B * D)
    return y, jnp.stack(idxs, axis=-1), total / L

# --- scband reference (transcript-rebuilt; emitter-appended) ---
"""Pipeline reference for scband-residual-quantizer-58849641890163 (READ-ONLY COPY).

The authoritative reference and input builder live on the scoring server;
editing this copy changes nothing except your own understanding.
"""

import jax, jax.numpy as jnp
import numpy as np

B = 16384
D = 32
K = 8192
L = 4
BETA = 0.25


def setup_inputs(seed: int = 0) -> dict:
    key = jax.random.key(seed)
    kx, kc = jax.random.split(key)
    x = jax.random.normal(kx, (B, D), dtype=jnp.float32)
    codebooks = jax.random.normal(kc, (L, K, D), dtype=jnp.float32) * 0.1
    return {"x": x, "codebooks": codebooks}


def _vq_layer(z, cb, beta):
    # l2 metric: pairwise squared distances to codebook entries
    d = (jnp.sum(z * z, axis=1, keepdims=True)
         + jnp.sum(cb * cb, axis=1)[None, :]
         - 2.0 * jnp.matmul(z, cb.T))
    idx = jnp.argmin(d, axis=1)
    q = jnp.take(cb, idx, axis=0)
    sg = jax.lax.stop_gradient
    loss = beta * jnp.mean((sg(q) - z) ** 2) + jnp.mean((q - sg(z)) ** 2)
    q_st = z + sg(q - z)  # straight-through estimator
    return q_st, idx, loss


def reference(x, codebooks):
    residual = x
    y = jnp.zeros_like(x)
    all_indices = []
    all_loss = []
    for i in range(codebooks.shape[0]):
        x_q, idx, vq_loss = _vq_layer(residual, codebooks[i], BETA)
        residual = residual - x_q
        y = y + x_q
        all_indices.append(idx)
        all_loss.append(vq_loss)
    mean_loss = jnp.stack(all_loss).mean()
    all_indices = jnp.stack(all_indices, axis=-1)
    return (y, all_indices, mean_loss)

if __name__ == "__main__":
    import jax
    _d = setup_inputs()
    print(jax.jit(kernel)(*tuple(_d.values())))

</pallas_src>

<mosaic_0001>
#map = affine_map<(d0, d1) -> (0, 0)>
#map1 = affine_map<(d0, d1) -> (0)>
module attributes {stable_mosaic.version = 14 : i64} {
  func.func @k(%arg0: i32, %arg1: i32, %arg2: memref<8192x32xf32, #tpu.memory_space<hbm>>, %arg3: memref<16384xi32, #tpu.memory_space<hbm>>, %arg4: memref<16384x32xf32, #tpu.memory_space<hbm>>, %arg5: memref<16384x32xf32, #tpu.memory_space<hbm>>, %arg6: memref<32x16xf32, #tpu.memory_space<hbm>>, %arg7: memref<512xi32, #tpu.memory_space<vmem>>, %arg8: memref<512x32xf32, #tpu.memory_space<vmem>>, %arg9: memref<512x32xf32, #tpu.memory_space<vmem>>, %arg10: memref<16xf32, #tpu.memory_space<vmem>>, %arg11: memref<!tpu.dma_semaphore, #tpu.memory_space<semaphore_mem>>) attributes {dimension_semantics = [#tpu.dimension_semantics<core_parallel>, #tpu.dimension_semantics<subcore_parallel>], iteration_bounds = array<i64: 2, 16>, scalar_prefetch = 0 : i64, scratch_operands = 5 : i64, tpu.core_type = #tpu.core_type<sc_vector_subcore>, window_params = [{transform_indices = #map}, {transform_indices = #map1}, {transform_indices = #map}, {transform_indices = #map}, {transform_indices = #map}]} {
    %mul3A = arith.constant 2 : i32
    %mul3A_0 = arith.muli %arg1, %mul3A : i32
    %add3A = arith.addi %mul3A_0, %arg0 : i32
    %mul3A_1 = arith.constant 512 : i32
    %mul3A_2 = arith.muli %add3A, %mul3A_1 : i32
    "tpu.region"() ({
      %run_scoped3A = tpu.sem_alloc : memref<!tpu.dma_semaphore, #tpu.memory_space<semaphore_mem>>
      %dma_start3A_16 = tpu.memref_slice %arg3[%mul3A_2] : memref<16384xi32, #tpu.memory_space<hbm>> -> memref<512xi32, #tpu.memory_space<hbm>>
      %dma_start3A_17 = tpu.memref_slice %arg3[%mul3A_2] : memref<16384xi32, #tpu.memory_space<hbm>> -> memref<512xi32, #tpu.memory_space<hbm>>
      tpu.enqueue_dma source(%dma_start3A_17 : memref<512xi32, #tpu.memory_space<hbm>>) target(%arg7 : memref<512xi32, #tpu.memory_space<vmem>>) target_semaphore(%run_scoped3A : memref<!tpu.dma_semaphore, #tpu.memory_space<semaphore_mem>>)
      %dma_wait3A_18 = tpu.memref_slice %arg3[%mul3A_2] : memref<16384xi32, #tpu.memory_space<hbm>> -> memref<512xi32, #tpu.memory_space<hbm>>
      %dma_wait3A_19 = tpu.memref_slice %arg3[%mul3A_2] : memref<16384xi32, #tpu.memory_space<hbm>> -> memref<512xi32, #tpu.memory_space<hbm>>
      tpu.wait_dma2 semaphore(%run_scoped3A : memref<!tpu.dma_semaphore, #tpu.memory_space<semaphore_mem>>) src(%dma_wait3A_19 : memref<512xi32, #tpu.memory_space<hbm>>) dst(%arg7 : memref<512xi32, #tpu.memory_space<vmem>>)
      tpu.yield
    }) : () -> ()
    %dma_start3A = arith.constant 0 : i32
    %dma_start3A_3 = arith.constant 0 : i32
    %dma_start3A_4 = tpu.memref_slice %arg2[%dma_start3A, %dma_start3A_3] : memref<8192x32xf32, #tpu.memory_space<hbm>> -> memref<8192x32xf32, #tpu.memory_space<hbm>>
    tpu.enqueue_indirect_dma source(%dma_start3A_4 : memref<8192x32xf32, #tpu.memory_space<hbm>>) target(%arg8 : memref<512x32xf32, #tpu.memory_space<vmem>>) offsets(%arg7 : memref<512xi32, #tpu.memory_space<vmem>>) semaphore(%arg11 : memref<!tpu.dma_semaphore, #tpu.memory_space<semaphore_mem>>)
    "tpu.region"() ({
      %run_scoped3A = tpu.sem_alloc : memref<!tpu.dma_semaphore, #tpu.memory_space<semaphore_mem>>
      %dma_start3A_16 = arith.constant 0 : i32
      %dma_start3A_17 = tpu.memref_slice %arg4[%mul3A_2, %dma_start3A_16] : memref<16384x32xf32, #tpu.memory_space<hbm>> -> memref<512x32xf32, #tpu.memory_space<hbm>>
      %dma_start3A_18 = arith.constant 0 : i32
      %dma_start3A_19 = tpu.memref_slice %arg4[%mul3A_2, %dma_start3A_18] : memref<16384x32xf32, #tpu.memory_space<hbm>> -> memref<512x32xf32, #tpu.memory_space<hbm>>
      tpu.enqueue_dma source(%dma_start3A_19 : memref<512x32xf32, #tpu.memory_space<hbm>>) target(%arg9 : memref<512x32xf32, #tpu.memory_space<vmem>>) target_semaphore(%run_scoped3A : memref<!tpu.dma_semaphore, #tpu.memory_space<semaphore_mem>>)
      %dma_wait3A_20 = arith.constant 0 : i32
      %dma_wait3A_21 = tpu.memref_slice %arg4[%mul3A_2, %dma_wait3A_20] : memref<16384x32xf32, #tpu.memory_space<hbm>> -> memref<512x32xf32, #tpu.memory_space<hbm>>
      %dma_wait3A_22 = arith.constant 0 : i32
      %dma_wait3A_23 = tpu.memref_slice %arg4[%mul3A_2, %dma_wait3A_22] : memref<16384x32xf32, #tpu.memory_space<hbm>> -> memref<512x32xf32, #tpu.memory_space<hbm>>
      tpu.wait_dma2 semaphore(%run_scoped3A : memref<!tpu.dma_semaphore, #tpu.memory_space<semaphore_mem>>) src(%dma_wait3A_23 : memref<512x32xf32, #tpu.memory_space<hbm>>) dst(%arg9 : memref<512x32xf32, #tpu.memory_space<vmem>>)
      tpu.yield
    }) : () -> ()
    %dma_wait3A = arith.constant 0 : i32
    %dma_wait3A_5 = arith.constant 0 : i32
    %dma_wait3A_6 = tpu.memref_slice %arg2[%dma_wait3A, %dma_wait3A_5] : memref<8192x32xf32, #tpu.memory_space<hbm>> -> memref<8192x32xf32, #tpu.memory_space<hbm>>
    tpu.wait_indirect_dma semaphore(%arg11 : memref<!tpu.dma_semaphore, #tpu.memory_space<semaphore_mem>>) src(%dma_wait3A_6 : memref<8192x32xf32, #tpu.memory_space<hbm>>) dst(%arg8 : memref<512x32xf32, #tpu.memory_space<vmem>>)
    %broadcast_in_dim3A = arith.constant 0.000000e+00 : f32
    %broadcast_in_dim3A_7 = vector.broadcast %broadcast_in_dim3A : f32 to vector<16xf32>
    %scan3A = arith.constant 0 : i32
    %scan3A_8 = arith.constant 512 : i32
    %scan3A_9 = arith.addi %scan3A, %scan3A_8 : i32
    %scan3A_10 = arith.constant 1 : i32
    %scan3A_11 = scf.for %scan3A_16 = %scan3A to %scan3A_9 step %scan3A_10 iter_args(%scan3A_17 = %broadcast_in_dim3A_7) -> (vector<16xf32>)  : i32 {
      %get3A = arith.index_cast %scan3A_16 : i32 to index
      %get3A_18 = arith.constant 0 : index
      %get3A_19 = tpu.vector_load %arg8[%get3A, %get3A_18] {strides = array<i32>} : memref<512x32xf32, #tpu.memory_space<vmem>>, vector<1x16xf32>,
      %get3A_20 = vector.shape_cast %get3A_19 : vector<1x16xf32> to vector<16xf32>
      %get3A_21 = arith.index_cast %scan3A_16 : i32 to index
      %get3A_22 = arith.constant 0 : index
      %get3A_23 = tpu.vector_load %arg9[%get3A_21, %get3A_22] {strides = array<i32>} : memref<512x32xf32, #tpu.memory_space<vmem>>, vector<1x16xf32>,
      %get3A_24 = vector.shape_cast %get3A_23 : vector<1x16xf32> to vector<16xf32>
      %sub3A = arith.subf %get3A_20, %get3A_24 : vector<16xf32>
      %mul3A_25 = arith.mulf %sub3A, %sub3A : vector<16xf32>
      %add3A_26 = arith.addf %scan3A_17, %mul3A_25 : vector<16xf32>
      %add3A_27 = arith.addf %get3A_24, %sub3A : vector<16xf32>
      %sub3A_28 = arith.subf %get3A_24, %add3A_27 : vector<16xf32>
      %swap3A_29 = arith.index_cast %scan3A_16 : i32 to index
      %swap3A_30 = arith.constant 0 : index
      %swap3A_31 = tpu.vector_load %arg9[%swap3A_29, %swap3A_30] {strides = array<i32>} : memref<512x32xf32, #tpu.memory_space<vmem>>, vector<1x16xf32>,
      %swap3A_32 = vector.shape_cast %swap3A_31 : vector<1x16xf32> to vector<16xf32>
      %swap3A_33 = vector.shape_cast %sub3A_28 : vector<16xf32> to vector<1x16xf32>
      tpu.vector_store %arg9[%swap3A_29, %swap3A_30], %swap3A_33 {strides = array<i32>} : memref<512x32xf32, #tpu.memory_space<vmem>>, vector<1x16xf32>,
      %get3A_34 = arith.index_cast %scan3A_16 : i32 to index
      %get3A_35 = arith.constant 16 : index
      %get3A_36 = tpu.vector_load %arg8[%get3A_34, %get3A_35] {strides = array<i32>} : memref<512x32xf32, #tpu.memory_space<vmem>>, vector<1x16xf32>,
      %get3A_37 = vector.shape_cast %get3A_36 : vector<1x16xf32> to vector<16xf32>
      %get3A_38 = arith.index_cast %scan3A_16 : i32 to index
      %get3A_39 = arith.constant 16 : index
      %get3A_40 = tpu.vector_load %arg9[%get3A_38, %get3A_39] {strides = array<i32>} : memref<512x32xf32, #tpu.memory_space<vmem>>, vector<1x16xf32>,
      %get3A_41 = vector.shape_cast %get3A_40 : vector<1x16xf32> to vector<16xf32>
      %sub3A_42 = arith.subf %get3A_37, %get3A_41 : vector<16xf32>
      %mul3A_43 = arith.mulf %sub3A_42, %sub3A_42 : vector<16xf32>
      %add3A_44 = arith.addf %add3A_26, %mul3A_43 : vector<16xf32>
      %add3A_45 = arith.addf %get3A_41, %sub3A_42 : vector<16xf32>
      %sub3A_46 = arith.subf %get3A_41, %add3A_45 : vector<16xf32>
      %swap3A_47 = arith.index_cast %scan3A_16 : i32 to index
      %swap3A_48 = arith.constant 16 : index
      %swap3A_49 = tpu.vector_load %arg9[%swap3A_47, %swap3A_48] {strides = array<i32>} : memref<512x32xf32, #tpu.memory_space<vmem>>, vector<1x16xf32>,
      %swap3A_50 = vector.shape_cast %swap3A_49 : vector<1x16xf32> to vector<16xf32>
      %swap3A_51 = vector.shape_cast %sub3A_46 : vector<16xf32> to vector<1x16xf32>
      tpu.vector_store %arg9[%swap3A_47, %swap3A_48], %swap3A_51 {strides = array<i32>} : memref<512x32xf32, #tpu.memory_space<vmem>>, vector<1x16xf32>,
      scf.yield %add3A_44 : vector<16xf32>
    }
    %scan3A_12 = arith.constant 512 : i32
    %swap3A = arith.constant 0 : index
    %swap3A_13 = tpu.vector_load %arg10[%swap3A] {strides = array<i32>} : memref<16xf32, #tpu.memory_space<vmem>>, vector<16xf32>,
    %swap3A_14 = vector.shape_cast %swap3A_13 : vector<16xf32> to vector<16xf32>
    %swap3A_15 = vector.shape_cast %scan3A_11 : vector<16xf32> to vector<16xf32>
    tpu.vector_store %arg10[%swap3A], %swap3A_15 {strides = array<i32>} : memref<16xf32, #tpu.memory_space<vmem>>, vector<16xf32>,
    "tpu.region"() ({
      %run_scoped3A = tpu.sem_alloc : memref<!tpu.dma_semaphore, #tpu.memory_space<semaphore_mem>>
      %dma_start3A_16 = arith.constant 0 : i32
      %dma_start3A_17 = tpu.memref_slice %arg5[%mul3A_2, %dma_start3A_16] : memref<16384x32xf32, #tpu.memory_space<hbm>> -> memref<512x32xf32, #tpu.memory_space<hbm>>
      %dma_start3A_18 = arith.constant 0 : i32
      %dma_start3A_19 = tpu.memref_slice %arg5[%mul3A_2, %dma_start3A_18] : memref<16384x32xf32, #tpu.memory_space<hbm>> -> memref<512x32xf32, #tpu.memory_space<hbm>>
      tpu.enqueue_dma source(%arg9 : memref<512x32xf32, #tpu.memory_space<vmem>>) target(%dma_start3A_19 : memref<512x32xf32, #tpu.memory_space<hbm>>) target_semaphore(%run_scoped3A : memref<!tpu.dma_semaphore, #tpu.memory_space<semaphore_mem>>)
      %dma_wait3A_20 = arith.constant 0 : i32
      %dma_wait3A_21 = tpu.memref_slice %arg5[%mul3A_2, %dma_wait3A_20] : memref<16384x32xf32, #tpu.memory_space<hbm>> -> memref<512x32xf32, #tpu.memory_space<hbm>>
      %dma_wait3A_22 = arith.constant 0 : i32
      %dma_wait3A_23 = tpu.memref_slice %arg5[%mul3A_2, %dma_wait3A_22] : memref<16384x32xf32, #tpu.memory_space<hbm>> -> memref<512x32xf32, #tpu.memory_space<hbm>>
      tpu.wait_dma2 semaphore(%run_scoped3A : memref<!tpu.dma_semaphore, #tpu.memory_space<semaphore_mem>>) src(%arg9 : memref<512x32xf32, #tpu.memory_space<vmem>>) dst(%dma_wait3A_23 : memref<512x32xf32, #tpu.memory_space<hbm>>)
      tpu.yield
    }) : () -> ()
    "tpu.region"() ({
      %run_scoped3A = tpu.sem_alloc : memref<!tpu.dma_semaphore, #tpu.memory_space<semaphore_mem>>
      %dma_start3A_16 = arith.constant 0 : i32
      %dma_start3A_17 = tpu.memref_slice %arg6[%add3A, %dma_start3A_16] : memref<32x16xf32, #tpu.memory_space<hbm>> -> memref<1x16xf32, #tpu.memory_space<hbm>>
      %dma_start3A_18 = tpu.memref_squeeze %dma_start3A_17 : memref<1x16xf32, #tpu.memory_space<hbm>> -> memref<16xf32, #tpu.memory_space<hbm>>
      %dma_start3A_19 = arith.constant 0 : i32
      %dma_start3A_20 = tpu.memref_slice %arg6[%add3A, %dma_start3A_19] : memref<32x16xf32, #tpu.memory_space<hbm>> -> memref<1x16xf32, #tpu.memory_space<hbm>>
      %dma_start3A_21 = tpu.memref_squeeze %dma_start3A_20 : memref<1x16xf32, #tpu.memory_space<hbm>> -> memref<16xf32, #tpu.memory_space<hbm>>
      tpu.enqueue_dma source(%arg10 : memref<16xf32, #tpu.memory_space<vmem>>) target(%dma_start3A_21 : memref<16xf32, #tpu.memory_space<hbm>>) target_semaphore(%run_scoped3A : memref<!tpu.dma_semaphore, #tpu.memory_space<semaphore_mem>>)
      %dma_wait3A_22 = arith.constant 0 : i32
      %dma_wait3A_23 = tpu.memref_slice %arg6[%add3A, %dma_wait3A_22] : memref<32x16xf32, #tpu.memory_space<hbm>> -> memref<1x16xf32, #tpu.memory_space<hbm>>
      %dma_wait3A_24 = tpu.memref_squeeze %dma_wait3A_23 : memref<1x16xf32, #tpu.memory_space<hbm>> -> memref<16xf32, #tpu.memory_space<hbm>>
      %dma_wait3A_25 = arith.constant 0 : i32
      %dma_wait3A_26 = tpu.memref_slice %arg6[%add3A, %dma_wait3A_25] : memref<32x16xf32, #tpu.memory_space<hbm>> -> memref<1x16xf32, #tpu.memory_space<hbm>>
      %dma_wait3A_27 = tpu.memref_squeeze %dma_wait3A_26 : memref<1x16xf32, #tpu.memory_space<hbm>> -> memref<16xf32, #tpu.memory_space<hbm>>
      tpu.wait_dma2 semaphore(%run_scoped3A : memref<!tpu.dma_semaphore, #tpu.memory_space<semaphore_mem>>) src(%arg10 : memref<16xf32, #tpu.memory_space<vmem>>) dst(%dma_wait3A_27 : memref<16xf32, #tpu.memory_space<hbm>>)
      tpu.yield
    }) : () -> ()
    return
  }
}

#map = affine_map<(d0, d1) -> (0, 0)>
#map1 = affine_map<(d0, d1) -> (0)>
module attributes {stable_mosaic.version = 14 : i64} {
  func.func @k(%arg0: i32, %arg1: i32, %arg2: memref<8192x32xf32, #tpu.memory_space<hbm>>, %arg3: memref<16384xi32, #tpu.memory_space<hbm>>, %arg4: memref<16384x32xf32, #tpu.memory_space<hbm>>, %arg5: memref<16384x32xf32, #tpu.memory_space<hbm>>, %arg6: memref<32x16xf32, #tpu.memory_space<hbm>>, %arg7: memref<512xi32, #tpu.memory_space<vmem>>, %arg8: memref<512x32xf32, #tpu.memory_space<vmem>>, %arg9: memref<512x32xf32, #tpu.memory_space<vmem>>, %arg10: memref<16xf32, #tpu.memory_space<vmem>>, %arg11: memref<!tpu.dma_semaphore, #tpu.memory_space<semaphore_mem>>) attributes {dimension_semantics = [#tpu.dimension_semantics<core_parallel>, #tpu.dimension_semantics<subcore_parallel>], iteration_bounds = array<i64: 2, 16>, scalar_prefetch = 0 : i64, scratch_operands = 5 : i64, tpu.core_type = #tpu.core_type<sc_vector_subcore>, window_params = [{transform_indices = #map}, {transform_indices = #map1}, {transform_indices = #map}, {transform_indices = #map}, {transform_indices = #map}]} {
    %mul3A = arith.constant 2 : i32
    %mul3A_0 = arith.muli %arg1, %mul3A : i32
    %add3A = arith.addi %mul3A_0, %arg0 : i32
    %mul3A_1 = arith.constant 512 : i32
    %mul3A_2 = arith.muli %add3A, %mul3A_1 : i32
    "tpu.region"() ({
      %run_scoped3A = tpu.sem_alloc : memref<!tpu.dma_semaphore, #tpu.memory_space<semaphore_mem>>
      %dma_start3A_16 = tpu.memref_slice %arg3[%mul3A_2] : memref<16384xi32, #tpu.memory_space<hbm>> -> memref<512xi32, #tpu.memory_space<hbm>>
      %dma_start3A_17 = tpu.memref_slice %arg3[%mul3A_2] : memref<16384xi32, #tpu.memory_space<hbm>> -> memref<512xi32, #tpu.memory_space<hbm>>
      tpu.enqueue_dma source(%dma_start3A_17 : memref<512xi32, #tpu.memory_space<hbm>>) target(%arg7 : memref<512xi32, #tpu.memory_space<vmem>>) target_semaphore(%run_scoped3A : memref<!tpu.dma_semaphore, #tpu.memory_space<semaphore_mem>>)
      %dma_wait3A_18 = tpu.memref_slice %arg3[%mul3A_2] : memref<16384xi32, #tpu.memory_space<hbm>> -> memref<512xi32, #tpu.memory_space<hbm>>
      %dma_wait3A_19 = tpu.memref_slice %arg3[%mul3A_2] : memref<16384xi32, #tpu.memory_space<hbm>> -> memref<512xi32, #tpu.memory_space<hbm>>
      tpu.wait_dma2 semaphore(%run_scoped3A : memref<!tpu.dma_semaphore, #tpu.memory_space<semaphore_mem>>) src(%dma_wait3A_19 : memref<512xi32, #tpu.memory_space<hbm>>) dst(%arg7 : memref<512xi32, #tpu.memory_space<vmem>>)
      tpu.yield
    }) : () -> ()
    %dma_start3A = arith.constant 0 : i32
    %dma_start3A_3 = arith.constant 0 : i32
    %dma_start3A_4 = tpu.memref_slice %arg2[%dma_start3A, %dma_start3A_3] : memref<8192x32xf32, #tpu.memory_space<hbm>> -> memref<8192x32xf32, #tpu.memory_space<hbm>>
    tpu.enqueue_indirect_dma source(%dma_start3A_4 : memref<8192x32xf32, #tpu.memory_space<hbm>>) target(%arg8 : memref<512x32xf32, #tpu.memory_space<vmem>>) offsets(%arg7 : memref<512xi32, #tpu.memory_space<vmem>>) semaphore(%arg11 : memref<!tpu.dma_semaphore, #tpu.memory_space<semaphore_mem>>)
    "tpu.region"() ({
      %run_scoped3A = tpu.sem_alloc : memref<!tpu.dma_semaphore, #tpu.memory_space<semaphore_mem>>
      %dma_start3A_16 = arith.constant 0 : i32
      %dma_start3A_17 = tpu.memref_slice %arg4[%mul3A_2, %dma_start3A_16] : memref<16384x32xf32, #tpu.memory_space<hbm>> -> memref<512x32xf32, #tpu.memory_space<hbm>>
      %dma_start3A_18 = arith.constant 0 : i32
      %dma_start3A_19 = tpu.memref_slice %arg4[%mul3A_2, %dma_start3A_18] : memref<16384x32xf32, #tpu.memory_space<hbm>> -> memref<512x32xf32, #tpu.memory_space<hbm>>
      tpu.enqueue_dma source(%dma_start3A_19 : memref<512x32xf32, #tpu.memory_space<hbm>>) target(%arg9 : memref<512x32xf32, #tpu.memory_space<vmem>>) target_semaphore(%run_scoped3A : memref<!tpu.dma_semaphore, #tpu.memory_space<semaphore_mem>>)
      %dma_wait3A_20 = arith.constant 0 : i32
      %dma_wait3A_21 = tpu.memref_slice %arg4[%mul3A_2, %dma_wait3A_20] : memref<16384x32xf32, #tpu.memory_space<hbm>> -> memref<512x32xf32, #tpu.memory_space<hbm>>
      %dma_wait3A_22 = arith.constant 0 : i32
      %dma_wait3A_23 = tpu.memref_slice %arg4[%mul3A_2, %dma_wait3A_22] : memref<16384x32xf32, #tpu.memory_space<hbm>> -> memref<512x32xf32, #tpu.memory_space<hbm>>
      tpu.wait_dma2 semaphore(%run_scoped3A : memref<!tpu.dma_semaphore, #tpu.memory_space<semaphore_mem>>) src(%dma_wait3A_23 : memref<512x32xf32, #tpu.memory_space<hbm>>) dst(%arg9 : memref<512x32xf32, #tpu.memory_space<vmem>>)
      tpu.yield
    }) : () -> ()
    %dma_wait3A = arith.constant 0 : i32
    %dma_wait3A_5 = arith.constant 0 : i32
    %dma_wait3A_6 = tpu.memref_slice %arg2[%dma_wait3A, %dma_wait3A_5] : memref<8192x32xf32, #tpu.memory_space<hbm>> -> memref<8192x32xf32, #tpu.memory_space<hbm>>
    tpu.wait_indirect_dma semaphore(%arg11 : memref<!tpu.dma_semaphore, #tpu.memory_space<semaphore_mem>>) src(%dma_wait3A_6 : memref<8192x32xf32, #tpu.memory_space<hbm>>) dst(%arg8 : memref<512x32xf32, #tpu.memory_space<vmem>>)
    %broadcast_in_dim3A = arith.constant 0.000000e+00 : f32
    %broadcast_in_dim3A_7 = vector.broadcast %broadcast_in_dim3A : f32 to vector<16xf32>
    %scan3A = arith.constant 0 : i32
    %scan3A_8 = arith.constant 512 : i32
    %scan3A_9 = arith.addi %scan3A, %scan3A_8 : i32
    %scan3A_10 = arith.constant 1 : i32
    %scan3A_11 = scf.for %scan3A_16 = %scan3A to %scan3A_9 step %scan3A_10 iter_args(%scan3A_17 = %broadcast_in_dim3A_7) -> (vector<16xf32>)  : i32 {
      %get3A = arith.index_cast %scan3A_16 : i32 to index
      %get3A_18 = arith.constant 0 : index
      %get3A_19 = tpu.vector_load %arg8[%get3A, %get3A_18] {strides = array<i32>} : memref<512x32xf32, #tpu.memory_space<vmem>>, vector<1x16xf32>,
      %get3A_20 = vector.shape_cast %get3A_19 : vector<1x16xf32> to vector<16xf32>
      %get3A_21 = arith.index_cast %scan3A_16 : i32 to index
      %get3A_22 = arith.constant 0 : index
      %get3A_23 = tpu.vector_load %arg9[%get3A_21, %get3A_22] {strides = array<i32>} : memref<512x32xf32, #tpu.memory_space<vmem>>, vector<1x16xf32>,
      %get3A_24 = vector.shape_cast %get3A_23 : vector<1x16xf32> to vector<16xf32>
      %sub3A = arith.subf %get3A_20, %get3A_24 : vector<16xf32>
      %mul3A_25 = arith.mulf %sub3A, %sub3A : vector<16xf32>
      %add3A_26 = arith.addf %scan3A_17, %mul3A_25 : vector<16xf32>
      %add3A_27 = arith.addf %get3A_24, %sub3A : vector<16xf32>
      %sub3A_28 = arith.subf %get3A_24, %add3A_27 : vector<16xf32>
      %swap3A_29 = arith.index_cast %scan3A_16 : i32 to index
      %swap3A_30 = arith.constant 0 : index
      %swap3A_31 = tpu.vector_load %arg9[%swap3A_29, %swap3A_30] {strides = array<i32>} : memref<512x32xf32, #tpu.memory_space<vmem>>, vector<1x16xf32>,
      %swap3A_32 = vector.shape_cast %swap3A_31 : vector<1x16xf32> to vector<16xf32>
      %swap3A_33 = vector.shape_cast %sub3A_28 : vector<16xf32> to vector<1x16xf32>
      tpu.vector_store %arg9[%swap3A_29, %swap3A_30], %swap3A_33 {strides = array<i32>} : memref<512x32xf32, #tpu.memory_space<vmem>>, vector<1x16xf32>,
      %get3A_34 = arith.index_cast %scan3A_16 : i32 to index
      %get3A_35 = arith.constant 16 : index
      %get3A_36 = tpu.vector_load %arg8[%get3A_34, %get3A_35] {strides = array<i32>} : memref<512x32xf32, #tpu.memory_space<vmem>>, vector<1x16xf32>,
      %get3A_37 = vector.shape_cast %get3A_36 : vector<1x16xf32> to vector<16xf32>
      %get3A_38 = arith.index_cast %scan3A_16 : i32 to index
      %get3A_39 = arith.constant 16 : index
      %get3A_40 = tpu.vector_load %arg9[%get3A_38, %get3A_39] {strides = array<i32>} : memref<512x32xf32, #tpu.memory_space<vmem>>, vector<1x16xf32>,
      %get3A_41 = vector.shape_cast %get3A_40 : vector<1x16xf32> to vector<16xf32>
      %sub3A_42 = arith.subf %get3A_37, %get3A_41 : vector<16xf32>
      %mul3A_43 = arith.mulf %sub3A_42, %sub3A_42 : vector<16xf32>
      %add3A_44 = arith.addf %add3A_26, %mul3A_43 : vector<16xf32>
      %add3A_45 = arith.addf %get3A_41, %sub3A_42 : vector<16xf32>
      %sub3A_46 = arith.subf %get3A_41, %add3A_45 : vector<16xf32>
      %swap3A_47 = arith.index_cast %scan3A_16 : i32 to index
      %swap3A_48 = arith.constant 16 : index
      %swap3A_49 = tpu.vector_load %arg9[%swap3A_47, %swap3A_48] {strides = array<i32>} : memref<512x32xf32, #tpu.memory_space<vmem>>, vector<1x16xf32>,
      %swap3A_50 = vector.shape_cast %swap3A_49 : vector<1x16xf32> to vector<16xf32>
      %swap3A_51 = vector.shape_cast %sub3A_46 : vector<16xf32> to vector<1x16xf32>
      tpu.vector_store %arg9[%swap3A_47, %swap3A_48], %swap3A_51 {strides = array<i32>} : memref<512x32xf32, #tpu.memory_space<vmem>>, vector<1x16xf32>,
      scf.yield %add3A_44 : vector<16xf32>
    }
    %scan3A_12 = arith.constant 512 : i32
    %swap3A = arith.constant 0 : index
    %swap3A_13 = tpu.vector_load %arg10[%swap3A] {strides = array<i32>} : memref<16xf32, #tpu.memory_space<vmem>>, vector<16xf32>,
    %swap3A_14 = vector.shape_cast %swap3A_13 : vector<16xf32> to vector<16xf32>
    %swap3A_15 = vector.shape_cast %scan3A_11 : vector<16xf32> to vector<16xf32>
    tpu.vector_store %arg10[%swap3A], %swap3A_15 {strides = array<i32>} : memref<16xf32, #tpu.memory_space<vmem>>, vector<16xf32>,
    "tpu.region"() ({
      %run_scoped3A = tpu.sem_alloc : memref<!tpu.dma_semaphore, #tpu.memory_space<semaphore_mem>>
      %dma_start3A_16 = arith.constant 0 : i32
      %dma_start3A_17 = tpu.memref_slice %arg5[%mul3A_2, %dma_start3A_16] : memref<16384x32xf32, #tpu.memory_space<hbm>> -> memref<512x32xf32, #tpu.memory_space<hbm>>
      %dma_start3A_18 = arith.constant 0 : i32
      %dma_start3A_19 = tpu.memref_slice %arg5[%mul3A_2, %dma_start3A_18] : memref<16384x32xf32, #tpu.memory_space<hbm>> -> memref<512x32xf32, #tpu.memory_space<hbm>>
      tpu.enqueue_dma source(%arg9 : memref<512x32xf32, #tpu.memory_space<vmem>>) target(%dma_start3A_19 : memref<512x32xf32, #tpu.memory_space<hbm>>) target_semaphore(%run_scoped3A : memref<!tpu.dma_semaphore, #tpu.memory_space<semaphore_mem>>)
      %dma_wait3A_20 = arith.constant 0 : i32
      %dma_wait3A_21 = tpu.memref_slice %arg5[%mul3A_2, %dma_wait3A_20] : memref<16384x32xf32, #tpu.memory_space<hbm>> -> memref<512x32xf32, #tpu.memory_space<hbm>>
      %dma_wait3A_22 = arith.constant 0 : i32
      %dma_wait3A_23 = tpu.memref_slice %arg5[%mul3A_2, %dma_wait3A_22] : memref<16384x32xf32, #tpu.memory_space<hbm>> -> memref<512x32xf32, #tpu.memory_space<hbm>>
      tpu.wait_dma2 semaphore(%run_scoped3A : memref<!tpu.dma_semaphore, #tpu.memory_space<semaphore_mem>>) src(%arg9 : memref<512x32xf32, #tpu.memory_space<vmem>>) dst(%dma_wait3A_23 : memref<512x32xf32, #tpu.memory_space<hbm>>)
      tpu.yield
    }) : () -> ()
    "tpu.region"() ({
      %run_scoped3A = tpu.sem_alloc : memref<!tpu.dma_semaphore, #tpu.memory_space<semaphore_mem>>
      %dma_start3A_16 = arith.constant 0 : i32
      %dma_start3A_17 = tpu.memref_slice %arg6[%add3A, %dma_start3A_16] : memref<32x16xf32, #tpu.memory_space<hbm>> -> memref<1x16xf32, #tpu.memory_space<hbm>>
      %dma_start3A_18 = tpu.memref_squeeze %dma_start3A_17 : memref<1x16xf32, #tpu.memory_space<hbm>> -> memref<16xf32, #tpu.memory_space<hbm>>
      %dma_start3A_19 = arith.constant 0 : i32
      %dma_start3A_20 = tpu.memref_slice %arg6[%add3A, %dma_start3A_19] : memref<32x16xf32, #tpu.memory_space<hbm>> -> memref<1x16xf32, #tpu.memory_space<hbm>>
      %dma_start3A_21 = tpu.memref_squeeze %dma_start3A_20 : memref<1x16xf32, #tpu.memory_space<hbm>> -> memref<16xf32, #tpu.memory_space<hbm>>
      tpu.enqueue_dma source(%arg10 : memref<16xf32, #tpu.memory_space<vmem>>) target(%dma_start3A_21 : memref<16xf32, #tpu.memory_space<hbm>>) target_semaphore(%run_scoped3A : memref<!tpu.dma_semaphore, #tpu.memory_space<semaphore_mem>>)
      %dma_wait3A_22 = arith.constant 0 : i32
      %dma_wait3A_23 = tpu.memref_slice %arg6[%add3A, %dma_wait3A_22] : memref<32x16xf32, #tpu.memory_space<hbm>> -> memref<1x16xf32, #tpu.memory_space<hbm>>
      %dma_wait3A_24 = tpu.memref_squeeze %dma_wait3A_23 : memref<1x16xf32, #tpu.memory_space<hbm>> -> memref<16xf32, #tpu.memory_space<hbm>>
      %dma_wait3A_25 = arith.constant 0 : i32
      %dma_wait3A_26 = tpu.memref_slice %arg6[%add3A, %dma_wait3A_25] : memref<32x16xf32, #tpu.memory_space<hbm>> -> memref<1x16xf32, #tpu.memory_space<hbm>>
      %dma_wait3A_27 = tpu.memref_squeeze %dma_wait3A_26 : memref<1x16xf32, #tpu.memory_space<hbm>> -> memref<16xf32, #tpu.memory_space<hbm>>
      tpu.wait_dma2 semaphore(%run_scoped3A : memref<!tpu.dma_semaphore, #tpu.memory_space<semaphore_mem>>) src(%arg10 : memref<16xf32, #tpu.memory_space<vmem>>) dst(%dma_wait3A_27 : memref<16xf32, #tpu.memory_space<hbm>>)
      tpu.yield
    }) : () -> ()
    return
  }
}

#map = affine_map<(d0, d1) -> (0, 0)>
#map1 = affine_map<(d0, d1) -> (0)>
module attributes {stable_mosaic.version = 14 : i64} {
  func.func @k(%arg0: i32, %arg1: i32, %arg2: memref<8192x32xf32, #tpu.memory_space<hbm>>, %arg3: memref<16384xi32, #tpu.memory_space<hbm>>, %arg4: memref<16384x32xf32, #tpu.memory_space<hbm>>, %arg5: memref<16384x32xf32, #tpu.memory_space<hbm>>, %arg6: memref<32x16xf32, #tpu.memory_space<hbm>>, %arg7: memref<512xi32, #tpu.memory_space<vmem>>, %arg8: memref<512x32xf32, #tpu.memory_space<vmem>>, %arg9: memref<512x32xf32, #tpu.memory_space<vmem>>, %arg10: memref<16xf32, #tpu.memory_space<vmem>>, %arg11: memref<!tpu.dma_semaphore, #tpu.memory_space<semaphore_mem>>) attributes {dimension_semantics = [#tpu.dimension_semantics<core_parallel>, #tpu.dimension_semantics<subcore_parallel>], iteration_bounds = array<i64: 2, 16>, scalar_prefetch = 0 : i64, scratch_operands = 5 : i64, tpu.core_type = #tpu.core_type<sc_vector_subcore>, window_params = [{transform_indices = #map}, {transform_indices = #map1}, {transform_indices = #map}, {transform_indices = #map}, {transform_indices = #map}]} {
    %mul3A = arith.constant 2 : i32
    %mul3A_0 = arith.muli %arg1, %mul3A : i32
    %add3A = arith.addi %mul3A_0, %arg0 : i32
    %mul3A_1 = arith.constant 512 : i32
    %mul3A_2 = arith.muli %add3A, %mul3A_1 : i32
    "tpu.region"() ({
      %run_scoped3A = tpu.sem_alloc : memref<!tpu.dma_semaphore, #tpu.memory_space<semaphore_mem>>
      %dma_start3A_16 = tpu.memref_slice %arg3[%mul3A_2] : memref<16384xi32, #tpu.memory_space<hbm>> -> memref<512xi32, #tpu.memory_space<hbm>>
      %dma_start3A_17 = tpu.memref_slice %arg3[%mul3A_2] : memref<16384xi32, #tpu.memory_space<hbm>> -> memref<512xi32, #tpu.memory_space<hbm>>
      tpu.enqueue_dma source(%dma_start3A_17 : memref<512xi32, #tpu.memory_space<hbm>>) target(%arg7 : memref<512xi32, #tpu.memory_space<vmem>>) target_semaphore(%run_scoped3A : memref<!tpu.dma_semaphore, #tpu.memory_space<semaphore_mem>>)
      %dma_wait3A_18 = tpu.memref_slice %arg3[%mul3A_2] : memref<16384xi32, #tpu.memory_space<hbm>> -> memref<512xi32, #tpu.memory_space<hbm>>
      %dma_wait3A_19 = tpu.memref_slice %arg3[%mul3A_2] : memref<16384xi32, #tpu.memory_space<hbm>> -> memref<512xi32, #tpu.memory_space<hbm>>
      tpu.wait_dma2 semaphore(%run_scoped3A : memref<!tpu.dma_semaphore, #tpu.memory_space<semaphore_mem>>) src(%dma_wait3A_19 : memref<512xi32, #tpu.memory_space<hbm>>) dst(%arg7 : memref<512xi32, #tpu.memory_space<vmem>>)
      tpu.yield
    }) : () -> ()
    %dma_start3A = arith.constant 0 : i32
    %dma_start3A_3 = arith.constant 0 : i32
    %dma_start3A_4 = tpu.memref_slice %arg2[%dma_start3A, %dma_start3A_3] : memref<8192x32xf32, #tpu.memory_space<hbm>> -> memref<8192x32xf32, #tpu.memory_space<hbm>>
    tpu.enqueue_indirect_dma source(%dma_start3A_4 : memref<8192x32xf32, #tpu.memory_space<hbm>>) target(%arg8 : memref<512x32xf32, #tpu.memory_space<vmem>>) offsets(%arg7 : memref<512xi32, #tpu.memory_space<vmem>>) semaphore(%arg11 : memref<!tpu.dma_semaphore, #tpu.memory_space<semaphore_mem>>)
    "tpu.region"() ({
      %run_scoped3A = tpu.sem_alloc : memref<!tpu.dma_semaphore, #tpu.memory_space<semaphore_mem>>
      %dma_start3A_16 = arith.constant 0 : i32
      %dma_start3A_17 = tpu.memref_slice %arg4[%mul3A_2, %dma_start3A_16] : memref<16384x32xf32, #tpu.memory_space<hbm>> -> memref<512x32xf32, #tpu.memory_space<hbm>>
      %dma_start3A_18 = arith.constant 0 : i32
      %dma_start3A_19 = tpu.memref_slice %arg4[%mul3A_2, %dma_start3A_18] : memref<16384x32xf32, #tpu.memory_space<hbm>> -> memref<512x32xf32, #tpu.memory_space<hbm>>
      tpu.enqueue_dma source(%dma_start3A_19 : memref<512x32xf32, #tpu.memory_space<hbm>>) target(%arg9 : memref<512x32xf32, #tpu.memory_space<vmem>>) target_semaphore(%run_scoped3A : memref<!tpu.dma_semaphore, #tpu.memory_space<semaphore_mem>>)
      %dma_wait3A_20 = arith.constant 0 : i32
      %dma_wait3A_21 = tpu.memref_slice %arg4[%mul3A_2, %dma_wait3A_20] : memref<16384x32xf32, #tpu.memory_space<hbm>> -> memref<512x32xf32, #tpu.memory_space<hbm>>
      %dma_wait3A_22 = arith.constant 0 : i32
      %dma_wait3A_23 = tpu.memref_slice %arg4[%mul3A_2, %dma_wait3A_22] : memref<16384x32xf32, #tpu.memory_space<hbm>> -> memref<512x32xf32, #tpu.memory_space<hbm>>
      tpu.wait_dma2 semaphore(%run_scoped3A : memref<!tpu.dma_semaphore, #tpu.memory_space<semaphore_mem>>) src(%dma_wait3A_23 : memref<512x32xf32, #tpu.memory_space<hbm>>) dst(%arg9 : memref<512x32xf32, #tpu.memory_space<vmem>>)
      tpu.yield
    }) : () -> ()
    %dma_wait3A = arith.constant 0 : i32
    %dma_wait3A_5 = arith.constant 0 : i32
    %dma_wait3A_6 = tpu.memref_slice %arg2[%dma_wait3A, %dma_wait3A_5] : memref<8192x32xf32, #tpu.memory_space<hbm>> -> memref<8192x32xf32, #tpu.memory_space<hbm>>
    tpu.wait_indirect_dma semaphore(%arg11 : memref<!tpu.dma_semaphore, #tpu.memory_space<semaphore_mem>>) src(%dma_wait3A_6 : memref<8192x32xf32, #tpu.memory_space<hbm>>) dst(%arg8 : memref<512x32xf32, #tpu.memory_space<vmem>>)
    %broadcast_in_dim3A = arith.constant 0.000000e+00 : f32
    %broadcast_in_dim3A_7 = vector.broadcast %broadcast_in_dim3A : f32 to vector<16xf32>
    %scan3A = arith.constant 0 : i32
    %scan3A_8 = arith.constant 512 : i32
    %scan3A_9 = arith.addi %scan3A, %scan3A_8 : i32
    %scan3A_10 = arith.constant 1 : i32
    %scan3A_11 = scf.for %scan3A_16 = %scan3A to %scan3A_9 step %scan3A_10 iter_args(%scan3A_17 = %broadcast_in_dim3A_7) -> (vector<16xf32>)  : i32 {
      %get3A = arith.index_cast %scan3A_16 : i32 to index
      %get3A_18 = arith.constant 0 : index
      %get3A_19 = tpu.vector_load %arg8[%get3A, %get3A_18] {strides = array<i32>} : memref<512x32xf32, #tpu.memory_space<vmem>>, vector<1x16xf32>,
      %get3A_20 = vector.shape_cast %get3A_19 : vector<1x16xf32> to vector<16xf32>
      %get3A_21 = arith.index_cast %scan3A_16 : i32 to index
      %get3A_22 = arith.constant 0 : index
      %get3A_23 = tpu.vector_load %arg9[%get3A_21, %get3A_22] {strides = array<i32>} : memref<512x32xf32, #tpu.memory_space<vmem>>, vector<1x16xf32>,
      %get3A_24 = vector.shape_cast %get3A_23 : vector<1x16xf32> to vector<16xf32>
      %sub3A = arith.subf %get3A_20, %get3A_24 : vector<16xf32>
      %mul3A_25 = arith.mulf %sub3A, %sub3A : vector<16xf32>
      %add3A_26 = arith.addf %scan3A_17, %mul3A_25 : vector<16xf32>
      %add3A_27 = arith.addf %get3A_24, %sub3A : vector<16xf32>
      %sub3A_28 = arith.subf %get3A_24, %add3A_27 : vector<16xf32>
      %swap3A_29 = arith.index_cast %scan3A_16 : i32 to index
      %swap3A_30 = arith.constant 0 : index
      %swap3A_31 = tpu.vector_load %arg9[%swap3A_29, %swap3A_30] {strides = array<i32>} : memref<512x32xf32, #tpu.memory_space<vmem>>, vector<1x16xf32>,
      %swap3A_32 = vector.shape_cast %swap3A_31 : vector<1x16xf32> to vector<16xf32>
      %swap3A_33 = vector.shape_cast %sub3A_28 : vector<16xf32> to vector<1x16xf32>
      tpu.vector_store %arg9[%swap3A_29, %swap3A_30], %swap3A_33 {strides = array<i32>} : memref<512x32xf32, #tpu.memory_space<vmem>>, vector<1x16xf32>,
      %get3A_34 = arith.index_cast %scan3A_16 : i32 to index
      %get3A_35 = arith.constant 16 : index
      %get3A_36 = tpu.vector_load %arg8[%get3A_34, %get3A_35] {strides = array<i32>} : memref<512x32xf32, #tpu.memory_space<vmem>>, vector<1x16xf32>,
      %get3A_37 = vector.shape_cast %get3A_36 : vector<1x16xf32> to vector<16xf32>
      %get3A_38 = arith.index_cast %scan3A_16 : i32 to index
      %get3A_39 = arith.constant 16 : index
      %get3A_40 = tpu.vector_load %arg9[%get3A_38, %get3A_39] {strides = array<i32>} : memref<512x32xf32, #tpu.memory_space<vmem>>, vector<1x16xf32>,
      %get3A_41 = vector.shape_cast %get3A_40 : vector<1x16xf32> to vector<16xf32>
      %sub3A_42 = arith.subf %get3A_37, %get3A_41 : vector<16xf32>
      %mul3A_43 = arith.mulf %sub3A_42, %sub3A_42 : vector<16xf32>
      %add3A_44 = arith.addf %add3A_26, %mul3A_43 : vector<16xf32>
      %add3A_45 = arith.addf %get3A_41, %sub3A_42 : vector<16xf32>
      %sub3A_46 = arith.subf %get3A_41, %add3A_45 : vector<16xf32>
      %swap3A_47 = arith.index_cast %scan3A_16 : i32 to index
      %swap3A_48 = arith.constant 16 : index
      %swap3A_49 = tpu.vector_load %arg9[%swap3A_47, %swap3A_48] {strides = array<i32>} : memref<512x32xf32, #tpu.memory_space<vmem>>, vector<1x16xf32>,
      %swap3A_50 = vector.shape_cast %swap3A_49 : vector<1x16xf32> to vector<16xf32>
      %swap3A_51 = vector.shape_cast %sub3A_46 : vector<16xf32> to vector<1x16xf32>
      tpu.vector_store %arg9[%swap3A_47, %swap3A_48], %swap3A_51 {strides = array<i32>} : memref<512x32xf32, #tpu.memory_space<vmem>>, vector<1x16xf32>,
      scf.yield %add3A_44 : vector<16xf32>
    }
    %scan3A_12 = arith.constant 512 : i32
    %swap3A = arith.constant 0 : index
    %swap3A_13 = tpu.vector_load %arg10[%swap3A] {strides = array<i32>} : memref<16xf32, #tpu.memory_space<vmem>>, vector<16xf32>,
    %swap3A_14 = vector.shape_cast %swap3A_13 : vector<16xf32> to vector<16xf32>
    %swap3A_15 = vector.shape_cast %scan3A_11 : vector<16xf32> to vector<16xf32>
    tpu.vector_store %arg10[%swap3A], %swap3A_15 {strides = array<i32>} : memref<16xf32, #tpu.memory_space<vmem>>, vector<16xf32>,
    "tpu.region"() ({
      %run_scoped3A = tpu.sem_alloc : memref<!tpu.dma_semaphore, #tpu.memory_space<semaphore_mem>>
      %dma_start3A_16 = arith.constant 0 : i32
      %dma_start3A_17 = tpu.memref_slice %arg5[%mul3A_2, %dma_start3A_16] : memref<16384x32xf32, #tpu.memory_space<hbm>> -> memref<512x32xf32, #tpu.memory_space<hbm>>
      %dma_start3A_18 = arith.constant 0 : i32
      %dma_start3A_19 = tpu.memref_slice %arg5[%mul3A_2, %dma_start3A_18] : memref<16384x32xf32, #tpu.memory_space<hbm>> -> memref<512x32xf32, #tpu.memory_space<hbm>>
      tpu.enqueue_dma source(%arg9 : memref<512x32xf32, #tpu.memory_space<vmem>>) target(%dma_start3A_19 : memref<512x32xf32, #tpu.memory_space<hbm>>) target_semaphore(%run_scoped3A : memref<!tpu.dma_semaphore, #tpu.memory_space<semaphore_mem>>)
      %dma_wait3A_20 = arith.constant 0 : i32
      %dma_wait3A_21 = tpu.memref_slice %arg5[%mul3A_2, %dma_wait3A_20] : memref<16384x32xf32, #tpu.memory_space<hbm>> -> memref<512x32xf32, #tpu.memory_space<hbm>>
      %dma_wait3A_22 = arith.constant 0 : i32
      %dma_wait3A_23 = tpu.memref_slice %arg5[%mul3A_2, %dma_wait3A_22] : memref<16384x32xf32, #tpu.memory_space<hbm>> -> memref<512x32xf32, #tpu.memory_space<hbm>>
      tpu.wait_dma2 semaphore(%run_scoped3A : memref<!tpu.dma_semaphore, #tpu.memory_space<semaphore_mem>>) src(%arg9 : memref<512x32xf32, #tpu.memory_space<vmem>>) dst(%dma_wait3A_23 : memref<512x32xf32, #tpu.memory_space<hbm>>)
      tpu.yield
    }) : () -> ()
    "tpu.region"() ({
      %run_scoped3A = tpu.sem_alloc : memref<!tpu.dma_semaphore, #tpu.memory_space<semaphore_mem>>
      %dma_start3A_16 = arith.constant 0 : i32
      %dma_start3A_17 = tpu.memref_slice %arg6[%add3A, %dma_start3A_16] : memref<32x16xf32, #tpu.memory_space<hbm>> -> memref<1x16xf32, #tpu.memory_space<hbm>>
      %dma_start3A_18 = tpu.memref_squeeze %dma_start3A_17 : memref<1x16xf32, #tpu.memory_space<hbm>> -> memref<16xf32, #tpu.memory_space<hbm>>
      %dma_start3A_19 = arith.constant 0 : i32
      %dma_start3A_20 = tpu.memref_slice %arg6[%add3A, %dma_start3A_19] : memref<32x16xf32, #tpu.memory_space<hbm>> -> memref<1x16xf32, #tpu.memory_space<hbm>>
      %dma_start3A_21 = tpu.memref_squeeze %dma_start3A_20 : memref<1x16xf32, #tpu.memory_space<hbm>> -> memref<16xf32, #tpu.memory_space<hbm>>
      tpu.enqueue_dma source(%arg10 : memref<16xf32, #tpu.memory_space<vmem>>) target(%dma_start3A_21 : memref<16xf32, #tpu.memory_space<hbm>>) target_semaphore(%run_scoped3A : memref<!tpu.dma_semaphore, #tpu.memory_space<semaphore_mem>>)
      %dma_wait3A_22 = arith.constant 0 : i32
      %dma_wait3A_23 = tpu.memref_slice %arg6[%add3A, %dma_wait3A_22] : memref<32x16xf32, #tpu.memory_space<hbm>> -> memref<1x16xf32, #tpu.memory_space<hbm>>
      %dma_wait3A_24 = tpu.memref_squeeze %dma_wait3A_23 : memref<1x16xf32, #tpu.memory_space<hbm>> -> memref<16xf32, #tpu.memory_space<hbm>>
      %dma_wait3A_25 = arith.constant 0 : i32
      %dma_wait3A_26 = tpu.memref_slice %arg6[%add3A, %dma_wait3A_25] : memref<32x16xf32, #tpu.memory_space<hbm>> -> memref<1x16xf32, #tpu.memory_space<hbm>>
      %dma_wait3A_27 = tpu.memref_squeeze %dma_wait3A_26 : memref<1x16xf32, #tpu.memory_space<hbm>> -> memref<16xf32, #tpu.memory_space<hbm>>
      tpu.wait_dma2 semaphore(%run_scoped3A : memref<!tpu.dma_semaphore, #tpu.memory_space<semaphore_mem>>) src(%arg10 : memref<16xf32, #tpu.memory_space<vmem>>) dst(%dma_wait3A_27 : memref<16xf32, #tpu.memory_space<hbm>>)
      tpu.yield
    }) : () -> ()
    return
  }
}

#map = affine_map<(d0, d1) -> (0, 0)>
#map1 = affine_map<(d0, d1) -> (0)>
module attributes {stable_mosaic.version = 14 : i64} {
  func.func @kl(%arg0: i32, %arg1: i32, %arg2: memref<8192x32xf32, #tpu.memory_space<hbm>>, %arg3: memref<16384xi32, #tpu.memory_space<hbm>>, %arg4: memref<16384x32xf32, #tpu.memory_space<hbm>>, %arg5: memref<16384x32xf32, #tpu.memory_space<hbm>>, %arg6: memref<16384x32xf32, #tpu.memory_space<hbm>>, %arg7: memref<32x16xf32, #tpu.memory_space<hbm>>, %arg8: memref<512xi32, #tpu.memory_space<vmem>>, %arg9: memref<512x32xf32, #tpu.memory_space<vmem>>, %arg10: memref<512x32xf32, #tpu.memory_space<vmem>>, %arg11: memref<16xf32, #tpu.memory_space<vmem>>, %arg12: memref<!tpu.dma_semaphore, #tpu.memory_space<semaphore_mem>>, %arg13: memref<512x32xf32, #tpu.memory_space<vmem>>) attributes {dimension_semantics = [#tpu.dimension_semantics<core_parallel>, #tpu.dimension_semantics<subcore_parallel>], iteration_bounds = array<i64: 2, 16>, scalar_prefetch = 0 : i64, scratch_operands = 6 : i64, tpu.core_type = #tpu.core_type<sc_vector_subcore>, window_params = [{transform_indices = #map}, {transform_indices = #map1}, {transform_indices = #map}, {transform_indices = #map}, {transform_indices = #map}, {transform_indices = #map}]} {
    %mul3A = arith.constant 2 : i32
    %mul3A_0 = arith.muli %arg1, %mul3A : i32
    %add3A = arith.addi %mul3A_0, %arg0 : i32
    %mul3A_1 = arith.constant 512 : i32
    %mul3A_2 = arith.muli %add3A, %mul3A_1 : i32
    "tpu.region"() ({
      %run_scoped3A = tpu.sem_alloc : memref<!tpu.dma_semaphore, #tpu.memory_space<semaphore_mem>>
      %dma_start3A_16 = tpu.memref_slice %arg3[%mul3A_2] : memref<16384xi32, #tpu.memory_space<hbm>> -> memref<512xi32, #tpu.memory_space<hbm>>
      %dma_start3A_17 = tpu.memref_slice %arg3[%mul3A_2] : memref<16384xi32, #tpu.memory_space<hbm>> -> memref<512xi32, #tpu.memory_space<hbm>>
      tpu.enqueue_dma source(%dma_start3A_17 : memref<512xi32, #tpu.memory_space<hbm>>) target(%arg8 : memref<512xi32, #tpu.memory_space<vmem>>) target_semaphore(%run_scoped3A : memref<!tpu.dma_semaphore, #tpu.memory_space<semaphore_mem>>)
      %dma_wait3A_18 = tpu.memref_slice %arg3[%mul3A_2] : memref<16384xi32, #tpu.memory_space<hbm>> -> memref<512xi32, #tpu.memory_space<hbm>>
      %dma_wait3A_19 = tpu.memref_slice %arg3[%mul3A_2] : memref<16384xi32, #tpu.memory_space<hbm>> -> memref<512xi32, #tpu.memory_space<hbm>>
      tpu.wait_dma2 semaphore(%run_scoped3A : memref<!tpu.dma_semaphore, #tpu.memory_space<semaphore_mem>>) src(%dma_wait3A_19 : memref<512xi32, #tpu.memory_space<hbm>>) dst(%arg8 : memref<512xi32, #tpu.memory_space<vmem>>)
      tpu.yield
    }) : () -> ()
    %dma_start3A = arith.constant 0 : i32
    %dma_start3A_3 = arith.constant 0 : i32
    %dma_start3A_4 = tpu.memref_slice %arg2[%dma_start3A, %dma_start3A_3] : memref<8192x32xf32, #tpu.memory_space<hbm>> -> memref<8192x32xf32, #tpu.memory_space<hbm>>
    tpu.enqueue_indirect_dma source(%dma_start3A_4 : memref<8192x32xf32, #tpu.memory_space<hbm>>) target(%arg9 : memref<512x32xf32, #tpu.memory_space<vmem>>) offsets(%arg8 : memref<512xi32, #tpu.memory_space<vmem>>) semaphore(%arg12 : memref<!tpu.dma_semaphore, #tpu.memory_space<semaphore_mem>>)
    "tpu.region"() ({
      %run_scoped3A = tpu.sem_alloc : memref<!tpu.dma_semaphore, #tpu.memory_space<semaphore_mem>>
      %dma_start3A_16 = arith.constant 0 : i32
      %dma_start3A_17 = tpu.memref_slice %arg4[%mul3A_2, %dma_start3A_16] : memref<16384x32xf32, #tpu.memory_space<hbm>> -> memref<512x32xf32, #tpu.memory_space<hbm>>
      %dma_start3A_18 = arith.constant 0 : i32
      %dma_start3A_19 = tpu.memref_slice %arg4[%mul3A_2, %dma_start3A_18] : memref<16384x32xf32, #tpu.memory_space<hbm>> -> memref<512x32xf32, #tpu.memory_space<hbm>>
      tpu.enqueue_dma source(%dma_start3A_19 : memref<512x32xf32, #tpu.memory_space<hbm>>) target(%arg10 : memref<512x32xf32, #tpu.memory_space<vmem>>) target_semaphore(%run_scoped3A : memref<!tpu.dma_semaphore, #tpu.memory_space<semaphore_mem>>)
      %dma_wait3A_20 = arith.constant 0 : i32
      %dma_wait3A_21 = tpu.memref_slice %arg4[%mul3A_2, %dma_wait3A_20] : memref<16384x32xf32, #tpu.memory_space<hbm>> -> memref<512x32xf32, #tpu.memory_space<hbm>>
      %dma_wait3A_22 = arith.constant 0 : i32
      %dma_wait3A_23 = tpu.memref_slice %arg4[%mul3A_2, %dma_wait3A_22] : memref<16384x32xf32, #tpu.memory_space<hbm>> -> memref<512x32xf32, #tpu.memory_space<hbm>>
      tpu.wait_dma2 semaphore(%run_scoped3A : memref<!tpu.dma_semaphore, #tpu.memory_space<semaphore_mem>>) src(%dma_wait3A_23 : memref<512x32xf32, #tpu.memory_space<hbm>>) dst(%arg10 : memref<512x32xf32, #tpu.memory_space<vmem>>)
      tpu.yield
    }) : () -> ()
    "tpu.region"() ({
      %run_scoped3A = tpu.sem_alloc : memref<!tpu.dma_semaphore, #tpu.memory_space<semaphore_mem>>
      %dma_start3A_16 = arith.constant 0 : i32
      %dma_start3A_17 = tpu.memref_slice %arg5[%mul3A_2, %dma_start3A_16] : memref<16384x32xf32, #tpu.memory_space<hbm>> -> memref<512x32xf32, #tpu.memory_space<hbm>>
      %dma_start3A_18 = arith.constant 0 : i32
      %dma_start3A_19 = tpu.memref_slice %arg5[%mul3A_2, %dma_start3A_18] : memref<16384x32xf32, #tpu.memory_space<hbm>> -> memref<512x32xf32, #tpu.memory_space<hbm>>
      tpu.enqueue_dma source(%dma_start3A_19 : memref<512x32xf32, #tpu.memory_space<hbm>>) target(%arg13 : memref<512x32xf32, #tpu.memory_space<vmem>>) target_semaphore(%run_scoped3A : memref<!tpu.dma_semaphore, #tpu.memory_space<semaphore_mem>>)
      %dma_wait3A_20 = arith.constant 0 : i32
      %dma_wait3A_21 = tpu.memref_slice %arg5[%mul3A_2, %dma_wait3A_20] : memref<16384x32xf32, #tpu.memory_space<hbm>> -> memref<512x32xf32, #tpu.memory_space<hbm>>
      %dma_wait3A_22 = arith.constant 0 : i32
      %dma_wait3A_23 = tpu.memref_slice %arg5[%mul3A_2, %dma_wait3A_22] : memref<16384x32xf32, #tpu.memory_space<hbm>> -> memref<512x32xf32, #tpu.memory_space<hbm>>
      tpu.wait_dma2 semaphore(%run_scoped3A : memref<!tpu.dma_semaphore, #tpu.memory_space<semaphore_mem>>) src(%dma_wait3A_23 : memref<512x32xf32, #tpu.memory_space<hbm>>) dst(%arg13 : memref<512x32xf32, #tpu.memory_space<vmem>>)
      tpu.yield
    }) : () -> ()
    %dma_wait3A = arith.constant 0 : i32
    %dma_wait3A_5 = arith.constant 0 : i32
    %dma_wait3A_6 = tpu.memref_slice %arg2[%dma_wait3A, %dma_wait3A_5] : memref<8192x32xf32, #tpu.memory_space<hbm>> -> memref<8192x32xf32, #tpu.memory_space<hbm>>
    tpu.wait_indirect_dma semaphore(%arg12 : memref<!tpu.dma_semaphore, #tpu.memory_space<semaphore_mem>>) src(%dma_wait3A_6 : memref<8192x32xf32, #tpu.memory_space<hbm>>) dst(%arg9 : memref<512x32xf32, #tpu.memory_space<vmem>>)
    %broadcast_in_dim3A = arith.constant 0.000000e+00 : f32
    %broadcast_in_dim3A_7 = vector.broadcast %broadcast_in_dim3A : f32 to vector<16xf32>
    %scan3A = arith.constant 0 : i32
    %scan3A_8 = arith.constant 512 : i32
    %scan3A_9 = arith.addi %scan3A, %scan3A_8 : i32
    %scan3A_10 = arith.constant 1 : i32
    %scan3A_11 = scf.for %scan3A_16 = %scan3A to %scan3A_9 step %scan3A_10 iter_args(%scan3A_17 = %broadcast_in_dim3A_7) -> (vector<16xf32>)  : i32 {
      %get3A = arith.index_cast %scan3A_16 : i32 to index
      %get3A_18 = arith.constant 0 : index
      %get3A_19 = tpu.vector_load %arg9[%get3A, %get3A_18] {strides = array<i32>} : memref<512x32xf32, #tpu.memory_space<vmem>>, vector<1x16xf32>,
      %get3A_20 = vector.shape_cast %get3A_19 : vector<1x16xf32> to vector<16xf32>
      %get3A_21 = arith.index_cast %scan3A_16 : i32 to index
      %get3A_22 = arith.constant 0 : index
      %get3A_23 = tpu.vector_load %arg10[%get3A_21, %get3A_22] {strides = array<i32>} : memref<512x32xf32, #tpu.memory_space<vmem>>, vector<1x16xf32>,
      %get3A_24 = vector.shape_cast %get3A_23 : vector<1x16xf32> to vector<16xf32>
      %sub3A = arith.subf %get3A_20, %get3A_24 : vector<16xf32>
      %mul3A_25 = arith.mulf %sub3A, %sub3A : vector<16xf32>
      %add3A_26 = arith.addf %scan3A_17, %mul3A_25 : vector<16xf32>
      %add3A_27 = arith.addf %get3A_24, %sub3A : vector<16xf32>
      %sub3A_28 = arith.subf %get3A_24, %add3A_27 : vector<16xf32>
      %get3A_29 = arith.index_cast %scan3A_16 : i32 to index
      %get3A_30 = arith.constant 0 : index
      %get3A_31 = tpu.vector_load %arg13[%get3A_29, %get3A_30] {strides = array<i32>} : memref<512x32xf32, #tpu.memory_space<vmem>>, vector<1x16xf32>,
      %get3A_32 = vector.shape_cast %get3A_31 : vector<1x16xf32> to vector<16xf32>
      %sub3A_33 = arith.subf %get3A_32, %sub3A_28 : vector<16xf32>
      %swap3A_34 = arith.index_cast %scan3A_16 : i32 to index
      %swap3A_35 = arith.constant 0 : index
      %swap3A_36 = tpu.vector_load %arg10[%swap3A_34, %swap3A_35] {strides = array<i32>} : memref<512x32xf32, #tpu.memory_space<vmem>>, vector<1x16xf32>,
      %swap3A_37 = vector.shape_cast %swap3A_36 : vector<1x16xf32> to vector<16xf32>
      %swap3A_38 = vector.shape_cast %sub3A_33 : vector<16xf32> to vector<1x16xf32>
      tpu.vector_store %arg10[%swap3A_34, %swap3A_35], %swap3A_38 {strides = array<i32>} : memref<512x32xf32, #tpu.memory_space<vmem>>, vector<1x16xf32>,
      %get3A_39 = arith.index_cast %scan3A_16 : i32 to index
      %get3A_40 = arith.constant 16 : index
      %get3A_41 = tpu.vector_load %arg9[%get3A_39, %get3A_40] {strides = array<i32>} : memref<512x32xf32, #tpu.memory_space<vmem>>, vector<1x16xf32>,
      %get3A_42 = vector.shape_cast %get3A_41 : vector<1x16xf32> to vector<16xf32>
      %get3A_43 = arith.index_cast %scan3A_16 : i32 to index
      %get3A_44 = arith.constant 16 : index
      %get3A_45 = tpu.vector_load %arg10[%get3A_43, %get3A_44] {strides = array<i32>} : memref<512x32xf32, #tpu.memory_space<vmem>>, vector<1x16xf32>,
      %get3A_46 = vector.shape_cast %get3A_45 : vector<1x16xf32> to vector<16xf32>
      %sub3A_47 = arith.subf %get3A_42, %get3A_46 : vector<16xf32>
      %mul3A_48 = arith.mulf %sub3A_47, %sub3A_47 : vector<16xf32>
      %add3A_49 = arith.addf %add3A_26, %mul3A_48 : vector<16xf32>
      %add3A_50 = arith.addf %get3A_46, %sub3A_47 : vector<16xf32>
      %sub3A_51 = arith.subf %get3A_46, %add3A_50 : vector<16xf32>
      %get3A_52 = arith.index_cast %scan3A_16 : i32 to index
      %get3A_53 = arith.constant 16 : index
      %get3A_54 = tpu.vector_load %arg13[%get3A_52, %get3A_53] {strides = array<i32>} : memref<512x32xf32, #tpu.memory_space<vmem>>, vector<1x16xf32>,
      %get3A_55 = vector.shape_cast %get3A_54 : vector<1x16xf32> to vector<16xf32>
      %sub3A_56 = arith.subf %get3A_55, %sub3A_51 : vector<16xf32>
      %swap3A_57 = arith.index_cast %scan3A_16 : i32 to index
      %swap3A_58 = arith.constant 16 : index
      %swap3A_59 = tpu.vector_load %arg10[%swap3A_57, %swap3A_58] {strides = array<i32>} : memref<512x32xf32, #tpu.memory_space<vmem>>, vector<1x16xf32>,
      %swap3A_60 = vector.shape_cast %swap3A_59 : vector<1x16xf32> to vector<16xf32>
      %swap3A_61 = vector.shape_cast %sub3A_56 : vector<16xf32> to vector<1x16xf32>
      tpu.vector_store %arg10[%swap3A_57, %swap3A_58], %swap3A_61 {strides = array<i32>} : memref<512x32xf32, #tpu.memory_space<vmem>>, vector<1x16xf32>,
      scf.yield %add3A_49 : vector<16xf32>
    }
    %scan3A_12 = arith.constant 512 : i32
    %swap3A = arith.constant 0 : index
    %swap3A_13 = tpu.vector_load %arg11[%swap3A] {strides = array<i32>} : memref<16xf32, #tpu.memory_space<vmem>>, vector<16xf32>,
    %swap3A_14 = vector.shape_cast %swap3A_13 : vector<16xf32> to vector<16xf32>
    %swap3A_15 = vector.shape_cast %scan3A_11 : vector<16xf32> to vector<16xf32>
    tpu.vector_store %arg11[%swap3A], %swap3A_15 {strides = array<i32>} : memref<16xf32, #tpu.memory_space<vmem>>, vector<16xf32>,
    "tpu.region"() ({
      %run_scoped3A = tpu.sem_alloc : memref<!tpu.dma_semaphore, #tpu.memory_space<semaphore_mem>>
      %dma_start3A_16 = arith.constant 0 : i32
      %dma_start3A_17 = tpu.memref_slice %arg6[%mul3A_2, %dma_start3A_16] : memref<16384x32xf32, #tpu.memory_space<hbm>> -> memref<512x32xf32, #tpu.memory_space<hbm>>
      %dma_start3A_18 = arith.constant 0 : i32
      %dma_start3A_19 = tpu.memref_slice %arg6[%mul3A_2, %dma_start3A_18] : memref<16384x32xf32, #tpu.memory_space<hbm>> -> memref<512x32xf32, #tpu.memory_space<hbm>>
      tpu.enqueue_dma source(%arg10 : memref<512x32xf32, #tpu.memory_space<vmem>>) target(%dma_start3A_19 : memref<512x32xf32, #tpu.memory_space<hbm>>) target_semaphore(%run_scoped3A : memref<!tpu.dma_semaphore, #tpu.memory_space<semaphore_mem>>)
      %dma_wait3A_20 = arith.constant 0 : i32
      %dma_wait3A_21 = tpu.memref_slice %arg6[%mul3A_2, %dma_wait3A_20] : memref<16384x32xf32, #tpu.memory_space<hbm>> -> memref<512x32xf32, #tpu.memory_space<hbm>>
      %dma_wait3A_22 = arith.constant 0 : i32
      %dma_wait3A_23 = tpu.memref_slice %arg6[%mul3A_2, %dma_wait3A_22] : memref<16384x32xf32, #tpu.memory_space<hbm>> -> memref<512x32xf32, #tpu.memory_space<hbm>>
      tpu.wait_dma2 semaphore(%run_scoped3A : memref<!tpu.dma_semaphore, #tpu.memory_space<semaphore_mem>>) src(%arg10 : memref<512x32xf32, #tpu.memory_space<vmem>>) dst(%dma_wait3A_23 : memref<512x32xf32, #tpu.memory_space<hbm>>)
      tpu.yield
    }) : () -> ()
    "tpu.region"() ({
      %run_scoped3A = tpu.sem_alloc : memref<!tpu.dma_semaphore, #tpu.memory_space<semaphore_mem>>
      %dma_start3A_16 = arith.constant 0 : i32
      %dma_start3A_17 = tpu.memref_slice %arg7[%add3A, %dma_start3A_16] : memref<32x16xf32, #tpu.memory_space<hbm>> -> memref<1x16xf32, #tpu.memory_space<hbm>>
      %dma_start3A_18 = tpu.memref_squeeze %dma_start3A_17 : memref<1x16xf32, #tpu.memory_space<hbm>> -> memref<16xf32, #tpu.memory_space<hbm>>
      %dma_start3A_19 = arith.constant 0 : i32
      %dma_start3A_20 = tpu.memref_slice %arg7[%add3A, %dma_start3A_19] : memref<32x16xf32, #tpu.memory_space<hbm>> -> memref<1x16xf32, #tpu.memory_space<hbm>>
      %dma_start3A_21 = tpu.memref_squeeze %dma_start3A_20 : memref<1x16xf32, #tpu.memory_space<hbm>> -> memref<16xf32, #tpu.memory_space<hbm>>
      tpu.enqueue_dma source(%arg11 : memref<16xf32, #tpu.memory_space<vmem>>) target(%dma_start3A_21 : memref<16xf32, #tpu.memory_space<hbm>>) target_semaphore(%run_scoped3A : memref<!tpu.dma_semaphore, #tpu.memory_space<semaphore_mem>>)
      %dma_wait3A_22 = arith.constant 0 : i32
      %dma_wait3A_23 = tpu.memref_slice %arg7[%add3A, %dma_wait3A_22] : memref<32x16xf32, #tpu.memory_space<hbm>> -> memref<1x16xf32, #tpu.memory_space<hbm>>
      %dma_wait3A_24 = tpu.memref_squeeze %dma_wait3A_23 : memref<1x16xf32, #tpu.memory_space<hbm>> -> memref<16xf32, #tpu.memory_space<hbm>>
      %dma_wait3A_25 = arith.constant 0 : i32
      %dma_wait3A_26 = tpu.memref_slice %arg7[%add3A, %dma_wait3A_25] : memref<32x16xf32, #tpu.memory_space<hbm>> -> memref<1x16xf32, #tpu.memory_space<hbm>>
      %dma_wait3A_27 = tpu.memref_squeeze %dma_wait3A_26 : memref<1x16xf32, #tpu.memory_space<hbm>> -> memref<16xf32, #tpu.memory_space<hbm>>
      tpu.wait_dma2 semaphore(%run_scoped3A : memref<!tpu.dma_semaphore, #tpu.memory_space<semaphore_mem>>) src(%arg11 : memref<16xf32, #tpu.memory_space<vmem>>) dst(%dma_wait3A_27 : memref<16xf32, #tpu.memory_space<hbm>>)
      tpu.yield
    }) : () -> ()
    return
  }
}

module attributes {stable_mosaic.version = 14 : i64} {
  func.func @_argmin_body(%arg0: i32, %arg1: i32, %arg2: memref<512x32xf32, #tpu.memory_space<vmem>>, %arg3: memref<4096x32xf32, #tpu.memory_space<vmem>>, %arg4: memref<512x1xi32, #tpu.memory_space<vmem>>, %arg5: memref<512x1xf32, #tpu.memory_space<vmem>>, %arg6: memref<512x1xi32, #tpu.memory_space<vmem>>) attributes {dimension_semantics = [#tpu.dimension_semantics<arbitrary>, #tpu.dimension_semantics<arbitrary>], iteration_bounds = array<i64: 32, 2>, scalar_prefetch = 0 : i64, scratch_operands = 2 : i64, tpu.core_type = #tpu.core_type<tc>, window_params = [{transform_indices = @transform_0, window_bounds = array<i64: 512, 32>}, {transform_indices = @transform_1, window_bounds = array<i64: 4096, 32>}, {transform_indices = @transform_2, window_bounds = array<i64: 512, 1>}]} {
    %get3A = arith.constant 0 : index
    %get3A_0 = arith.constant 0 : index
    %get3A_1 = vector.load %arg2[%get3A, %get3A_0] : memref<512x32xf32, #tpu.memory_space<vmem>>, vector<512x32xf32>
    %mul3A = arith.mulf %get3A_1, %get3A_1 : vector<512x32xf32>
    %reduce_sum3A = arith.constant dense<0.000000e+00> : vector<512xf32>
    %reduce_sum3A_2 = vector.multi_reduction <add>, %mul3A, %reduce_sum3A [1] : vector<512x32xf32> to vector<512xf32>
    %broadcast_in_dim3A = vector.shape_cast %reduce_sum3A_2 : vector<512xf32> to vector<512x1xf32>
    %get3A_3 = arith.constant 0 : index
    %get3A_4 = arith.constant 0 : index
    %get3A_5 = vector.load %arg3[%get3A_3, %get3A_4] : memref<4096x32xf32, #tpu.memory_space<vmem>>, vector<256x32xf32>
    %mul3A_6 = arith.mulf %get3A_5, %get3A_5 : vector<256x32xf32>
    %reduce_sum3A_7 = arith.constant dense<0.000000e+00> : vector<256xf32>
    %reduce_sum3A_8 = vector.multi_reduction <add>, %mul3A_6, %reduce_sum3A_7 [1] : vector<256x32xf32> to vector<256xf32>
    %dot_general3A = arith.constant dense<0.000000e+00> : vector<512x256xf32>
    %dot_general3A_9 = tpu.matmul %get3A_1, %get3A_5, %dot_general3A {dimension_numbers = #tpu.dot_dimension_numbers<[1], [1], [0], [0], [0, 0, 1, 0], [], []>, transpose_lhs_hint = false} : vector<512x32xf32>, vector<256x32xf32>, vector<512x256xf32> -> vector<512x256xf32>
    %broadcast_in_dim3A_10 = vector.shape_cast %reduce_sum3A_8 : vector<256xf32> to vector<1x256xf32>
    %add3A = vector.broadcast %broadcast_in_dim3A : vector<512x1xf32> to vector<512x256xf32>
    %add3A_11 = vector.broadcast %broadcast_in_dim3A_10 : vector<1x256xf32> to vector<512x256xf32>
    %add3A_12 = arith.addf %add3A, %add3A_11 : vector<512x256xf32>
    %mul3A_13 = arith.constant 2.000000e+00 : f32
    %mul3A_14 = vector.broadcast %mul3A_13 : f32 to vector<512x256xf32>
    %mul3A_15 = arith.mulf %mul3A_14, %dot_general3A_9 : vector<512x256xf32>
    %sub3A = arith.subf %add3A_12, %mul3A_15 : vector<512x256xf32>
    %reduce_min3A = arith.constant dense<0x7F800000> : vector<512xf32>
    %reduce_min3A_16 = vector.multi_reduction <minimumf>, %sub3A, %reduce_min3A [1] : vector<512x256xf32> to vector<512xf32>
    %broadcast_in_dim3A_17 = vector.shape_cast %reduce_min3A_16 : vector<512xf32> to vector<512x1xf32>
    %iota3A = tpu.iota {dimensions = array<i32: 1>} : vector<512x256xi32>
    %eq3A = vector.broadcast %broadcast_in_dim3A_17 : vector<512x1xf32> to vector<512x256xf32>
    %eq3A_18 = arith.cmpf oeq, %sub3A, %eq3A : vector<512x256xf32>
    %jit3A = arith.constant 8192 : i32
    %broadcast_in_dim3A_19 = vector.broadcast %jit3A : i32 to vector<512x256xi32>
    %select_n3A = arith.select %eq3A_18, %iota3A, %broadcast_in_dim3A_19 : vector<512x256xi1>, vector<512x256xi32>
    %reduce_min3A_20 = arith.constant dense<2147483647> : vector<512xi32>
    %reduce_min3A_21 = vector.multi_reduction <minsi>, %select_n3A, %reduce_min3A_20 [1] : vector<512x256xi32> to vector<512xi32>
    %broadcast_in_dim3A_22 = vector.shape_cast %reduce_min3A_21 : vector<512xi32> to vector<512x1xi32>
    %mul3A_23 = arith.constant 4096 : i32
    %mul3A_24 = arith.muli %arg1, %mul3A_23 : i32
    %add3A_25 = arith.constant 0 : i32
    %add3A_26 = arith.addi %mul3A_24, %add3A_25 : i32
    %add3A_27 = vector.broadcast %add3A_26 : i32 to vector<512x1xi32>
    %add3A_28 = arith.addi %broadcast_in_dim3A_22, %add3A_27 : vector<512x1xi32>
    %get3A_29 = arith.constant 256 : index
    %get3A_30 = arith.constant 0 : index
    %get3A_31 = vector.load %arg3[%get3A_29, %get3A_30] : memref<4096x32xf32, #tpu.memory_space<vmem>>, vector<256x32xf32>
    %mul3A_32 = arith.mulf %get3A_31, %get3A_31 : vector<256x32xf32>
    %reduce_sum3A_33 = arith.constant dense<0.000000e+00> : vector<256xf32>
    %reduce_sum3A_34 = vector.multi_reduction <add>, %mul3A_32, %reduce_sum3A_33 [1] : vector<256x32xf32> to vector<256xf32>
    %dot_general3A_35 = arith.constant dense<0.000000e+00> : vector<512x256xf32>
    %dot_general3A_36 = tpu.matmul %get3A_1, %get3A_31, %dot_general3A_35 {dimension_numbers = #tpu.dot_dimension_numbers<[1], [1], [0], [0], [0, 0, 1, 0], [], []>, transpose_lhs_hint = false} : vector<512x32xf32>, vector<256x32xf32>, vector<512x256xf32> -> vector<512x256xf32>
    %broadcast_in_dim3A_37 = vector.shape_cast %reduce_sum3A_34 : vector<256xf32> to vector<1x256xf32>
    %add3A_38 = vector.broadcast %broadcast_in_dim3A : vector<512x1xf32> to vector<512x256xf32>
    %add3A_39 = vector.broadcast %broadcast_in_dim3A_37 : vector<1x256xf32> to vector<512x256xf32>
    %add3A_40 = arith.addf %add3A_38, %add3A_39 : vector<512x256xf32>
    %mul3A_41 = arith.constant 2.000000e+00 : f32
    %mul3A_42 = vector.broadcast %mul3A_41 : f32 to vector<512x256xf32>
    %mul3A_43 = arith.mulf %mul3A_42, %dot_general3A_36 : vector<512x256xf32>
    %sub3A_44 = arith.subf %add3A_40, %mul3A_43 : vector<512x256xf32>
    %reduce_min3A_45 = arith.constant dense<0x7F800000> : vector<512xf32>
    %reduce_min3A_46 = vector.multi_reduction <minimumf>, %sub3A_44, %reduce_min3A_45 [1] : vector<512x256xf32> to vector<512xf32>
    %broadcast_in_dim3A_47 = vector.shape_cast %reduce_min3A_46 : vector<512xf32> to vector<512x1xf32>
    %iota3A_48 = tpu.iota {dimensions = array<i32: 1>} : vector<512x256xi32>
    %eq3A_49 = vector.broadcast %broadcast_in_dim3A_47 : vector<512x1xf32> to vector<512x256xf32>
    %eq3A_50 = arith.cmpf oeq, %sub3A_44, %eq3A_49 : vector<512x256xf32>
    %jit3A_51 = arith.constant 8192 : i32
    %broadcast_in_dim3A_52 = vector.broadcast %jit3A_51 : i32 to vector<512x256xi32>
    %select_n3A_53 = arith.select %eq3A_50, %iota3A_48, %broadcast_in_dim3A_52 : vector<512x256xi1>, vector<512x256xi32>
    %reduce_min3A_54 = arith.constant dense<2147483647> : vector<512xi32>
    %reduce_min3A_55 = vector.multi_reduction <minsi>, %select_n3A_53, %reduce_min3A_54 [1] : vector<512x256xi32> to vector<512xi32>
    %broadcast_in_dim3A_56 = vector.shape_cast %reduce_min3A_55 : vector<512xi32> to vector<512x1xi32>
    %mul3A_57 = arith.constant 4096 : i32
    %mul3A_58 = arith.muli %arg1, %mul3A_57 : i32
    %add3A_59 = arith.constant 256 : i32
    %add3A_60 = arith.addi %mul3A_58, %add3A_59 : i32
    %add3A_61 = vector.broadcast %add3A_60 : i32 to vector<512x1xi32>
    %add3A_62 = arith.addi %broadcast_in_dim3A_56, %add3A_61 : vector<512x1xi32>
    %get3A_63 = arith.constant 512 : index
    %get3A_64 = arith.constant 0 : index
    %get3A_65 = vector.load %arg3[%get3A_63, %get3A_64] : memref<4096x32xf32, #tpu.memory_space<vmem>>, vector<256x32xf32>
    %mul3A_66 = arith.mulf %get3A_65, %get3A_65 : vector<256x32xf32>
    %reduce_sum3A_67 = arith.constant dense<0.000000e+00> : vector<256xf32>
    %reduce_sum3A_68 = vector.multi_reduction <add>, %mul3A_66, %reduce_sum3A_67 [1] : vector<256x32xf32> to vector<256xf32>
    %dot_general3A_69 = arith.constant dense<0.000000e+00> : vector<512x256xf32>
    %dot_general3A_70 = tpu.matmul %get3A_1, %get3A_65, %dot_general3A_69 {dimension_numbers = #tpu.dot_dimension_numbers<[1], [1], [0], [0], [0, 0, 1, 0], [], []>, transpose_lhs_hint = false} : vector<512x32xf32>, vector<256x32xf32>, vector<512x256xf32> -> vector<512x256xf32>
    %broadcast_in_dim3A_71 = vector.shape_cast %reduce_sum3A_68 : vector<256xf32> to vector<1x256xf32>
    %add3A_72 = vector.broadcast %broadcast_in_dim3A : vector<512x1xf32> to vector<512x256xf32>
    %add3A_73 = vector.broadcast %broadcast_in_dim3A_71 : vector<1x256xf32> to vector<512x256xf32>
    %add3A_74 = arith.addf %add3A_72, %add3A_73 : vector<512x256xf32>
    %mul3A_75 = arith.constant 2.000000e+00 : f32
    %mul3A_76 = vector.broadcast %mul3A_75 : f32 to vector<512x256xf32>
    %mul3A_77 = arith.mulf %mul3A_76, %dot_general3A_70 : vector<512x256xf32>
    %sub3A_78 = arith.subf %add3A_74, %mul3A_77 : vector<512x256xf32>
    %reduce_min3A_79 = arith.constant dense<0x7F800000> : vector<512xf32>
    %reduce_min3A_80 = vector.multi_reduction <minimumf>, %sub3A_78, %reduce_min3A_79 [1] : vector<512x256xf32> to vector<512xf32>
    %broadcast_in_dim3A_81 = vector.shape_cast %reduce_min3A_80 : vector<512xf32> to vector<512x1xf32>
    %iota3A_82 = tpu.iota {dimensions = array<i32: 1>} : vector<512x256xi32>
    %eq3A_83 = vector.broadcast %broadcast_in_dim3A_81 : vector<512x1xf32> to vector<512x256xf32>
    %eq3A_84 = arith.cmpf oeq, %sub3A_78, %eq3A_83 : vector<512x256xf32>
    %jit3A_85 = arith.constant 8192 : i32
    %broadcast_in_dim3A_86 = vector.broadcast %jit3A_85 : i32 to vector<512x256xi32>
    %select_n3A_87 = arith.select %eq3A_84, %iota3A_82, %broadcast_in_dim3A_86 : vector<512x256xi1>, vector<512x256xi32>
    %reduce_min3A_88 = arith.constant dense<2147483647> : vector<512xi32>
    %reduce_min3A_89 = vector.multi_reduction <minsi>, %select_n3A_87, %reduce_min3A_88 [1] : vector<512x256xi32> to vector<512xi32>
    %broadcast_in_dim3A_90 = vector.shape_cast %reduce_min3A_89 : vector<512xi32> to vector<512x1xi32>
    %mul3A_91 = arith.constant 4096 : i32
    %mul3A_92 = arith.muli %arg1, %mul3A_91 : i32
    %add3A_93 = arith.constant 512 : i32
    %add3A_94 = arith.addi %mul3A_92, %add3A_93 : i32
    %add3A_95 = vector.broadcast %add3A_94 : i32 to vector<512x1xi32>
    %add3A_96 = arith.addi %broadcast_in_dim3A_90, %add3A_95 : vector<512x1xi32>
    %get3A_97 = arith.constant 768 : index
    %get3A_98 = arith.constant 0 : index
    %get3A_99 = vector.load %arg3[%get3A_97, %get3A_98] : memref<4096x32xf32, #tpu.memory_space<vmem>>, vector<256x32xf32>
    %mul3A_100 = arith.mulf %get3A_99, %get3A_99 : vector<256x32xf32>
    %reduce_sum3A_101 = arith.constant dense<0.000000e+00> : vector<256xf32>
    %reduce_sum3A_102 = vector.multi_reduction <add>, %mul3A_100, %reduce_sum3A_101 [1] : vector<256x32xf32> to vector<256xf32>
    %dot_general3A_103 = arith.constant dense<0.000000e+00> : vector<512x256xf32>
    %dot_general3A_104 = tpu.matmul %get3A_1, %get3A_99, %dot_general3A_103 {dimension_numbers = #tpu.dot_dimension_numbers<[1], [1], [0], [0], [0, 0, 1, 0], [], []>, transpose_lhs_hint = false} : vector<512x32xf32>, vector<256x32xf32>, vector<512x256xf32> -> vector<512x256xf32>
    %broadcast_in_dim3A_105 = vector.shape_cast %reduce_sum3A_102 : vector<256xf32> to vector<1x256xf32>
    %add3A_106 = vector.broadcast %broadcast_in_dim3A : vector<512x1xf32> to vector<512x256xf32>
    %add3A_107 = vector.broadcast %broadcast_in_dim3A_105 : vector<1x256xf32> to vector<512x256xf32>
    %add3A_108 = arith.addf %add3A_106, %add3A_107 : vector<512x256xf32>
    %mul3A_109 = arith.constant 2.000000e+00 : f32
    %mul3A_110 = vector.broadcast %mul3A_109 : f32 to vector<512x256xf32>
    %mul3A_111 = arith.mulf %mul3A_110, %dot_general3A_104 : vector<512x256xf32>
    %sub3A_112 = arith.subf %add3A_108, %mul3A_111 : vector<512x256xf32>
    %reduce_min3A_113 = arith.constant dense<0x7F800000> : vector<512xf32>
    %reduce_min3A_114 = vector.multi_reduction <minimumf>, %sub3A_112, %reduce_min3A_113 [1] : vector<512x256xf32> to vector<512xf32>
    %broadcast_in_dim3A_115 = vector.shape_cast %reduce_min3A_114 : vector<512xf32> to vector<512x1xf32>
    %iota3A_116 = tpu.iota {dimensions = array<i32: 1>} : vector<512x256xi32>
    %eq3A_117 = vector.broadcast %broadcast_in_dim3A_115 : vector<512x1xf32> to vector<512x256xf32>
    %eq3A_118 = arith.cmpf oeq, %sub3A_112, %eq3A_117 : vector<512x256xf32>
    %jit3A_119 = arith.constant 8192 : i32
    %broadcast_in_dim3A_120 = vector.broadcast %jit3A_119 : i32 to vector<512x256xi32>
    %select_n3A_121 = arith.select %eq3A_118, %iota3A_116, %broadcast_in_dim3A_120 : vector<512x256xi1>, vector<512x256xi32>
    %reduce_min3A_122 = arith.constant dense<2147483647> : vector<512xi32>
    %reduce_min3A_123 = vector.multi_reduction <minsi>, %select_n3A_121, %reduce_min3A_122 [1] : vector<512x256xi32> to vector<512xi32>
    %broadcast_in_dim3A_124 = vector.shape_cast %reduce_min3A_123 : vector<512xi32> to vector<512x1xi32>
    %mul3A_125 = arith.constant 4096 : i32
    %mul3A_126 = arith.muli %arg1, %mul3A_125 : i32
    %add3A_127 = arith.constant 768 : i32
    %add3A_128 = arith.addi %mul3A_126, %add3A_127 : i32
    %add3A_129 = vector.broadcast %add3A_128 : i32 to vector<512x1xi32>
    %add3A_130 = arith.addi %broadcast_in_dim3A_124, %add3A_129 : vector<512x1xi32>
    %get3A_131 = arith.constant 1024 : index
    %get3A_132 = arith.constant 0 : index
    %get3A_133 = vector.load %arg3[%get3A_131, %get3A_132] : memref<4096x32xf32, #tpu.memory_space<vmem>>, vector<256x32xf32>
    %mul3A_134 = arith.mulf %get3A_133, %get3A_133 : vector<256x32xf32>
    %reduce_sum3A_135 = arith.constant dense<0.000000e+00> : vector<256xf32>
    %reduce_sum3A_136 = vector.multi_reduction <add>, %mul3A_134, %reduce_sum3A_135 [1] : vector<256x32xf32> to vector<256xf32>
    %dot_general3A_137 = arith.constant dense<0.000000e+00> : vector<512x256xf32>
    %dot_general3A_138 = tpu.matmul %get3A_1, %get3A_133, %dot_general3A_137 {dimension_numbers = #tpu.dot_dimension_numbers<[1], [1], [0], [0], [0, 0, 1, 0], [], []>, transpose_lhs_hint = false} : vector<512x32xf32>, vector<256x32xf32>, vector<512x256xf32> -> vector<512x256xf32>
    %broadcast_in_dim3A_139 = vector.shape_cast %reduce_sum3A_136 : vector<256xf32> to vector<1x256xf32>
    %add3A_140 = vector.broadcast %broadcast_in_dim3A : vector<512x1xf32> to vector<512x256xf32>
    %add3A_141 = vector.broadcast %broadcast_in_dim3A_139 : vector<1x256xf32> to vector<512x256xf32>
    %add3A_142 = arith.addf %add3A_140, %add3A_141 : vector<512x256xf32>
    %mul3A_143 = arith.constant 2.000000e+00 : f32
    %mul3A_144 = vector.broadcast %mul3A_143 : f32 to vector<512x256xf32>
    %mul3A_145 = arith.mulf %mul3A_144, %dot_general3A_138 : vector<512x256xf32>
    %sub3A_146 = arith.subf %add3A_142, %mul3A_145 : vector<512x256xf32>
    %reduce_min3A_147 = arith.constant dense<0x7F800000> : vector<512xf32>
    %reduce_min3A_148 = vector.multi_reduction <minimumf>, %sub3A_146, %reduce_min3A_147 [1] : vector<512x256xf32> to vector<512xf32>
    %broadcast_in_dim3A_149 = vector.shape_cast %reduce_min3A_148 : vector<512xf32> to vector<512x1xf32>
    %iota3A_150 = tpu.iota {dimensions = array<i32: 1>} : vector<512x256xi32>
    %eq3A_151 = vector.broadcast %broadcast_in_dim3A_149 : vector<512x1xf32> to vector<512x256xf32>
    %eq3A_152 = arith.cmpf oeq, %sub3A_146, %eq3A_151 : vector<512x256xf32>
    %jit3A_153 = arith.constant 8192 : i32
    %broadcast_in_dim3A_154 = vector.broadcast %jit3A_153 : i32 to vector<512x256xi32>
    %select_n3A_155 = arith.select %eq3A_152, %iota3A_150, %broadcast_in_dim3A_154 : vector<512x256xi1>, vector<512x256xi32>
    %reduce_min3A_156 = arith.constant dense<2147483647> : vector<512xi32>
    %reduce_min3A_157 = vector.multi_reduction <minsi>, %select_n3A_155, %reduce_min3A_156 [1] : vector<512x256xi32> to vector<512xi32>
    %broadcast_in_dim3A_158 = vector.shape_cast %reduce_min3A_157 : vector<512xi32> to vector<512x1xi32>
    %mul3A_159 = arith.constant 4096 : i32
    %mul3A_160 = arith.muli %arg1, %mul3A_159 : i32
    %add3A_161 = arith.constant 1024 : i32
    %add3A_162 = arith.addi %mul3A_160, %add3A_161 : i32
    %add3A_163 = vector.broadcast %add3A_162 : i32 to vector<512x1xi32>
    %add3A_164 = arith.addi %broadcast_in_dim3A_158, %add3A_163 : vector<512x1xi32>
    %get3A_165 = arith.constant 1280 : index
    %get3A_166 = arith.constant 0 : index
    %get3A_167 = vector.load %arg3[%get3A_165, %get3A_166] : memref<4096x32xf32, #tpu.memory_space<vmem>>, vector<256x32xf32>
    %mul3A_168 = arith.mulf %get3A_167, %get3A_167 : vector<256x32xf32>
    %reduce_sum3A_169 = arith.constant dense<0.000000e+00> : vector<256xf32>
    %reduce_sum3A_170 = vector.multi_reduction <add>, %mul3A_168, %reduce_sum3A_169 [1] : vector<256x32xf32> to vector<256xf32>
    %dot_general3A_171 = arith.constant dense<0.000000e+00> : vector<512x256xf32>
    %dot_general3A_172 = tpu.matmul %get3A_1, %get3A_167, %dot_general3A_171 {dimension_numbers = #tpu.dot_dimension_numbers<[1], [1], [0], [0], [0, 0, 1, 0], [], []>, transpose_lhs_hint = false} : vector<512x32xf32>, vector<256x32xf32>, vector<512x256xf32> -> vector<512x256xf32>
    %broadcast_in_dim3A_173 = vector.shape_cast %reduce_sum3A_170 : vector<256xf32> to vector<1x256xf32>
    %add3A_174 = vector.broadcast %broadcast_in_dim3A : vector<512x1xf32> to vector<512x256xf32>
    %add3A_175 = vector.broadcast %broadcast_in_dim3A_173 : vector<1x256xf32> to vector<512x256xf32>
    %add3A_176 = arith.addf %add3A_174, %add3A_175 : vector<512x256xf32>
    %mul3A_177 = arith.constant 2.000000e+00 : f32
    %mul3A_178 = vector.broadcast %mul3A_177 : f32 to vector<512x256xf32>
    %mul3A_179 = arith.mulf %mul3A_178, %dot_general3A_172 : vector<512x256xf32>
    %sub3A_180 = arith.subf %add3A_176, %mul3A_179 : vector<512x256xf32>
    %reduce_min3A_181 = arith.constant dense<0x7F800000> : vector<512xf32>
    %reduce_min3A_182 = vector.multi_reduction <minimumf>, %sub3A_180, %reduce_min3A_181 [1] : vector<512x256xf32> to vector<512xf32>
    %broadcast_in_dim3A_183 = vector.shape_cast %reduce_min3A_182 : vector<512xf32> to vector<512x1xf32>
    %iota3A_184 = tpu.iota {dimensions = array<i32: 1>} : vector<512x256xi32>
    %eq3A_185 = vector.broadcast %broadcast_in_dim3A_183 : vector<512x1xf32> to vector<512x256xf32>
    %eq3A_186 = arith.cmpf oeq, %sub3A_180, %eq3A_185 : vector<512x256xf32>
    %jit3A_187 = arith.constant 8192 : i32
    %broadcast_in_dim3A_188 = vector.broadcast %jit3A_187 : i32 to vector<512x256xi32>
    %select_n3A_189 = arith.select %eq3A_186, %iota3A_184, %broadcast_in_dim3A_188 : vector<512x256xi1>, vector<512x256xi32>
    %reduce_min3A_190 = arith.constant dense<2147483647> : vector<512xi32>
    %reduce_min3A_191 = vector.multi_reduction <minsi>, %select_n3A_189, %reduce_min3A_190 [1] : vector<512x256xi32> to vector<512xi32>
    %broadcast_in_dim3A_192 = vector.shape_cast %reduce_min3A_191 : vector<512xi32> to vector<512x1xi32>
    %mul3A_193 = arith.constant 4096 : i32
    %mul3A_194 = arith.muli %arg1, %mul3A_193 : i32
    %add3A_195 = arith.constant 1280 : i32
    %add3A_196 = arith.addi %mul3A_194, %add3A_195 : i32
    %add3A_197 = vector.broadcast %add3A_196 : i32 to vector<512x1xi32>
    %add3A_198 = arith.addi %broadcast_in_dim3A_192, %add3A_197 : vector<512x1xi32>
    %get3A_199 = arith.constant 1536 : index
    %get3A_200 = arith.constant 0 : index
    %get3A_201 = vector.load %arg3[%get3A_199, %get3A_200] : memref<4096x32xf32, #tpu.memory_space<vmem>>, vector<256x32xf32>
    %mul3A_202 = arith.mulf %get3A_201, %get3A_201 : vector<256x32xf32>
    %reduce_sum3A_203 = arith.constant dense<0.000000e+00> : vector<256xf32>
    %reduce_sum3A_204 = vector.multi_reduction <add>, %mul3A_202, %reduce_sum3A_203 [1] : vector<256x32xf32> to vector<256xf32>
    %dot_general3A_205 = arith.constant dense<0.000000e+00> : vector<512x256xf32>
    %dot_general3A_206 = tpu.matmul %get3A_1, %get3A_201, %dot_general3A_205 {dimension_numbers = #tpu.dot_dimension_numbers<[1], [1], [0], [0], [0, 0, 1, 0], [], []>, transpose_lhs_hint = false} : vector<512x32xf32>, vector<256x32xf32>, vector<512x256xf32> -> vector<512x256xf32>
    %broadcast_in_dim3A_207 = vector.shape_cast %reduce_sum3A_204 : vector<256xf32> to vector<1x256xf32>
    %add3A_208 = vector.broadcast %broadcast_in_dim3A : vector<512x1xf32> to vector<512x256xf32>
    %add3A_209 = vector.broadcast %broadcast_in_dim3A_207 : vector<1x256xf32> to vector<512x256xf32>
    %add3A_210 = arith.addf %add3A_208, %add3A_209 : vector<512x256xf32>
    %mul3A_211 = arith.constant 2.000000e+00 : f32
    %mul3A_212 = vector.broadcast %mul3A_211 : f32 to vector<512x256xf32>
    %mul3A_213 = arith.mulf %mul3A_212, %dot_general3A_206 : vector<512x256xf32>
    %sub3A_214 = arith.subf %add3A_210, %mul3A_213 : vector<512x256xf32>
    %reduce_min3A_215 = arith.constant dense<0x7F800000> : vector<512xf32>
    %reduce_min3A_216 = vector.multi_reduction <minimumf>, %sub3A_214, %reduce_min3A_215 [1] : vector<512x256xf32> to vector<512xf32>
    %broadcast_in_dim3A_217 = vector.shape_cast %reduce_min3A_216 : vector<512xf32> to vector<512x1xf32>
    %iota3A_218 = tpu.iota {dimensions = array<i32: 1>} : vector<512x256xi32>
    %eq3A_219 = vector.broadcast %broadcast_in_dim3A_217 : vector<512x1xf32> to vector<512x256xf32>
    %eq3A_220 = arith.cmpf oeq, %sub3A_214, %eq3A_219 : vector<512x256xf32>
    %jit3A_221 = arith.constant 8192 : i32
    %broadcast_in_dim3A_222 = vector.broadcast %jit3A_221 : i32 to vector<512x256xi32>
    %select_n3A_223 = arith.select %eq3A_220, %iota3A_218, %broadcast_in_dim3A_222 : vector<512x256xi1>, vector<512x256xi32>
    %reduce_min3A_224 = arith.constant dense<2147483647> : vector<512xi32>
    %reduce_min3A_225 = vector.multi_reduction <minsi>, %select_n3A_223, %reduce_min3A_224 [1] : vector<512x256xi32> to vector<512xi32>
    %broadcast_in_dim3A_226 = vector.shape_cast %reduce_min3A_225 : vector<512xi32> to vector<512x1xi32>
    %mul3A_227 = arith.constant 4096 : i32
    %mul3A_228 = arith.muli %arg1, %mul3A_227 : i32
    %add3A_229 = arith.constant 1536 : i32
    %add3A_230 = arith.addi %mul3A_228, %add3A_229 : i32
    %add3A_231 = vector.broadcast %add3A_230 : i32 to vector<512x1xi32>
    %add3A_232 = arith.addi %broadcast_in_dim3A_226, %add3A_231 : vector<512x1xi32>
    %get3A_233 = arith.constant 1792 : index
    %get3A_234 = arith.constant 0 : index
    %get3A_235 = vector.load %arg3[%get3A_233, %get3A_234] : memref<4096x32xf32, #tpu.memory_space<vmem>>, vector<256x32xf32>
    %mul3A_236 = arith.mulf %get3A_235, %get3A_235 : vector<256x32xf32>
    %reduce_sum3A_237 = arith.constant dense<0.000000e+00> : vector<256xf32>
    %reduce_sum3A_238 = vector.multi_reduction <add>, %mul3A_236, %reduce_sum3A_237 [1] : vector<256x32xf32> to vector<256xf32>
    %dot_general3A_239 = arith.constant dense<0.000000e+00> : vector<512x256xf32>
    %dot_general3A_240 = tpu.matmul %get3A_1, %get3A_235, %dot_general3A_239 {dimension_numbers = #tpu.dot_dimension_numbers<[1], [1], [0], [0], [0, 0, 1, 0], [], []>, transpose_lhs_hint = false} : vector<512x32xf32>, vector<256x32xf32>, vector<512x256xf32> -> vector<512x256xf32>
    %broadcast_in_dim3A_241 = vector.shape_cast %reduce_sum3A_238 : vector<256xf32> to vector<1x256xf32>
    %add3A_242 = vector.broadcast %broadcast_in_dim3A : vector<512x1xf32> to vector<512x256xf32>
    %add3A_243 = vector.broadcast %broadcast_in_dim3A_241 : vector<1x256xf32> to vector<512x256xf32>
    %add3A_244 = arith.addf %add3A_242, %add3A_243 : vector<512x256xf32>
    %mul3A_245 = arith.constant 2.000000e+00 : f32
    %mul3A_246 = vector.broadcast %mul3A_245 : f32 to vector<512x256xf32>
    %mul3A_247 = arith.mulf %mul3A_246, %dot_general3A_240 : vector<512x256xf32>
    %sub3A_248 = arith.subf %add3A_244, %mul3A_247 : vector<512x256xf32>
    %reduce_min3A_249 = arith.constant dense<0x7F800000> : vector<512xf32>
    %reduce_min3A_250 = vector.multi_reduction <minimumf>, %sub3A_248, %reduce_min3A_249 [1] : vector<512x256xf32> to vector<512xf32>
    %broadcast_in_dim3A_251 = vector.shape_cast %reduce_min3A_250 : vector<512xf32> to vector<512x1xf32>
    %iota3A_252 = tpu.iota {dimensions = array<i32: 1>} : vector<512x256xi32>
    %eq3A_253 = vector.broadcast %broadcast_in_dim3A_251 : vector<512x1xf32> to vector<512x256xf32>
    %eq3A_254 = arith.cmpf oeq, %sub3A_248, %eq3A_253 : vector<512x256xf32>
    %jit3A_255 = arith.constant 8192 : i32
    %broadcast_in_dim3A_256 = vector.broadcast %jit3A_255 : i32 to vector<512x256xi32>
    %select_n3A_257 = arith.select %eq3A_254, %iota3A_252, %broadcast_in_dim3A_256 : vector<512x256xi1>, vector<512x256xi32>
    %reduce_min3A_258 = arith.constant dense<2147483647> : vector<512xi32>
    %reduce_min3A_259 = vector.multi_reduction <minsi>, %select_n3A_257, %reduce_min3A_258 [1] : vector<512x256xi32> to vector<512xi32>
    %broadcast_in_dim3A_260 = vector.shape_cast %reduce_min3A_259 : vector<512xi32> to vector<512x1xi32>
    %mul3A_261 = arith.constant 4096 : i32
    %mul3A_262 = arith.muli %arg1, %mul3A_261 : i32
    %add3A_263 = arith.constant 1792 : i32
    %add3A_264 = arith.addi %mul3A_262, %add3A_263 : i32
    %add3A_265 = vector.broadcast %add3A_264 : i32 to vector<512x1xi32>
    %add3A_266 = arith.addi %broadcast_in_dim3A_260, %add3A_265 : vector<512x1xi32>
    %get3A_267 = arith.constant 2048 : index
    %get3A_268 = arith.constant 0 : index
    %get3A_269 = vector.load %arg3[%get3A_267, %get3A_268] : memref<4096x32xf32, #tpu.memory_space<vmem>>, vector<256x32xf32>
    %mul3A_270 = arith.mulf %get3A_269, %get3A_269 : vector<256x32xf32>
    %reduce_sum3A_271 = arith.constant dense<0.000000e+00> : vector<256xf32>
    %reduce_sum3A_272 = vector.multi_reduction <add>, %mul3A_270, %reduce_sum3A_271 [1] : vector<256x32xf32> to vector<256xf32>
    %dot_general3A_273 = arith.constant dense<0.000000e+00> : vector<512x256xf32>
    %dot_general3A_274 = tpu.matmul %get3A_1, %get3A_269, %dot_general3A_273 {dimension_numbers = #tpu.dot_dimension_numbers<[1], [1], [0], [0], [0, 0, 1, 0], [], []>, transpose_lhs_hint = false} : vector<512x32xf32>, vector<256x32xf32>, vector<512x256xf32> -> vector<512x256xf32>
    %broadcast_in_dim3A_275 = vector.shape_cast %reduce_sum3A_272 : vector<256xf32> to vector<1x256xf32>
    %add3A_276 = vector.broadcast %broadcast_in_dim3A : vector<512x1xf32> to vector<512x256xf32>
    %add3A_277 = vector.broadcast %broadcast_in_dim3A_275 : vector<1x256xf32> to vector<512x256xf32>
    %add3A_278 = arith.addf %add3A_276, %add3A_277 : vector<512x256xf32>
    %mul3A_279 = arith.constant 2.000000e+00 : f32
    %mul3A_280 = vector.broadcast %mul3A_279 : f32 to vector<512x256xf32>
    %mul3A_281 = arith.mulf %mul3A_280, %dot_general3A_274 : vector<512x256xf32>
    %sub3A_282 = arith.subf %add3A_278, %mul3A_281 : vector<512x256xf32>
    %reduce_min3A_283 = arith.constant dense<0x7F800000> : vector<512xf32>
    %reduce_min3A_284 = vector.multi_reduction <minimumf>, %sub3A_282, %reduce_min3A_283 [1] : vector<512x256xf32> to vector<512xf32>
    %broadcast_in_dim3A_285 = vector.shape_cast %reduce_min3A_284 : vector<512xf32> to vector<512x1xf32>
    %iota3A_286 = tpu.iota {dimensions = array<i32: 1>} : vector<512x256xi32>
    %eq3A_287 = vector.broadcast %broadcast_in_dim3A_285 : vector<512x1xf32> to vector<512x256xf32>
    %eq3A_288 = arith.cmpf oeq, %sub3A_282, %eq3A_287 : vector<512x256xf32>
    %jit3A_289 = arith.constant 8192 : i32
    %broadcast_in_dim3A_290 = vector.broadcast %jit3A_289 : i32 to vector<512x256xi32>
    %select_n3A_291 = arith.select %eq3A_288, %iota3A_286, %broadcast_in_dim3A_290 : vector<512x256xi1>, vector<512x256xi32>
    %reduce_min3A_292 = arith.constant dense<2147483647> : vector<512xi32>
    %reduce_min3A_293 = vector.multi_reduction <minsi>, %select_n3A_291, %reduce_min3A_292 [1] : vector<512x256xi32> to vector<512xi32>
    %broadcast_in_dim3A_294 = vector.shape_cast %reduce_min3A_293 : vector<512xi32> to vector<512x1xi32>
    %mul3A_295 = arith.constant 4096 : i32
    %mul3A_296 = arith.muli %arg1, %mul3A_295 : i32
    %add3A_297 = arith.constant 2048 : i32
    %add3A_298 = arith.addi %mul3A_296, %add3A_297 : i32
    %add3A_299 = vector.broadcast %add3A_298 : i32 to vector<512x1xi32>
    %add3A_300 = arith.addi %broadcast_in_dim3A_294, %add3A_299 : vector<512x1xi32>
    %get3A_301 = arith.constant 2304 : index
    %get3A_302 = arith.constant 0 : index
    %get3A_303 = vector.load %arg3[%get3A_301, %get3A_302] : memref<4096x32xf32, #tpu.memory_space<vmem>>, vector<256x32xf32>
    %mul3A_304 = arith.mulf %get3A_303, %get3A_303 : vector<256x32xf32>
    %reduce_sum3A_305 = arith.constant dense<0.000000e+00> : vector<256xf32>
    %reduce_sum3A_306 = vector.multi_reduction <add>, %mul3A_304, %reduce_sum3A_305 [1] : vector<256x32xf32> to vector<256xf32>
    %dot_general3A_307 = arith.constant dense<0.000000e+00> : vector<512x256xf32>
    %dot_general3A_308 = tpu.matmul %get3A_1, %get3A_303, %dot_general3A_307 {dimension_numbers = #tpu.dot_dimension_numbers<[1], [1], [0], [0], [0, 0, 1, 0], [], []>, transpose_lhs_hint = false} : vector<512x32xf32>, vector<256x32xf32>, vector<512x256xf32> -> vector<512x256xf32>
    %broadcast_in_dim3A_309 = vector.shape_cast %reduce_sum3A_306 : vector<256xf32> to vector<1x256xf32>
    %add3A_310 = vector.broadcast %broadcast_in_dim3A : vector<512x1xf32> to vector<512x256xf32>
    %add3A_311 = vector.broadcast %broadcast_in_dim3A_309 : vector<1x256xf32> to vector<512x256xf32>
    %add3A_312 = arith.addf %add3A_310, %add3A_311 : vector<512x256xf32>
    %mul3A_313 = arith.constant 2.000000e+00 : f32
    %mul3A_314 = vector.broadcast %mul3A_313 : f32 to vector<512x256xf32>
    %mul3A_315 = arith.mulf %mul3A_314, %dot_general3A_308 : vector<512x256xf32>
    %sub3A_316 = arith.subf %add3A_312, %mul3A_315 : vector<512x256xf32>
    %reduce_min3A_317 = arith.constant dense<0x7F800000> : vector<512xf32>
    %reduce_min3A_318 = vector.multi_reduction <minimumf>, %sub3A_316, %reduce_min3A_317 [1] : vector<512x256xf32> to vector<512xf32>
    %broadcast_in_dim3A_319 = vector.shape_cast %reduce_min3A_318 : vector<512xf32> to vector<512x1xf32>
    %iota3A_320 = tpu.iota {dimensions = array<i32: 1>} : vector<512x256xi32>
    %eq3A_321 = vector.broadcast %broadcast_in_dim3A_319 : vector<512x1xf32> to vector<512x256xf32>
    %eq3A_322 = arith.cmpf oeq, %sub3A_316, %eq3A_321 : vector<512x256xf32>
    %jit3A_323 = arith.constant 8192 : i32
    %broadcast_in_dim3A_324 = vector.broadcast %jit3A_323 : i32 to vector<512x256xi32>
    %select_n3A_325 = arith.select %eq3A_322, %iota3A_320, %broadcast_in_dim3A_324 : vector<512x256xi1>, vector<512x256xi32>
    %reduce_min3A_326 = arith.constant dense<2147483647> : vector<512xi32>
    %reduce_min3A_327 = vector.multi_reduction <minsi>, %select_n3A_325, %reduce_min3A_326 [1] : vector<512x256xi32> to vector<512xi32>
    %broadcast_in_dim3A_328 = vector.shape_cast %reduce_min3A_327 : vector<512xi32> to vector<512x1xi32>
    %mul3A_329 = arith.constant 4096 : i32
    %mul3A_330 = arith.muli %arg1, %mul3A_329 : i32
    %add3A_331 = arith.constant 2304 : i32
    %add3A_332 = arith.addi %mul3A_330, %add3A_331 : i32
    %add3A_333 = vector.broadcast %add3A_332 : i32 to vector<512x1xi32>
    %add3A_334 = arith.addi %broadcast_in_dim3A_328, %add3A_333 : vector<512x1xi32>
    %get3A_335 = arith.constant 2560 : index
    %get3A_336 = arith.constant 0 : index
    %get3A_337 = vector.load %arg3[%get3A_335, %get3A_336] : memref<4096x32xf32, #tpu.memory_space<vmem>>, vector<256x32xf32>
    %mul3A_338 = arith.mulf %get3A_337, %get3A_337 : vector<256x32xf32>
    %reduce_sum3A_339 = arith.constant dense<0.000000e+00> : vector<256xf32>
    %reduce_sum3A_340 = vector.multi_reduction <add>, %mul3A_338, %reduce_sum3A_339 [1] : vector<256x32xf32> to vector<256xf32>
    %dot_general3A_341 = arith.constant dense<0.000000e+00> : vector<512x256xf32>
    %dot_general3A_342 = tpu.matmul %get3A_1, %get3A_337, %dot_general3A_341 {dimension_numbers = #tpu.dot_dimension_numbers<[1], [1], [0], [0], [0, 0, 1, 0], [], []>, transpose_lhs_hint = false} : vector<512x32xf32>, vector<256x32xf32>, vector<512x256xf32> -> vector<512x256xf32>
    %broadcast_in_dim3A_343 = vector.shape_cast %reduce_sum3A_340 : vector<256xf32> to vector<1x256xf32>
    %add3A_344 = vector.broadcast %broadcast_in_dim3A : vector<512x1xf32> to vector<512x256xf32>
    %add3A_345 = vector.broadcast %broadcast_in_dim3A_343 : vector<1x256xf32> to vector<512x256xf32>
    %add3A_346 = arith.addf %add3A_344, %add3A_345 : vector<512x256xf32>
    %mul3A_347 = arith.constant 2.000000e+00 : f32
    %mul3A_348 = vector.broadcast %mul3A_347 : f32 to vector<512x256xf32>
    %mul3A_349 = arith.mulf %mul3A_348, %dot_general3A_342 : vector<512x256xf32>
    %sub3A_350 = arith.subf %add3A_346, %mul3A_349 : vector<512x256xf32>
    %reduce_min3A_351 = arith.constant dense<0x7F800000> : vector<512xf32>
    %reduce_min3A_352 = vector.multi_reduction <minimumf>, %sub3A_350, %reduce_min3A_351 [1] : vector<512x256xf32> to vector<512xf32>
    %broadcast_in_dim3A_353 = vector.shape_cast %reduce_min3A_352 : vector<512xf32> to vector<512x1xf32>
    %iota3A_354 = tpu.iota {dimensions = array<i32: 1>} : vector<512x256xi32>
    %eq3A_355 = vector.broadcast %broadcast_in_dim3A_353 : vector<512x1xf32> to vector<512x256xf32>
    %eq3A_356 = arith.cmpf oeq, %sub3A_350, %eq3A_355 : vector<512x256xf32>
    %jit3A_357 = arith.constant 8192 : i32
    %broadcast_in_dim3A_358 = vector.broadcast %jit3A_357 : i32 to vector<512x256xi32>
    %select_n3A_359 = arith.select %eq3A_356, %iota3A_354, %broadcast_in_dim3A_358 : vector<512x256xi1>, vector<512x256xi32>
    %reduce_min3A_360 = arith.constant dense<2147483647> : vector<512xi32>
    %reduce_min3A_361 = vector.multi_reduction <minsi>, %select_n3A_359, %reduce_min3A_360 [1] : vector<512x256xi32> to vector<512xi32>
    %broadcast_in_dim3A_362 = vector.shape_cast %reduce_min3A_361 : vector<512xi32> to vector<512x1xi32>
    %mul3A_363 = arith.constant 4096 : i32
    %mul3A_364 = arith.muli %arg1, %mul3A_363 : i32
    %add3A_365 = arith.constant 2560 : i32
    %add3A_366 = arith.addi %mul3A_364, %add3A_365 : i32
    %add3A_367 = vector.broadcast %add3A_366 : i32 to vector<512x1xi32>
    %add3A_368 = arith.addi %broadcast_in_dim3A_362, %add3A_367 : vector<512x1xi32>
    %get3A_369 = arith.constant 2816 : index
    %get3A_370 = arith.constant 0 : index
    %get3A_371 = vector.load %arg3[%get3A_369, %get3A_370] : memref<4096x32xf32, #tpu.memory_space<vmem>>, vector<256x32xf32>
    %mul3A_372 = arith.mulf %get3A_371, %get3A_371 : vector<256x32xf32>
    %reduce_sum3A_373 = arith.constant dense<0.000000e+00> : vector<256xf32>
    %reduce_sum3A_374 = vector.multi_reduction <add>, %mul3A_372, %reduce_sum3A_373 [1] : vector<256x32xf32> to vector<256xf32>
    %dot_general3A_375 = arith.constant dense<0.000000e+00> : vector<512x256xf32>
    %dot_general3A_376 = tpu.matmul %get3A_1, %get3A_371, %dot_general3A_375 {dimension_numbers = #tpu.dot_dimension_numbers<[1], [1], [0], [0], [0, 0, 1, 0], [], []>, transpose_lhs_hint = false} : vector<512x32xf32>, vector<256x32xf32>, vector<512x256xf32> -> vector<512x256xf32>
    %broadcast_in_dim3A_377 = vector.shape_cast %reduce_sum3A_374 : vector<256xf32> to vector<1x256xf32>
    %add3A_378 = vector.broadcast %broadcast_in_dim3A : vector<512x1xf32> to vector<512x256xf32>
    %add3A_379 = vector.broadcast %broadcast_in_dim3A_377 : vector<1x256xf32> to vector<512x256xf32>
    %add3A_380 = arith.addf %add3A_378, %add3A_379 : vector<512x256xf32>
    %mul3A_381 = arith.constant 2.000000e+00 : f32
    %mul3A_382 = vector.broadcast %mul3A_381 : f32 to vector<512x256xf32>
    %mul3A_383 = arith.mulf %mul3A_382, %dot_general3A_376 : vector<512x256xf32>
    %sub3A_384 = arith.subf %add3A_380, %mul3A_383 : vector<512x256xf32>
    %reduce_min3A_385 = arith.constant dense<0x7F800000> : vector<512xf32>
    %reduce_min3A_386 = vector.multi_reduction <minimumf>, %sub3A_384, %reduce_min3A_385 [1] : vector<512x256xf32> to vector<512xf32>
    %broadcast_in_dim3A_387 = vector.shape_cast %reduce_min3A_386 : vector<512xf32> to vector<512x1xf32>
    %iota3A_388 = tpu.iota {dimensions = array<i32: 1>} : vector<512x256xi32>
    %eq3A_389 = vector.broadcast %broadcast_in_dim3A_387 : vector<512x1xf32> to vector<512x256xf32>
    %eq3A_390 = arith.cmpf oeq, %sub3A_384, %eq3A_389 : vector<512x256xf32>
    %jit3A_391 = arith.constant 8192 : i32
    %broadcast_in_dim3A_392 = vector.broadcast %jit3A_391 : i32 to vector<512x256xi32>
    %select_n3A_393 = arith.select %eq3A_390, %iota3A_388, %broadcast_in_dim3A_392 : vector<512x256xi1>, vector<512x256xi32>
    %reduce_min3A_394 = arith.constant dense<2147483647> : vector<512xi32>
    %reduce_min3A_395 = vector.multi_reduction <minsi>, %select_n3A_393, %reduce_min3A_394 [1] : vector<512x256xi32> to vector<512xi32>
    %broadcast_in_dim3A_396 = vector.shape_cast %reduce_min3A_395 : vector<512xi32> to vector<512x1xi32>
    %mul3A_397 = arith.constant 4096 : i32
    %mul3A_398 = arith.muli %arg1, %mul3A_397 : i32
    %add3A_399 = arith.constant 2816 : i32
    %add3A_400 = arith.addi %mul3A_398, %add3A_399 : i32
    %add3A_401 = vector.broadcast %add3A_400 : i32 to vector<512x1xi32>
    %add3A_402 = arith.addi %broadcast_in_dim3A_396, %add3A_401 : vector<512x1xi32>
    %get3A_403 = arith.constant 3072 : index
    %get3A_404 = arith.constant 0 : index
    %get3A_405 = vector.load %arg3[%get3A_403, %get3A_404] : memref<4096x32xf32, #tpu.memory_space<vmem>>, vector<256x32xf32>
    %mul3A_406 = arith.mulf %get3A_405, %get3A_405 : vector<256x32xf32>
    %reduce_sum3A_407 = arith.constant dense<0.000000e+00> : vector<256xf32>
    %reduce_sum3A_408 = vector.multi_reduction <add>, %mul3A_406, %reduce_sum3A_407 [1] : vector<256x32xf32> to vector<256xf32>
    %dot_general3A_409 = arith.constant dense<0.000000e+00> : vector<512x256xf32>
    %dot_general3A_410 = tpu.matmul %get3A_1, %get3A_405, %dot_general3A_409 {dimension_numbers = #tpu.dot_dimension_numbers<[1], [1], [0], [0], [0, 0, 1, 0], [], []>, transpose_lhs_hint = false} : vector<512x32xf32>, vector<256x32xf32>, vector<512x256xf32> -> vector<512x256xf32>
    %broadcast_in_dim3A_411 = vector.shape_cast %reduce_sum3A_408 : vector<256xf32> to vector<1x256xf32>
    %add3A_412 = vector.broadcast %broadcast_in_dim3A : vector<512x1xf32> to vector<512x256xf32>
    %add3A_413 = vector.broadcast %broadcast_in_dim3A_411 : vector<1x256xf32> to vector<512x256xf32>
    %add3A_414 = arith.addf %add3A_412, %add3A_413 : vector<512x256xf32>
    %mul3A_415 = arith.constant 2.000000e+00 : f32
    %mul3A_416 = vector.broadcast %mul3A_415 : f32 to vector<512x256xf32>
    %mul3A_417 = arith.mulf %mul3A_416, %dot_general3A_410 : vector<512x256xf32>
    %sub3A_418 = arith.subf %add3A_414, %mul3A_417 : vector<512x256xf32>
    %reduce_min3A_419 = arith.constant dense<0x7F800000> : vector<512xf32>
    %reduce_min3A_420 = vector.multi_reduction <minimumf>, %sub3A_418, %reduce_min3A_419 [1] : vector<512x256xf32> to vector<512xf32>
    %broadcast_in_dim3A_421 = vector.shape_cast %reduce_min3A_420 : vector<512xf32> to vector<512x1xf32>
    %iota3A_422 = tpu.iota {dimensions = array<i32: 1>} : vector<512x256xi32>
    %eq3A_423 = vector.broadcast %broadcast_in_dim3A_421 : vector<512x1xf32> to vector<512x256xf32>
    %eq3A_424 = arith.cmpf oeq, %sub3A_418, %eq3A_423 : vector<512x256xf32>
    %jit3A_425 = arith.constant 8192 : i32
    %broadcast_in_dim3A_426 = vector.broadcast %jit3A_425 : i32 to vector<512x256xi32>
    %select_n3A_427 = arith.select %eq3A_424, %iota3A_422, %broadcast_in_dim3A_426 : vector<512x256xi1>, vector<512x256xi32>
    %reduce_min3A_428 = arith.constant dense<2147483647> : vector<512xi32>
    %reduce_min3A_429 = vector.multi_reduction <minsi>, %select_n3A_427, %reduce_min3A_428 [1] : vector<512x256xi32> to vector<512xi32>
    %broadcast_in_dim3A_430 = vector.shape_cast %reduce_min3A_429 : vector<512xi32> to vector<512x1xi32>
    %mul3A_431 = arith.constant 4096 : i32
    %mul3A_432 = arith.muli %arg1, %mul3A_431 : i32
    %add3A_433 = arith.constant 3072 : i32
    %add3A_434 = arith.addi %mul3A_432, %add3A_433 : i32
    %add3A_435 = vector.broadcast %add3A_434 : i32 to vector<512x1xi32>
    %add3A_436 = arith.addi %broadcast_in_dim3A_430, %add3A_435 : vector<512x1xi32>
    %get3A_437 = arith.constant 3328 : index
    %get3A_438 = arith.constant 0 : index
    %get3A_439 = vector.load %arg3[%get3A_437, %get3A_438] : memref<4096x32xf32, #tpu.memory_space<vmem>>, vector<256x32xf32>
    %mul3A_440 = arith.mulf %get3A_439, %get3A_439 : vector<256x32xf32>
    %reduce_sum3A_441 = arith.constant dense<0.000000e+00> : vector<256xf32>
    %reduce_sum3A_442 = vector.multi_reduction <add>, %mul3A_440, %reduce_sum3A_441 [1] : vector<256x32xf32> to vector<256xf32>
    %dot_general3A_443 = arith.constant dense<0.000000e+00> : vector<512x256xf32>
    %dot_general3A_444 = tpu.matmul %get3A_1, %get3A_439, %dot_general3A_443 {dimension_numbers = #tpu.dot_dimension_numbers<[1], [1], [0], [0], [0, 0, 1, 0], [], []>, transpose_lhs_hint = false} : vector<512x32xf32>, vector<256x32xf32>, vector<512x256xf32> -> vector<512x256xf32>
    %broadcast_in_dim3A_445 = vector.shape_cast %reduce_sum3A_442 : vector<256xf32> to vector<1x256xf32>
    %add3A_446 = vector.broadcast %broadcast_in_dim3A : vector<512x1xf32> to vector<512x256xf32>
    %add3A_447 = vector.broadcast %broadcast_in_dim3A_445 : vector<1x256xf32> to vector<512x256xf32>
    %add3A_448 = arith.addf %add3A_446, %add3A_447 : vector<512x256xf32>
    %mul3A_449 = arith.constant 2.000000e+00 : f32
    %mul3A_450 = vector.broadcast %mul3A_449 : f32 to vector<512x256xf32>
    %mul3A_451 = arith.mulf %mul3A_450, %dot_general3A_444 : vector<512x256xf32>
    %sub3A_452 = arith.subf %add3A_448, %mul3A_451 : vector<512x256xf32>
    %reduce_min3A_453 = arith.constant dense<0x7F800000> : vector<512xf32>
    %reduce_min3A_454 = vector.multi_reduction <minimumf>, %sub3A_452, %reduce_min3A_453 [1] : vector<512x256xf32> to vector<512xf32>
    %broadcast_in_dim3A_455 = vector.shape_cast %reduce_min3A_454 : vector<512xf32> to vector<512x1xf32>
    %iota3A_456 = tpu.iota {dimensions = array<i32: 1>} : vector<512x256xi32>
    %eq3A_457 = vector.broadcast %broadcast_in_dim3A_455 : vector<512x1xf32> to vector<512x256xf32>
    %eq3A_458 = arith.cmpf oeq, %sub3A_452, %eq3A_457 : vector<512x256xf32>
    %jit3A_459 = arith.constant 8192 : i32
    %broadcast_in_dim3A_460 = vector.broadcast %jit3A_459 : i32 to vector<512x256xi32>
    %select_n3A_461 = arith.select %eq3A_458, %iota3A_456, %broadcast_in_dim3A_460 : vector<512x256xi1>, vector<512x256xi32>
    %reduce_min3A_462 = arith.constant dense<2147483647> : vector<512xi32>
    %reduce_min3A_463 = vector.multi_reduction <minsi>, %select_n3A_461, %reduce_min3A_462 [1] : vector<512x256xi32> to vector<512xi32>
    %broadcast_in_dim3A_464 = vector.shape_cast %reduce_min3A_463 : vector<512xi32> to vector<512x1xi32>
    %mul3A_465 = arith.constant 4096 : i32
    %mul3A_466 = arith.muli %arg1, %mul3A_465 : i32
    %add3A_467 = arith.constant 3328 : i32
    %add3A_468 = arith.addi %mul3A_466, %add3A_467 : i32
    %add3A_469 = vector.broadcast %add3A_468 : i32 to vector<512x1xi32>
    %add3A_470 = arith.addi %broadcast_in_dim3A_464, %add3A_469 : vector<512x1xi32>
    %get3A_471 = arith.constant 3584 : index
    %get3A_472 = arith.constant 0 : index
    %get3A_473 = vector.load %arg3[%get3A_471, %get3A_472] : memref<4096x32xf32, #tpu.memory_space<vmem>>, vector<256x32xf32>
    %mul3A_474 = arith.mulf %get3A_473, %get3A_473 : vector<256x32xf32>
    %reduce_sum3A_475 = arith.constant dense<0.000000e+00> : vector<256xf32>
    %reduce_sum3A_476 = vector.multi_reduction <add>, %mul3A_474, %reduce_sum3A_475 [1] : vector<256x32xf32> to vector<256xf32>
    %dot_general3A_477 = arith.constant dense<0.000000e+00> : vector<512x256xf32>
    %dot_general3A_478 = tpu.matmul %get3A_1, %get3A_473, %dot_general3A_477 {dimension_numbers = #tpu.dot_dimension_numbers<[1], [1], [0], [0], [0, 0, 1, 0], [], []>, transpose_lhs_hint = false} : vector<512x32xf32>, vector<256x32xf32>, vector<512x256xf32> -> vector<512x256xf32>
    %broadcast_in_dim3A_479 = vector.shape_cast %reduce_sum3A_476 : vector<256xf32> to vector<1x256xf32>
    %add3A_480 = vector.broadcast %broadcast_in_dim3A : vector<512x1xf32> to vector<512x256xf32>
    %add3A_481 = vector.broadcast %broadcast_in_dim3A_479 : vector<1x256xf32> to vector<512x256xf32>
    %add3A_482 = arith.addf %add3A_480, %add3A_481 : vector<512x256xf32>
    %mul3A_483 = arith.constant 2.000000e+00 : f32
    %mul3A_484 = vector.broadcast %mul3A_483 : f32 to vector<512x256xf32>
    %mul3A_485 = arith.mulf %mul3A_484, %dot_general3A_478 : vector<512x256xf32>
    %sub3A_486 = arith.subf %add3A_482, %mul3A_485 : vector<512x256xf32>
    %reduce_min3A_487 = arith.constant dense<0x7F800000> : vector<512xf32>
    %reduce_min3A_488 = vector.multi_reduction <minimumf>, %sub3A_486, %reduce_min3A_487 [1] : vector<512x256xf32> to vector<512xf32>
    %broadcast_in_dim3A_489 = vector.shape_cast %reduce_min3A_488 : vector<512xf32> to vector<512x1xf32>
    %iota3A_490 = tpu.iota {dimensions = array<i32: 1>} : vector<512x256xi32>
    %eq3A_491 = vector.broadcast %broadcast_in_dim3A_489 : vector<512x1xf32> to vector<512x256xf32>
    %eq3A_492 = arith.cmpf oeq, %sub3A_486, %eq3A_491 : vector<512x256xf32>
    %jit3A_493 = arith.constant 8192 : i32
    %broadcast_in_dim3A_494 = vector.broadcast %jit3A_493 : i32 to vector<512x256xi32>
    %select_n3A_495 = arith.select %eq3A_492, %iota3A_490, %broadcast_in_dim3A_494 : vector<512x256xi1>, vector<512x256xi32>
    %reduce_min3A_496 = arith.constant dense<2147483647> : vector<512xi32>
    %reduce_min3A_497 = vector.multi_reduction <minsi>, %select_n3A_495, %reduce_min3A_496 [1] : vector<512x256xi32> to vector<512xi32>
    %broadcast_in_dim3A_498 = vector.shape_cast %reduce_min3A_497 : vector<512xi32> to vector<512x1xi32>
    %mul3A_499 = arith.constant 4096 : i32
    %mul3A_500 = arith.muli %arg1, %mul3A_499 : i32
    %add3A_501 = arith.constant 3584 : i32
    %add3A_502 = arith.addi %mul3A_500, %add3A_501 : i32
    %add3A_503 = vector.broadcast %add3A_502 : i32 to vector<512x1xi32>
    %add3A_504 = arith.addi %broadcast_in_dim3A_498, %add3A_503 : vector<512x1xi32>
    %get3A_505 = arith.constant 3840 : index
    %get3A_506 = arith.constant 0 : index
    %get3A_507 = vector.load %arg3[%get3A_505, %get3A_506] : memref<4096x32xf32, #tpu.memory_space<vmem>>, vector<256x32xf32>
    %mul3A_508 = arith.mulf %get3A_507, %get3A_507 : vector<256x32xf32>
    %reduce_sum3A_509 = arith.constant dense<0.000000e+00> : vector<256xf32>
    %reduce_sum3A_510 = vector.multi_reduction <add>, %mul3A_508, %reduce_sum3A_509 [1] : vector<256x32xf32> to vector<256xf32>
    %dot_general3A_511 = arith.constant dense<0.000000e+00> : vector<512x256xf32>
    %dot_general3A_512 = tpu.matmul %get3A_1, %get3A_507, %dot_general3A_511 {dimension_numbers = #tpu.dot_dimension_numbers<[1], [1], [0], [0], [0, 0, 1, 0], [], []>, transpose_lhs_hint = false} : vector<512x32xf32>, vector<256x32xf32>, vector<512x256xf32> -> vector<512x256xf32>
    %broadcast_in_dim3A_513 = vector.shape_cast %reduce_sum3A_510 : vector<256xf32> to vector<1x256xf32>
    %add3A_514 = vector.broadcast %broadcast_in_dim3A : vector<512x1xf32> to vector<512x256xf32>
    %add3A_515 = vector.broadcast %broadcast_in_dim3A_513 : vector<1x256xf32> to vector<512x256xf32>
    %add3A_516 = arith.addf %add3A_514, %add3A_515 : vector<512x256xf32>
    %mul3A_517 = arith.constant 2.000000e+00 : f32
    %mul3A_518 = vector.broadcast %mul3A_517 : f32 to vector<512x256xf32>
    %mul3A_519 = arith.mulf %mul3A_518, %dot_general3A_512 : vector<512x256xf32>
    %sub3A_520 = arith.subf %add3A_516, %mul3A_519 : vector<512x256xf32>
    %reduce_min3A_521 = arith.constant dense<0x7F800000> : vector<512xf32>
    %reduce_min3A_522 = vector.multi_reduction <minimumf>, %sub3A_520, %reduce_min3A_521 [1] : vector<512x256xf32> to vector<512xf32>
    %broadcast_in_dim3A_523 = vector.shape_cast %reduce_min3A_522 : vector<512xf32> to vector<512x1xf32>
    %iota3A_524 = tpu.iota {dimensions = array<i32: 1>} : vector<512x256xi32>
    %eq3A_525 = vector.broadcast %broadcast_in_dim3A_523 : vector<512x1xf32> to vector<512x256xf32>
    %eq3A_526 = arith.cmpf oeq, %sub3A_520, %eq3A_525 : vector<512x256xf32>
    %jit3A_527 = arith.constant 8192 : i32
    %broadcast_in_dim3A_528 = vector.broadcast %jit3A_527 : i32 to vector<512x256xi32>
    %select_n3A_529 = arith.select %eq3A_526, %iota3A_524, %broadcast_in_dim3A_528 : vector<512x256xi1>, vector<512x256xi32>
    %reduce_min3A_530 = arith.constant dense<2147483647> : vector<512xi32>
    %reduce_min3A_531 = vector.multi_reduction <minsi>, %select_n3A_529, %reduce_min3A_530 [1] : vector<512x256xi32> to vector<512xi32>
    %broadcast_in_dim3A_532 = vector.shape_cast %reduce_min3A_531 : vector<512xi32> to vector<512x1xi32>
    %mul3A_533 = arith.constant 4096 : i32
    %mul3A_534 = arith.muli %arg1, %mul3A_533 : i32
    %add3A_535 = arith.constant 3840 : i32
    %add3A_536 = arith.addi %mul3A_534, %add3A_535 : i32
    %add3A_537 = vector.broadcast %add3A_536 : i32 to vector<512x1xi32>
    %add3A_538 = arith.addi %broadcast_in_dim3A_532, %add3A_537 : vector<512x1xi32>
    %lt3A = arith.cmpf olt, %broadcast_in_dim3A_47, %broadcast_in_dim3A_17 : vector<512x1xf32>
    %select_n3A_539 = arith.select %lt3A, %broadcast_in_dim3A_47, %broadcast_in_dim3A_17 : vector<512x1xi1>, vector<512x1xf32>
    %select_n3A_540 = arith.select %lt3A, %add3A_62, %add3A_28 : vector<512x1xi1>, vector<512x1xi32>
    %lt3A_541 = arith.cmpf olt, %broadcast_in_dim3A_115, %broadcast_in_dim3A_81 : vector<512x1xf32>
    %select_n3A_542 = arith.select %lt3A_541, %broadcast_in_dim3A_115, %broadcast_in_dim3A_81 : vector<512x1xi1>, vector<512x1xf32>
    %select_n3A_543 = arith.select %lt3A_541, %add3A_130, %add3A_96 : vector<512x1xi1>, vector<512x1xi32>
    %lt3A_544 = arith.cmpf olt, %broadcast_in_dim3A_183, %broadcast_in_dim3A_149 : vector<512x1xf32>
    %select_n3A_545 = arith.select %lt3A_544, %broadcast_in_dim3A_183, %broadcast_in_dim3A_149 : vector<512x1xi1>, vector<512x1xf32>
    %select_n3A_546 = arith.select %lt3A_544, %add3A_198, %add3A_164 : vector<512x1xi1>, vector<512x1xi32>
    %lt3A_547 = arith.cmpf olt, %broadcast_in_dim3A_251, %broadcast_in_dim3A_217 : vector<512x1xf32>
    %select_n3A_548 = arith.select %lt3A_547, %broadcast_in_dim3A_251, %broadcast_in_dim3A_217 : vector<512x1xi1>, vector<512x1xf32>
    %select_n3A_549 = arith.select %lt3A_547, %add3A_266, %add3A_232 : vector<512x1xi1>, vector<512x1xi32>
    %lt3A_550 = arith.cmpf olt, %broadcast_in_dim3A_319, %broadcast_in_dim3A_285 : vector<512x1xf32>
    %select_n3A_551 = arith.select %lt3A_550, %broadcast_in_dim3A_319, %broadcast_in_dim3A_285 : vector<512x1xi1>, vector<512x1xf32>
    %select_n3A_552 = arith.select %lt3A_550, %add3A_334, %add3A_300 : vector<512x1xi1>, vector<512x1xi32>
    %lt3A_553 = arith.cmpf olt, %broadcast_in_dim3A_387, %broadcast_in_dim3A_353 : vector<512x1xf32>
    %select_n3A_554 = arith.select %lt3A_553, %broadcast_in_dim3A_387, %broadcast_in_dim3A_353 : vector<512x1xi1>, vector<512x1xf32>
    %select_n3A_555 = arith.select %lt3A_553, %add3A_402, %add3A_368 : vector<512x1xi1>, vector<512x1xi32>
    %lt3A_556 = arith.cmpf olt, %broadcast_in_dim3A_455, %broadcast_in_dim3A_421 : vector<512x1xf32>
    %select_n3A_557 = arith.select %lt3A_556, %broadcast_in_dim3A_455, %broadcast_in_dim3A_421 : vector<512x1xi1>, vector<512x1xf32>
    %select_n3A_558 = arith.select %lt3A_556, %add3A_470, %add3A_436 : vector<512x1xi1>, vector<512x1xi32>
    %lt3A_559 = arith.cmpf olt, %broadcast_in_dim3A_523, %broadcast_in_dim3A_489 : vector<512x1xf32>
    %select_n3A_560 = arith.select %lt3A_559, %broadcast_in_dim3A_523, %broadcast_in_dim3A_489 : vector<512x1xi1>, vector<512x1xf32>
    %select_n3A_561 = arith.select %lt3A_559, %add3A_538, %add3A_504 : vector<512x1xi1>, vector<512x1xi32>
    %lt3A_562 = arith.cmpf olt, %select_n3A_542, %select_n3A_539 : vector<512x1xf32>
    %select_n3A_563 = arith.select %lt3A_562, %select_n3A_542, %select_n3A_539 : vector<512x1xi1>, vector<512x1xf32>
    %select_n3A_564 = arith.select %lt3A_562, %select_n3A_543, %select_n3A_540 : vector<512x1xi1>, vector<512x1xi32>
    %lt3A_565 = arith.cmpf olt, %select_n3A_548, %select_n3A_545 : vector<512x1xf32>
    %select_n3A_566 = arith.select %lt3A_565, %select_n3A_548, %select_n3A_545 : vector<512x1xi1>, vector<512x1xf32>
    %select_n3A_567 = arith.select %lt3A_565, %select_n3A_549, %select_n3A_546 : vector<512x1xi1>, vector<512x1xi32>
    %lt3A_568 = arith.cmpf olt, %select_n3A_554, %select_n3A_551 : vector<512x1xf32>
    %select_n3A_569 = arith.select %lt3A_568, %select_n3A_554, %select_n3A_551 : vector<512x1xi1>, vector<512x1xf32>
    %select_n3A_570 = arith.select %lt3A_568, %select_n3A_555, %select_n3A_552 : vector<512x1xi1>, vector<512x1xi32>
    %lt3A_571 = arith.cmpf olt, %select_n3A_560, %select_n3A_557 : vector<512x1xf32>
    %select_n3A_572 = arith.select %lt3A_571, %select_n3A_560, %select_n3A_557 : vector<512x1xi1>, vector<512x1xf32>
    %select_n3A_573 = arith.select %lt3A_571, %select_n3A_561, %select_n3A_558 : vector<512x1xi1>, vector<512x1xi32>
    %lt3A_574 = arith.cmpf olt, %select_n3A_566, %select_n3A_563 : vector<512x1xf32>
    %select_n3A_575 = arith.select %lt3A_574, %select_n3A_566, %select_n3A_563 : vector<512x1xi1>, vector<512x1xf32>
    %select_n3A_576 = arith.select %lt3A_574, %select_n3A_567, %select_n3A_564 : vector<512x1xi1>, vector<512x1xi32>
    %lt3A_577 = arith.cmpf olt, %select_n3A_572, %select_n3A_569 : vector<512x1xf32>
    %select_n3A_578 = arith.select %lt3A_577, %select_n3A_572, %select_n3A_569 : vector<512x1xi1>, vector<512x1xf32>
    %select_n3A_579 = arith.select %lt3A_577, %select_n3A_573, %select_n3A_570 : vector<512x1xi1>, vector<512x1xi32>
    %lt3A_580 = arith.cmpf olt, %select_n3A_578, %select_n3A_575 : vector<512x1xf32>
    %select_n3A_581 = arith.select %lt3A_580, %select_n3A_578, %select_n3A_575 : vector<512x1xi1>, vector<512x1xf32>
    %select_n3A_582 = arith.select %lt3A_580, %select_n3A_579, %select_n3A_576 : vector<512x1xi1>, vector<512x1xi32>
    %eq3A_583 = arith.constant 0 : i32
    %eq3A_584 = arith.cmpi eq, %arg1, %eq3A_583 : i32
    %convert_element_type3A = arith.extui %eq3A_584 : i1 to i32
    %cond3A = arith.constant 0 : i32
    %cond3A_585 = arith.cmpi ne, %convert_element_type3A, %cond3A : i32
    scf.if %cond3A_585 {
      %convert_element_type3A_595 = arith.truncf %select_n3A_581 : vector<512x1xf32> to vector<512x1xbf16>
      %convert_element_type3A_596 = arith.extf %convert_element_type3A_595 : vector<512x1xbf16> to vector<512x1xf32>
      %swap3A = arith.constant 0 : index
      %swap3A_597 = arith.constant 0 : index
      %swap3A_598 = vector.load %arg5[%swap3A, %swap3A_597] : memref<512x1xf32, #tpu.memory_space<vmem>>, vector<512x1xf32>
      tpu.vector_store %arg5[%swap3A, %swap3A_597], %convert_element_type3A_596 {strides = array<i32>} : memref<512x1xf32, #tpu.memory_space<vmem>>, vector<512x1xf32>,
      %swap3A_599 = arith.constant 0 : index
      %swap3A_600 = arith.constant 0 : index
      %swap3A_601 = vector.load %arg6[%swap3A_599, %swap3A_600] : memref<512x1xi32, #tpu.memory_space<vmem>>, vector<512x1xi32>
      tpu.vector_store %arg6[%swap3A_599, %swap3A_600], %select_n3A_582 {strides = array<i32>} : memref<512x1xi32, #tpu.memory_space<vmem>>, vector<512x1xi32>,
    } else {
    }
    %gt3A = arith.constant 0 : i32
    %gt3A_586 = arith.cmpi sgt, %arg1, %gt3A : i32
    %convert_element_type3A_587 = arith.extui %gt3A_586 : i1 to i32
    %cond3A_588 = arith.constant 0 : i32
    %cond3A_589 = arith.cmpi ne, %convert_element_type3A_587, %cond3A_588 : i32
    scf.if %cond3A_589 {
      %get3A_595 = arith.constant 0 : index
      %get3A_596 = arith.constant 0 : index
      %get3A_597 = vector.load %arg5[%get3A_595, %get3A_596] : memref<512x1xf32, #tpu.memory_space<vmem>>, vector<512x1xf32>
      %lt3A_598 = arith.cmpf olt, %select_n3A_581, %get3A_597 : vector<512x1xf32>
      %get3A_599 = arith.constant 0 : index
      %get3A_600 = arith.constant 0 : index
      %get3A_601 = vector.load %arg6[%get3A_599, %get3A_600] : memref<512x1xi32, #tpu.memory_space<vmem>>, vector<512x1xi32>
      %select_n3A_602 = arith.select %lt3A_598, %select_n3A_582, %get3A_601 : vector<512x1xi1>, vector<512x1xi32>
      %swap3A = arith.constant 0 : index
      %swap3A_603 = arith.constant 0 : index
      %swap3A_604 = vector.load %arg6[%swap3A, %swap3A_603] : memref<512x1xi32, #tpu.memory_space<vmem>>, vector<512x1xi32>
      tpu.vector_store %arg6[%swap3A, %swap3A_603], %select_n3A_602 {strides = array<i32>} : memref<512x1xi32, #tpu.memory_space<vmem>>, vector<512x1xi32>,
      %get3A_605 = arith.constant 0 : index
      %get3A_606 = arith.constant 0 : index
      %get3A_607 = vector.load %arg5[%get3A_605, %get3A_606] : memref<512x1xf32, #tpu.memory_space<vmem>>, vector<512x1xf32>
      %select_n3A_608 = arith.select %lt3A_598, %select_n3A_581, %get3A_607 : vector<512x1xi1>, vector<512x1xf32>
      %convert_element_type3A_609 = arith.truncf %select_n3A_608 : vector<512x1xf32> to vector<512x1xbf16>
      %convert_element_type3A_610 = arith.extf %convert_element_type3A_609 : vector<512x1xbf16> to vector<512x1xf32>
      %swap3A_611 = arith.constant 0 : index
      %swap3A_612 = arith.constant 0 : index
      %swap3A_613 = vector.load %arg5[%swap3A_611, %swap3A_612] : memref<512x1xf32, #tpu.memory_space<vmem>>, vector<512x1xf32>
      tpu.vector_store %arg5[%swap3A_611, %swap3A_612], %convert_element_type3A_610 {strides = array<i32>} : memref<512x1xf32, #tpu.memory_space<vmem>>, vector<512x1xf32>,
    } else {
    }
    %eq3A_590 = arith.constant 1 : i32
    %eq3A_591 = arith.cmpi eq, %arg1, %eq3A_590 : i32
    %convert_element_type3A_592 = arith.extui %eq3A_591 : i1 to i32
    %cond3A_593 = arith.constant 0 : i32
    %cond3A_594 = arith.cmpi ne, %convert_element_type3A_592, %cond3A_593 : i32
    scf.if %cond3A_594 {
      %get3A_595 = arith.constant 0 : index
      %get3A_596 = arith.constant 0 : index
      %get3A_597 = vector.load %arg6[%get3A_595, %get3A_596] : memref<512x1xi32, #tpu.memory_space<vmem>>, vector<512x1xi32>
      %swap3A = arith.constant 0 : index
      %swap3A_598 = arith.constant 0 : index
      %swap3A_599 = vector.load %arg4[%swap3A, %swap3A_598] : memref<512x1xi32, #tpu.memory_space<vmem>>, vector<512x1xi32>
      tpu.vector_store %arg4[%swap3A, %swap3A_598], %get3A_597 {strides = array<i32>} : memref<512x1xi32, #tpu.memory_space<vmem>>, vector<512x1xi32>,
    } else {
    }
    return
  }
  func.func @transform_0(%arg0: i32, %arg1: i32) -> (i32, i32) {
    %c0_i32 = arith.constant 0 : i32
    %c0_i32_0 = arith.constant 0 : i32
    return %arg0, %c0_i32 : i32, i32
  }
  func.func @transform_1(%arg0: i32, %arg1: i32) -> (i32, i32) {
    %c0_i32 = arith.constant 0 : i32
    %c0_i32_0 = arith.constant 0 : i32
    return %arg1, %c0_i32 : i32, i32
  }
  func.func @transform_2(%arg0: i32, %arg1: i32) -> (i32, i32) {
    %c0_i32 = arith.constant 0 : i32
    %c0_i32_0 = arith.constant 0 : i32
    return %arg0, %c0_i32 : i32, i32
  }
}

module attributes {stable_mosaic.version = 14 : i64} {
  func.func @_argmin_body(%arg0: i32, %arg1: i32, %arg2: memref<512x32xf32, #tpu.memory_space<vmem>>, %arg3: memref<4096x32xf32, #tpu.memory_space<vmem>>, %arg4: memref<512x1xi32, #tpu.memory_space<vmem>>, %arg5: memref<512x1xf32, #tpu.memory_space<vmem>>, %arg6: memref<512x1xi32, #tpu.memory_space<vmem>>) attributes {dimension_semantics = [#tpu.dimension_semantics<arbitrary>, #tpu.dimension_semantics<arbitrary>], iteration_bounds = array<i64: 32, 2>, scalar_prefetch = 0 : i64, scratch_operands = 2 : i64, tpu.core_type = #tpu.core_type<tc>, window_params = [{transform_indices = @transform_0, window_bounds = array<i64: 512, 32>}, {transform_indices = @transform_1, window_bounds = array<i64: 4096, 32>}, {transform_indices = @transform_2, window_bounds = array<i64: 512, 1>}]} {
    %get3A = arith.constant 0 : index
    %get3A_0 = arith.constant 0 : index
    %get3A_1 = vector.load %arg2[%get3A, %get3A_0] : memref<512x32xf32, #tpu.memory_space<vmem>>, vector<512x32xf32>
    %mul3A = arith.mulf %get3A_1, %get3A_1 : vector<512x32xf32>
    %reduce_sum3A = arith.constant dense<0.000000e+00> : vector<512xf32>
    %reduce_sum3A_2 = vector.multi_reduction <add>, %mul3A, %reduce_sum3A [1] : vector<512x32xf32> to vector<512xf32>
    %broadcast_in_dim3A = vector.shape_cast %reduce_sum3A_2 : vector<512xf32> to vector<512x1xf32>
    %get3A_3 = arith.constant 0 : index
    %get3A_4 = arith.constant 0 : index
    %get3A_5 = vector.load %arg3[%get3A_3, %get3A_4] : memref<4096x32xf32, #tpu.memory_space<vmem>>, vector<256x32xf32>
    %mul3A_6 = arith.mulf %get3A_5, %get3A_5 : vector<256x32xf32>
    %reduce_sum3A_7 = arith.constant dense<0.000000e+00> : vector<256xf32>
    %reduce_sum3A_8 = vector.multi_reduction <add>, %mul3A_6, %reduce_sum3A_7 [1] : vector<256x32xf32> to vector<256xf32>
    %dot_general3A = arith.constant dense<0.000000e+00> : vector<512x256xf32>
    %dot_general3A_9 = tpu.matmul %get3A_1, %get3A_5, %dot_general3A {dimension_numbers = #tpu.dot_dimension_numbers<[1], [1], [0], [0], [0, 0, 1, 0], [], []>, transpose_lhs_hint = false} : vector<512x32xf32>, vector<256x32xf32>, vector<512x256xf32> -> vector<512x256xf32>
    %broadcast_in_dim3A_10 = vector.shape_cast %reduce_sum3A_8 : vector<256xf32> to vector<1x256xf32>
    %add3A = vector.broadcast %broadcast_in_dim3A : vector<512x1xf32> to vector<512x256xf32>
    %add3A_11 = vector.broadcast %broadcast_in_dim3A_10 : vector<1x256xf32> to vector<512x256xf32>
    %add3A_12 = arith.addf %add3A, %add3A_11 : vector<512x256xf32>
    %mul3A_13 = arith.constant 2.000000e+00 : f32
    %mul3A_14 = vector.broadcast %mul3A_13 : f32 to vector<512x256xf32>
    %mul3A_15 = arith.mulf %mul3A_14, %dot_general3A_9 : vector<512x256xf32>
    %sub3A = arith.subf %add3A_12, %mul3A_15 : vector<512x256xf32>
    %reduce_min3A = arith.constant dense<0x7F800000> : vector<512xf32>
    %reduce_min3A_16 = vector.multi_reduction <minimumf>, %sub3A, %reduce_min3A [1] : vector<512x256xf32> to vector<512xf32>
    %broadcast_in_dim3A_17 = vector.shape_cast %reduce_min3A_16 : vector<512xf32> to vector<512x1xf32>
    %iota3A = tpu.iota {dimensions = array<i32: 1>} : vector<512x256xi32>
    %eq3A = vector.broadcast %broadcast_in_dim3A_17 : vector<512x1xf32> to vector<512x256xf32>
    %eq3A_18 = arith.cmpf oeq, %sub3A, %eq3A : vector<512x256xf32>
    %jit3A = arith.constant 8192 : i32
    %broadcast_in_dim3A_19 = vector.broadcast %jit3A : i32 to vector<512x256xi32>
    %select_n3A = arith.select %eq3A_18, %iota3A, %broadcast_in_dim3A_19 : vector<512x256xi1>, vector<512x256xi32>
    %reduce_min3A_20 = arith.constant dense<2147483647> : vector<512xi32>
    %reduce_min3A_21 = vector.multi_reduction <minsi>, %select_n3A, %reduce_min3A_20 [1] : vector<512x256xi32> to vector<512xi32>
    %broadcast_in_dim3A_22 = vector.shape_cast %reduce_min3A_21 : vector<512xi32> to vector<512x1xi32>
    %mul3A_23 = arith.constant 4096 : i32
    %mul3A_24 = arith.muli %arg1, %mul3A_23 : i32
    %add3A_25 = arith.constant 0 : i32
    %add3A_26 = arith.addi %mul3A_24, %add3A_25 : i32
    %add3A_27 = vector.broadcast %add3A_26 : i32 to vector<512x1xi32>
    %add3A_28 = arith.addi %broadcast_in_dim3A_22, %add3A_27 : vector<512x1xi32>
    %get3A_29 = arith.constant 256 : index
    %get3A_30 = arith.constant 0 : index
    %get3A_31 = vector.load %arg3[%get3A_29, %get3A_30] : memref<4096x32xf32, #tpu.memory_space<vmem>>, vector<256x32xf32>
    %mul3A_32 = arith.mulf %get3A_31, %get3A_31 : vector<256x32xf32>
    %reduce_sum3A_33 = arith.constant dense<0.000000e+00> : vector<256xf32>
    %reduce_sum3A_34 = vector.multi_reduction <add>, %mul3A_32, %reduce_sum3A_33 [1] : vector<256x32xf32> to vector<256xf32>
    %dot_general3A_35 = arith.constant dense<0.000000e+00> : vector<512x256xf32>
    %dot_general3A_36 = tpu.matmul %get3A_1, %get3A_31, %dot_general3A_35 {dimension_numbers = #tpu.dot_dimension_numbers<[1], [1], [0], [0], [0, 0, 1, 0], [], []>, transpose_lhs_hint = false} : vector<512x32xf32>, vector<256x32xf32>, vector<512x256xf32> -> vector<512x256xf32>
    %broadcast_in_dim3A_37 = vector.shape_cast %reduce_sum3A_34 : vector<256xf32> to vector<1x256xf32>
    %add3A_38 = vector.broadcast %broadcast_in_dim3A : vector<512x1xf32> to vector<512x256xf32>
    %add3A_39 = vector.broadcast %broadcast_in_dim3A_37 : vector<1x256xf32> to vector<512x256xf32>
    %add3A_40 = arith.addf %add3A_38, %add3A_39 : vector<512x256xf32>
    %mul3A_41 = arith.constant 2.000000e+00 : f32
    %mul3A_42 = vector.broadcast %mul3A_41 : f32 to vector<512x256xf32>
    %mul3A_43 = arith.mulf %mul3A_42, %dot_general3A_36 : vector<512x256xf32>
    %sub3A_44 = arith.subf %add3A_40, %mul3A_43 : vector<512x256xf32>
    %reduce_min3A_45 = arith.constant dense<0x7F800000> : vector<512xf32>
    %reduce_min3A_46 = vector.multi_reduction <minimumf>, %sub3A_44, %reduce_min3A_45 [1] : vector<512x256xf32> to vector<512xf32>
    %broadcast_in_dim3A_47 = vector.shape_cast %reduce_min3A_46 : vector<512xf32> to vector<512x1xf32>
    %iota3A_48 = tpu.iota {dimensions = array<i32: 1>} : vector<512x256xi32>
    %eq3A_49 = vector.broadcast %broadcast_in_dim3A_47 : vector<512x1xf32> to vector<512x256xf32>
    %eq3A_50 = arith.cmpf oeq, %sub3A_44, %eq3A_49 : vector<512x256xf32>
    %jit3A_51 = arith.constant 8192 : i32
    %broadcast_in_dim3A_52 = vector.broadcast %jit3A_51 : i32 to vector<512x256xi32>
    %select_n3A_53 = arith.select %eq3A_50, %iota3A_48, %broadcast_in_dim3A_52 : vector<512x256xi1>, vector<512x256xi32>
    %reduce_min3A_54 = arith.constant dense<2147483647> : vector<512xi32>
    %reduce_min3A_55 = vector.multi_reduction <minsi>, %select_n3A_53, %reduce_min3A_54 [1] : vector<512x256xi32> to vector<512xi32>
    %broadcast_in_dim3A_56 = vector.shape_cast %reduce_min3A_55 : vector<512xi32> to vector<512x1xi32>
    %mul3A_57 = arith.constant 4096 : i32
    %mul3A_58 = arith.muli %arg1, %mul3A_57 : i32
    %add3A_59 = arith.constant 256 : i32
    %add3A_60 = arith.addi %mul3A_58, %add3A_59 : i32
    %add3A_61 = vector.broadcast %add3A_60 : i32 to vector<512x1xi32>
    %add3A_62 = arith.addi %broadcast_in_dim3A_56, %add3A_61 : vector<512x1xi32>
    %get3A_63 = arith.constant 512 : index
    %get3A_64 = arith.constant 0 : index
    %get3A_65 = vector.load %arg3[%get3A_63, %get3A_64] : memref<4096x32xf32, #tpu.memory_space<vmem>>, vector<256x32xf32>
    %mul3A_66 = arith.mulf %get3A_65, %get3A_65 : vector<256x32xf32>
    %reduce_sum3A_67 = arith.constant dense<0.000000e+00> : vector<256xf32>
    %reduce_sum3A_68 = vector.multi_reduction <add>, %mul3A_66, %reduce_sum3A_67 [1] : vector<256x32xf32> to vector<256xf32>
    %dot_general3A_69 = arith.constant dense<0.000000e+00> : vector<512x256xf32>
    %dot_general3A_70 = tpu.matmul %get3A_1, %get3A_65, %dot_general3A_69 {dimension_numbers = #tpu.dot_dimension_numbers<[1], [1], [0], [0], [0, 0, 1, 0], [], []>, transpose_lhs_hint = false} : vector<512x32xf32>, vector<256x32xf32>, vector<512x256xf32> -> vector<512x256xf32>
    %broadcast_in_dim3A_71 = vector.shape_cast %reduce_sum3A_68 : vector<256xf32> to vector<1x256xf32>
    %add3A_72 = vector.broadcast %broadcast_in_dim3A : vector<512x1xf32> to vector<512x256xf32>
    %add3A_73 = vector.broadcast %broadcast_in_dim3A_71 : vector<1x256xf32> to vector<512x256xf32>
    %add3A_74 = arith.addf %add3A_72, %add3A_73 : vector<512x256xf32>
    %mul3A_75 = arith.constant 2.000000e+00 : f32
    %mul3A_76 = vector.broadcast %mul3A_75 : f32 to vector<512x256xf32>
    %mul3A_77 = arith.mulf %mul3A_76, %dot_general3A_70 : vector<512x256xf32>
    %sub3A_78 = arith.subf %add3A_74, %mul3A_77 : vector<512x256xf32>
    %reduce_min3A_79 = arith.constant dense<0x7F800000> : vector<512xf32>
    %reduce_min3A_80 = vector.multi_reduction <minimumf>, %sub3A_78, %reduce_min3A_79 [1] : vector<512x256xf32> to vector<512xf32>
    %broadcast_in_dim3A_81 = vector.shape_cast %reduce_min3A_80 : vector<512xf32> to vector<512x1xf32>
    %iota3A_82 = tpu.iota {dimensions = array<i32: 1>} : vector<512x256xi32>
    %eq3A_83 = vector.broadcast %broadcast_in_dim3A_81 : vector<512x1xf32> to vector<512x256xf32>
    %eq3A_84 = arith.cmpf oeq, %sub3A_78, %eq3A_83 : vector<512x256xf32>
    %jit3A_85 = arith.constant 8192 : i32
    %broadcast_in_dim3A_86 = vector.broadcast %jit3A_85 : i32 to vector<512x256xi32>
    %select_n3A_87 = arith.select %eq3A_84, %iota3A_82, %broadcast_in_dim3A_86 : vector<512x256xi1>, vector<512x256xi32>
    %reduce_min3A_88 = arith.constant dense<2147483647> : vector<512xi32>
    %reduce_min3A_89 = vector.multi_reduction <minsi>, %select_n3A_87, %reduce_min3A_88 [1] : vector<512x256xi32> to vector<512xi32>
    %broadcast_in_dim3A_90 = vector.shape_cast %reduce_min3A_89 : vector<512xi32> to vector<512x1xi32>
    %mul3A_91 = arith.constant 4096 : i32
    %mul3A_92 = arith.muli %arg1, %mul3A_91 : i32
    %add3A_93 = arith.constant 512 : i32
    %add3A_94 = arith.addi %mul3A_92, %add3A_93 : i32
    %add3A_95 = vector.broadcast %add3A_94 : i32 to vector<512x1xi32>
    %add3A_96 = arith.addi %broadcast_in_dim3A_90, %add3A_95 : vector<512x1xi32>
    %get3A_97 = arith.constant 768 : index
    %get3A_98 = arith.constant 0 : index
    %get3A_99 = vector.load %arg3[%get3A_97, %get3A_98] : memref<4096x32xf32, #tpu.memory_space<vmem>>, vector<256x32xf32>
    %mul3A_100 = arith.mulf %get3A_99, %get3A_99 : vector<256x32xf32>
    %reduce_sum3A_101 = arith.constant dense<0.000000e+00> : vector<256xf32>
    %reduce_sum3A_102 = vector.multi_reduction <add>, %mul3A_100, %reduce_sum3A_101 [1] : vector<256x32xf32> to vector<256xf32>
    %dot_general3A_103 = arith.constant dense<0.000000e+00> : vector<512x256xf32>
    %dot_general3A_104 = tpu.matmul %get3A_1, %get3A_99, %dot_general3A_103 {dimension_numbers = #tpu.dot_dimension_numbers<[1], [1], [0], [0], [0, 0, 1, 0], [], []>, transpose_lhs_hint = false} : vector<512x32xf32>, vector<256x32xf32>, vector<512x256xf32> -> vector<512x256xf32>
    %broadcast_in_dim3A_105 = vector.shape_cast %reduce_sum3A_102 : vector<256xf32> to vector<1x256xf32>
    %add3A_106 = vector.broadcast %broadcast_in_dim3A : vector<512x1xf32> to vector<512x256xf32>
    %add3A_107 = vector.broadcast %broadcast_in_dim3A_105 : vector<1x256xf32> to vector<512x256xf32>
    %add3A_108 = arith.addf %add3A_106, %add3A_107 : vector<512x256xf32>
    %mul3A_109 = arith.constant 2.000000e+00 : f32
    %mul3A_110 = vector.broadcast %mul3A_109 : f32 to vector<512x256xf32>
    %mul3A_111 = arith.mulf %mul3A_110, %dot_general3A_104 : vector<512x256xf32>
    %sub3A_112 = arith.subf %add3A_108, %mul3A_111 : vector<512x256xf32>
    %reduce_min3A_113 = arith.constant dense<0x7F800000> : vector<512xf32>
    %reduce_min3A_114 = vector.multi_reduction <minimumf>, %sub3A_112, %reduce_min3A_113 [1] : vector<512x256xf32> to vector<512xf32>
    %broadcast_in_dim3A_115 = vector.shape_cast %reduce_min3A_114 : vector<512xf32> to vector<512x1xf32>
    %iota3A_116 = tpu.iota {dimensions = array<i32: 1>} : vector<512x256xi32>
    %eq3A_117 = vector.broadcast %broadcast_in_dim3A_115 : vector<512x1xf32> to vector<512x256xf32>
    %eq3A_118 = arith.cmpf oeq, %sub3A_112, %eq3A_117 : vector<512x256xf32>
    %jit3A_119 = arith.constant 8192 : i32
    %broadcast_in_dim3A_120 = vector.broadcast %jit3A_119 : i32 to vector<512x256xi32>
    %select_n3A_121 = arith.select %eq3A_118, %iota3A_116, %broadcast_in_dim3A_120 : vector<512x256xi1>, vector<512x256xi32>
    %reduce_min3A_122 = arith.constant dense<2147483647> : vector<512xi32>
    %reduce_min3A_123 = vector.multi_reduction <minsi>, %select_n3A_121, %reduce_min3A_122 [1] : vector<512x256xi32> to vector<512xi32>
    %broadcast_in_dim3A_124 = vector.shape_cast %reduce_min3A_123 : vector<512xi32> to vector<512x1xi32>
    %mul3A_125 = arith.constant 4096 : i32
    %mul3A_126 = arith.muli %arg1, %mul3A_125 : i32
    %add3A_127 = arith.constant 768 : i32
    %add3A_128 = arith.addi %mul3A_126, %add3A_127 : i32
    %add3A_129 = vector.broadcast %add3A_128 : i32 to vector<512x1xi32>
    %add3A_130 = arith.addi %broadcast_in_dim3A_124, %add3A_129 : vector<512x1xi32>
    %get3A_131 = arith.constant 1024 : index
    %get3A_132 = arith.constant 0 : index
    %get3A_133 = vector.load %arg3[%get3A_131, %get3A_132] : memref<4096x32xf32, #tpu.memory_space<vmem>>, vector<256x32xf32>
    %mul3A_134 = arith.mulf %get3A_133, %get3A_133 : vector<256x32xf32>
    %reduce_sum3A_135 = arith.constant dense<0.000000e+00> : vector<256xf32>
    %reduce_sum3A_136 = vector.multi_reduction <add>, %mul3A_134, %reduce_sum3A_135 [1] : vector<256x32xf32> to vector<256xf32>
    %dot_general3A_137 = arith.constant dense<0.000000e+00> : vector<512x256xf32>
    %dot_general3A_138 = tpu.matmul %get3A_1, %get3A_133, %dot_general3A_137 {dimension_numbers = #tpu.dot_dimension_numbers<[1], [1], [0], [0], [0, 0, 1, 0], [], []>, transpose_lhs_hint = false} : vector<512x32xf32>, vector<256x32xf32>, vector<512x256xf32> -> vector<512x256xf32>
    %broadcast_in_dim3A_139 = vector.shape_cast %reduce_sum3A_136 : vector<256xf32> to vector<1x256xf32>
    %add3A_140 = vector.broadcast %broadcast_in_dim3A : vector<512x1xf32> to vector<512x256xf32>
    %add3A_141 = vector.broadcast %broadcast_in_dim3A_139 : vector<1x256xf32> to vector<512x256xf32>
    %add3A_142 = arith.addf %add3A_140, %add3A_141 : vector<512x256xf32>
    %mul3A_143 = arith.constant 2.000000e+00 : f32
    %mul3A_144 = vector.broadcast %mul3A_143 : f32 to vector<512x256xf32>
    %mul3A_145 = arith.mulf %mul3A_144, %dot_general3A_138 : vector<512x256xf32>
    %sub3A_146 = arith.subf %add3A_142, %mul3A_145 : vector<512x256xf32>
    %reduce_min3A_147 = arith.constant dense<0x7F800000> : vector<512xf32>
    %reduce_min3A_148 = vector.multi_reduction <minimumf>, %sub3A_146, %reduce_min3A_147 [1] : vector<512x256xf32> to vector<512xf32>
    %broadcast_in_dim3A_149 = vector.shape_cast %reduce_min3A_148 : vector<512xf32> to vector<512x1xf32>
    %iota3A_150 = tpu.iota {dimensions = array<i32: 1>} : vector<512x256xi32>
    %eq3A_151 = vector.broadcast %broadcast_in_dim3A_149 : vector<512x1xf32> to vector<512x256xf32>
    %eq3A_152 = arith.cmpf oeq, %sub3A_146, %eq3A_151 : vector<512x256xf32>
    %jit3A_153 = arith.constant 8192 : i32
    %broadcast_in_dim3A_154 = vector.broadcast %jit3A_153 : i32 to vector<512x256xi32>
    %select_n3A_155 = arith.select %eq3A_152, %iota3A_150, %broadcast_in_dim3A_154 : vector<512x256xi1>, vector<512x256xi32>
    %reduce_min3A_156 = arith.constant dense<2147483647> : vector<512xi32>
    %reduce_min3A_157 = vector.multi_reduction <minsi>, %select_n3A_155, %reduce_min3A_156 [1] : vector<512x256xi32> to vector<512xi32>
    %broadcast_in_dim3A_158 = vector.shape_cast %reduce_min3A_157 : vector<512xi32> to vector<512x1xi32>
    %mul3A_159 = arith.constant 4096 : i32
    %mul3A_160 = arith.muli %arg1, %mul3A_159 : i32
    %add3A_161 = arith.constant 1024 : i32
    %add3A_162 = arith.addi %mul3A_160, %add3A_161 : i32
    %add3A_163 = vector.broadcast %add3A_162 : i32 to vector<512x1xi32>
    %add3A_164 = arith.addi %broadcast_in_dim3A_158, %add3A_163 : vector<512x1xi32>
    %get3A_165 = arith.constant 1280 : index
    %get3A_166 = arith.constant 0 : index
    %get3A_167 = vector.load %arg3[%get3A_165, %get3A_166] : memref<4096x32xf32, #tpu.memory_space<vmem>>, vector<256x32xf32>
    %mul3A_168 = arith.mulf %get3A_167, %get3A_167 : vector<256x32xf32>
    %reduce_sum3A_169 = arith.constant dense<0.000000e+00> : vector<256xf32>
    %reduce_sum3A_170 = vector.multi_reduction <add>, %mul3A_168, %reduce_sum3A_169 [1] : vector<256x32xf32> to vector<256xf32>
    %dot_general3A_171 = arith.constant dense<0.000000e+00> : vector<512x256xf32>
    %dot_general3A_172 = tpu.matmul %get3A_1, %get3A_167, %dot_general3A_171 {dimension_numbers = #tpu.dot_dimension_numbers<[1], [1], [0], [0], [0, 0, 1, 0], [], []>, transpose_lhs_hint = false} : vector<512x32xf32>, vector<256x32xf32>, vector<512x256xf32> -> vector<512x256xf32>
    %broadcast_in_dim3A_173 = vector.shape_cast %reduce_sum3A_170 : vector<256xf32> to vector<1x256xf32>
    %add3A_174 = vector.broadcast %broadcast_in_dim3A : vector<512x1xf32> to vector<512x256xf32>
    %add3A_175 = vector.broadcast %broadcast_in_dim3A_173 : vector<1x256xf32> to vector<512x256xf32>
    %add3A_176 = arith.addf %add3A_174, %add3A_175 : vector<512x256xf32>
    %mul3A_177 = arith.constant 2.000000e+00 : f32
    %mul3A_178 = vector.broadcast %mul3A_177 : f32 to vector<512x256xf32>
    %mul3A_179 = arith.mulf %mul3A_178, %dot_general3A_172 : vector<512x256xf32>
    %sub3A_180 = arith.subf %add3A_176, %mul3A_179 : vector<512x256xf32>
    %reduce_min3A_181 = arith.constant dense<0x7F800000> : vector<512xf32>
    %reduce_min3A_182 = vector.multi_reduction <minimumf>, %sub3A_180, %reduce_min3A_181 [1] : vector<512x256xf32> to vector<512xf32>
    %broadcast_in_dim3A_183 = vector.shape_cast %reduce_min3A_182 : vector<512xf32> to vector<512x1xf32>
    %iota3A_184 = tpu.iota {dimensions = array<i32: 1>} : vector<512x256xi32>
    %eq3A_185 = vector.broadcast %broadcast_in_dim3A_183 : vector<512x1xf32> to vector<512x256xf32>
    %eq3A_186 = arith.cmpf oeq, %sub3A_180, %eq3A_185 : vector<512x256xf32>
    %jit3A_187 = arith.constant 8192 : i32
    %broadcast_in_dim3A_188 = vector.broadcast %jit3A_187 : i32 to vector<512x256xi32>
    %select_n3A_189 = arith.select %eq3A_186, %iota3A_184, %broadcast_in_dim3A_188 : vector<512x256xi1>, vector<512x256xi32>
    %reduce_min3A_190 = arith.constant dense<2147483647> : vector<512xi32>
    %reduce_min3A_191 = vector.multi_reduction <minsi>, %select_n3A_189, %reduce_min3A_190 [1] : vector<512x256xi32> to vector<512xi32>
    %broadcast_in_dim3A_192 = vector.shape_cast %reduce_min3A_191 : vector<512xi32> to vector<512x1xi32>
    %mul3A_193 = arith.constant 4096 : i32
    %mul3A_194 = arith.muli %arg1, %mul3A_193 : i32
    %add3A_195 = arith.constant 1280 : i32
    %add3A_196 = arith.addi %mul3A_194, %add3A_195 : i32
    %add3A_197 = vector.broadcast %add3A_196 : i32 to vector<512x1xi32>
    %add3A_198 = arith.addi %broadcast_in_dim3A_192, %add3A_197 : vector<512x1xi32>
    %get3A_199 = arith.constant 1536 : index
    %get3A_200 = arith.constant 0 : index
    %get3A_201 = vector.load %arg3[%get3A_199, %get3A_200] : memref<4096x32xf32, #tpu.memory_space<vmem>>, vector<256x32xf32>
    %mul3A_202 = arith.mulf %get3A_201, %get3A_201 : vector<256x32xf32>
    %reduce_sum3A_203 = arith.constant dense<0.000000e+00> : vector<256xf32>
    %reduce_sum3A_204 = vector.multi_reduction <add>, %mul3A_202, %reduce_sum3A_203 [1] : vector<256x32xf32> to vector<256xf32>
    %dot_general3A_205 = arith.constant dense<0.000000e+00> : vector<512x256xf32>
    %dot_general3A_206 = tpu.matmul %get3A_1, %get3A_201, %dot_general3A_205 {dimension_numbers = #tpu.dot_dimension_numbers<[1], [1], [0], [0], [0, 0, 1, 0], [], []>, transpose_lhs_hint = false} : vector<512x32xf32>, vector<256x32xf32>, vector<512x256xf32> -> vector<512x256xf32>
    %broadcast_in_dim3A_207 = vector.shape_cast %reduce_sum3A_204 : vector<256xf32> to vector<1x256xf32>
    %add3A_208 = vector.broadcast %broadcast_in_dim3A : vector<512x1xf32> to vector<512x256xf32>
    %add3A_209 = vector.broadcast %broadcast_in_dim3A_207 : vector<1x256xf32> to vector<512x256xf32>
    %add3A_210 = arith.addf %add3A_208, %add3A_209 : vector<512x256xf32>
    %mul3A_211 = arith.constant 2.000000e+00 : f32
    %mul3A_212 = vector.broadcast %mul3A_211 : f32 to vector<512x256xf32>
    %mul3A_213 = arith.mulf %mul3A_212, %dot_general3A_206 : vector<512x256xf32>
    %sub3A_214 = arith.subf %add3A_210, %mul3A_213 : vector<512x256xf32>
    %reduce_min3A_215 = arith.constant dense<0x7F800000> : vector<512xf32>
    %reduce_min3A_216 = vector.multi_reduction <minimumf>, %sub3A_214, %reduce_min3A_215 [1] : vector<512x256xf32> to vector<512xf32>
    %broadcast_in_dim3A_217 = vector.shape_cast %reduce_min3A_216 : vector<512xf32> to vector<512x1xf32>
    %iota3A_218 = tpu.iota {dimensions = array<i32: 1>} : vector<512x256xi32>
    %eq3A_219 = vector.broadcast %broadcast_in_dim3A_217 : vector<512x1xf32> to vector<512x256xf32>
    %eq3A_220 = arith.cmpf oeq, %sub3A_214, %eq3A_219 : vector<512x256xf32>
    %jit3A_221 = arith.constant 8192 : i32
    %broadcast_in_dim3A_222 = vector.broadcast %jit3A_221 : i32 to vector<512x256xi32>
    %select_n3A_223 = arith.select %eq3A_220, %iota3A_218, %broadcast_in_dim3A_222 : vector<512x256xi1>, vector<512x256xi32>
    %reduce_min3A_224 = arith.constant dense<2147483647> : vector<512xi32>
    %reduce_min3A_225 = vector.multi_reduction <minsi>, %select_n3A_223, %reduce_min3A_224 [1] : vector<512x256xi32> to vector<512xi32>
    %broadcast_in_dim3A_226 = vector.shape_cast %reduce_min3A_225 : vector<512xi32> to vector<512x1xi32>
    %mul3A_227 = arith.constant 4096 : i32
    %mul3A_228 = arith.muli %arg1, %mul3A_227 : i32
    %add3A_229 = arith.constant 1536 : i32
    %add3A_230 = arith.addi %mul3A_228, %add3A_229 : i32
    %add3A_231 = vector.broadcast %add3A_230 : i32 to vector<512x1xi32>
    %add3A_232 = arith.addi %broadcast_in_dim3A_226, %add3A_231 : vector<512x1xi32>
    %get3A_233 = arith.constant 1792 : index
    %get3A_234 = arith.constant 0 : index
    %get3A_235 = vector.load %arg3[%get3A_233, %get3A_234] : memref<4096x32xf32, #tpu.memory_space<vmem>>, vector<256x32xf32>
    %mul3A_236 = arith.mulf %get3A_235, %get3A_235 : vector<256x32xf32>
    %reduce_sum3A_237 = arith.constant dense<0.000000e+00> : vector<256xf32>
    %reduce_sum3A_238 = vector.multi_reduction <add>, %mul3A_236, %reduce_sum3A_237 [1] : vector<256x32xf32> to vector<256xf32>
    %dot_general3A_239 = arith.constant dense<0.000000e+00> : vector<512x256xf32>
    %dot_general3A_240 = tpu.matmul %get3A_1, %get3A_235, %dot_general3A_239 {dimension_numbers = #tpu.dot_dimension_numbers<[1], [1], [0], [0], [0, 0, 1, 0], [], []>, transpose_lhs_hint = false} : vector<512x32xf32>, vector<256x32xf32>, vector<512x256xf32> -> vector<512x256xf32>
    %broadcast_in_dim3A_241 = vector.shape_cast %reduce_sum3A_238 : vector<256xf32> to vector<1x256xf32>
    %add3A_242 = vector.broadcast %broadcast_in_dim3A : vector<512x1xf32> to vector<512x256xf32>
    %add3A_243 = vector.broadcast %broadcast_in_dim3A_241 : vector<1x256xf32> to vector<512x256xf32>
    %add3A_244 = arith.addf %add3A_242, %add3A_243 : vector<512x256xf32>
    %mul3A_245 = arith.constant 2.000000e+00 : f32
    %mul3A_246 = vector.broadcast %mul3A_245 : f32 to vector<512x256xf32>
    %mul3A_247 = arith.mulf %mul3A_246, %dot_general3A_240 : vector<512x256xf32>
    %sub3A_248 = arith.subf %add3A_244, %mul3A_247 : vector<512x256xf32>
    %reduce_min3A_249 = arith.constant dense<0x7F800000> : vector<512xf32>
    %reduce_min3A_250 = vector.multi_reduction <minimumf>, %sub3A_248, %reduce_min3A_249 [1] : vector<512x256xf32> to vector<512xf32>
    %broadcast_in_dim3A_251 = vector.shape_cast %reduce_min3A_250 : vector<512xf32> to vector<512x1xf32>
    %iota3A_252 = tpu.iota {dimensions = array<i32: 1>} : vector<512x256xi32>
    %eq3A_253 = vector.broadcast %broadcast_in_dim3A_251 : vector<512x1xf32> to vector<512x256xf32>
    %eq3A_254 = arith.cmpf oeq, %sub3A_248, %eq3A_253 : vector<512x256xf32>
    %jit3A_255 = arith.constant 8192 : i32
    %broadcast_in_dim3A_256 = vector.broadcast %jit3A_255 : i32 to vector<512x256xi32>
    %select_n3A_257 = arith.select %eq3A_254, %iota3A_252, %broadcast_in_dim3A_256 : vector<512x256xi1>, vector<512x256xi32>
    %reduce_min3A_258 = arith.constant dense<2147483647> : vector<512xi32>
    %reduce_min3A_259 = vector.multi_reduction <minsi>, %select_n3A_257, %reduce_min3A_258 [1] : vector<512x256xi32> to vector<512xi32>
    %broadcast_in_dim3A_260 = vector.shape_cast %reduce_min3A_259 : vector<512xi32> to vector<512x1xi32>
    %mul3A_261 = arith.constant 4096 : i32
    %mul3A_262 = arith.muli %arg1, %mul3A_261 : i32
    %add3A_263 = arith.constant 1792 : i32
    %add3A_264 = arith.addi %mul3A_262, %add3A_263 : i32
    %add3A_265 = vector.broadcast %add3A_264 : i32 to vector<512x1xi32>
    %add3A_266 = arith.addi %broadcast_in_dim3A_260, %add3A_265 : vector<512x1xi32>
    %get3A_267 = arith.constant 2048 : index
    %get3A_268 = arith.constant 0 : index
    %get3A_269 = vector.load %arg3[%get3A_267, %get3A_268] : memref<4096x32xf32, #tpu.memory_space<vmem>>, vector<256x32xf32>
    %mul3A_270 = arith.mulf %get3A_269, %get3A_269 : vector<256x32xf32>
    %reduce_sum3A_271 = arith.constant dense<0.000000e+00> : vector<256xf32>
    %reduce_sum3A_272 = vector.multi_reduction <add>, %mul3A_270, %reduce_sum3A_271 [1] : vector<256x32xf32> to vector<256xf32>
    %dot_general3A_273 = arith.constant dense<0.000000e+00> : vector<512x256xf32>
    %dot_general3A_274 = tpu.matmul %get3A_1, %get3A_269, %dot_general3A_273 {dimension_numbers = #tpu.dot_dimension_numbers<[1], [1], [0], [0], [0, 0, 1, 0], [], []>, transpose_lhs_hint = false} : vector<512x32xf32>, vector<256x32xf32>, vector<512x256xf32> -> vector<512x256xf32>
    %broadcast_in_dim3A_275 = vector.shape_cast %reduce_sum3A_272 : vector<256xf32> to vector<1x256xf32>
    %add3A_276 = vector.broadcast %broadcast_in_dim3A : vector<512x1xf32> to vector<512x256xf32>
    %add3A_277 = vector.broadcast %broadcast_in_dim3A_275 : vector<1x256xf32> to vector<512x256xf32>
    %add3A_278 = arith.addf %add3A_276, %add3A_277 : vector<512x256xf32>
    %mul3A_279 = arith.constant 2.000000e+00 : f32
    %mul3A_280 = vector.broadcast %mul3A_279 : f32 to vector<512x256xf32>
    %mul3A_281 = arith.mulf %mul3A_280, %dot_general3A_274 : vector<512x256xf32>
    %sub3A_282 = arith.subf %add3A_278, %mul3A_281 : vector<512x256xf32>
    %reduce_min3A_283 = arith.constant dense<0x7F800000> : vector<512xf32>
    %reduce_min3A_284 = vector.multi_reduction <minimumf>, %sub3A_282, %reduce_min3A_283 [1] : vector<512x256xf32> to vector<512xf32>
    %broadcast_in_dim3A_285 = vector.shape_cast %reduce_min3A_284 : vector<512xf32> to vector<512x1xf32>
    %iota3A_286 = tpu.iota {dimensions = array<i32: 1>} : vector<512x256xi32>
    %eq3A_287 = vector.broadcast %broadcast_in_dim3A_285 : vector<512x1xf32> to vector<512x256xf32>
    %eq3A_288 = arith.cmpf oeq, %sub3A_282, %eq3A_287 : vector<512x256xf32>
    %jit3A_289 = arith.constant 8192 : i32
    %broadcast_in_dim3A_290 = vector.broadcast %jit3A_289 : i32 to vector<512x256xi32>
    %select_n3A_291 = arith.select %eq3A_288, %iota3A_286, %broadcast_in_dim3A_290 : vector<512x256xi1>, vector<512x256xi32>
    %reduce_min3A_292 = arith.constant dense<2147483647> : vector<512xi32>
    %reduce_min3A_293 = vector.multi_reduction <minsi>, %select_n3A_291, %reduce_min3A_292 [1] : vector<512x256xi32> to vector<512xi32>
    %broadcast_in_dim3A_294 = vector.shape_cast %reduce_min3A_293 : vector<512xi32> to vector<512x1xi32>
    %mul3A_295 = arith.constant 4096 : i32
    %mul3A_296 = arith.muli %arg1, %mul3A_295 : i32
    %add3A_297 = arith.constant 2048 : i32
    %add3A_298 = arith.addi %mul3A_296, %add3A_297 : i32
    %add3A_299 = vector.broadcast %add3A_298 : i32 to vector<512x1xi32>
    %add3A_300 = arith.addi %broadcast_in_dim3A_294, %add3A_299 : vector<512x1xi32>
    %get3A_301 = arith.constant 2304 : index
    %get3A_302 = arith.constant 0 : index
    %get3A_303 = vector.load %arg3[%get3A_301, %get3A_302] : memref<4096x32xf32, #tpu.memory_space<vmem>>, vector<256x32xf32>
    %mul3A_304 = arith.mulf %get3A_303, %get3A_303 : vector<256x32xf32>
    %reduce_sum3A_305 = arith.constant dense<0.000000e+00> : vector<256xf32>
    %reduce_sum3A_306 = vector.multi_reduction <add>, %mul3A_304, %reduce_sum3A_305 [1] : vector<256x32xf32> to vector<256xf32>
    %dot_general3A_307 = arith.constant dense<0.000000e+00> : vector<512x256xf32>
    %dot_general3A_308 = tpu.matmul %get3A_1, %get3A_303, %dot_general3A_307 {dimension_numbers = #tpu.dot_dimension_numbers<[1], [1], [0], [0], [0, 0, 1, 0], [], []>, transpose_lhs_hint = false} : vector<512x32xf32>, vector<256x32xf32>, vector<512x256xf32> -> vector<512x256xf32>
    %broadcast_in_dim3A_309 = vector.shape_cast %reduce_sum3A_306 : vector<256xf32> to vector<1x256xf32>
    %add3A_310 = vector.broadcast %broadcast_in_dim3A : vector<512x1xf32> to vector<512x256xf32>
    %add3A_311 = vector.broadcast %broadcast_in_dim3A_309 : vector<1x256xf32> to vector<512x256xf32>
    %add3A_312 = arith.addf %add3A_310, %add3A_311 : vector<512x256xf32>
    %mul3A_313 = arith.constant 2.000000e+00 : f32
    %mul3A_314 = vector.broadcast %mul3A_313 : f32 to vector<512x256xf32>
    %mul3A_315 = arith.mulf %mul3A_314, %dot_general3A_308 : vector<512x256xf32>
    %sub3A_316 = arith.subf %add3A_312, %mul3A_315 : vector<512x256xf32>
    %reduce_min3A_317 = arith.constant dense<0x7F800000> : vector<512xf32>
    %reduce_min3A_318 = vector.multi_reduction <minimumf>, %sub3A_316, %reduce_min3A_317 [1] : vector<512x256xf32> to vector<512xf32>
    %broadcast_in_dim3A_319 = vector.shape_cast %reduce_min3A_318 : vector<512xf32> to vector<512x1xf32>
    %iota3A_320 = tpu.iota {dimensions = array<i32: 1>} : vector<512x256xi32>
    %eq3A_321 = vector.broadcast %broadcast_in_dim3A_319 : vector<512x1xf32> to vector<512x256xf32>
    %eq3A_322 = arith.cmpf oeq, %sub3A_316, %eq3A_321 : vector<512x256xf32>
    %jit3A_323 = arith.constant 8192 : i32
    %broadcast_in_dim3A_324 = vector.broadcast %jit3A_323 : i32 to vector<512x256xi32>
    %select_n3A_325 = arith.select %eq3A_322, %iota3A_320, %broadcast_in_dim3A_324 : vector<512x256xi1>, vector<512x256xi32>
    %reduce_min3A_326 = arith.constant dense<2147483647> : vector<512xi32>
    %reduce_min3A_327 = vector.multi_reduction <minsi>, %select_n3A_325, %reduce_min3A_326 [1] : vector<512x256xi32> to vector<512xi32>
    %broadcast_in_dim3A_328 = vector.shape_cast %reduce_min3A_327 : vector<512xi32> to vector<512x1xi32>
    %mul3A_329 = arith.constant 4096 : i32
    %mul3A_330 = arith.muli %arg1, %mul3A_329 : i32
    %add3A_331 = arith.constant 2304 : i32
    %add3A_332 = arith.addi %mul3A_330, %add3A_331 : i32
    %add3A_333 = vector.broadcast %add3A_332 : i32 to vector<512x1xi32>
    %add3A_334 = arith.addi %broadcast_in_dim3A_328, %add3A_333 : vector<512x1xi32>
    %get3A_335 = arith.constant 2560 : index
    %get3A_336 = arith.constant 0 : index
    %get3A_337 = vector.load %arg3[%get3A_335, %get3A_336] : memref<4096x32xf32, #tpu.memory_space<vmem>>, vector<256x32xf32>
    %mul3A_338 = arith.mulf %get3A_337, %get3A_337 : vector<256x32xf32>
    %reduce_sum3A_339 = arith.constant dense<0.000000e+00> : vector<256xf32>
    %reduce_sum3A_340 = vector.multi_reduction <add>, %mul3A_338, %reduce_sum3A_339 [1] : vector<256x32xf32> to vector<256xf32>
    %dot_general3A_341 = arith.constant dense<0.000000e+00> : vector<512x256xf32>
    %dot_general3A_342 = tpu.matmul %get3A_1, %get3A_337, %dot_general3A_341 {dimension_numbers = #tpu.dot_dimension_numbers<[1], [1], [0], [0], [0, 0, 1, 0], [], []>, transpose_lhs_hint = false} : vector<512x32xf32>, vector<256x32xf32>, vector<512x256xf32> -> vector<512x256xf32>
    %broadcast_in_dim3A_343 = vector.shape_cast %reduce_sum3A_340 : vector<256xf32> to vector<1x256xf32>
    %add3A_344 = vector.broadcast %broadcast_in_dim3A : vector<512x1xf32> to vector<512x256xf32>
    %add3A_345 = vector.broadcast %broadcast_in_dim3A_343 : vector<1x256xf32> to vector<512x256xf32>
    %add3A_346 = arith.addf %add3A_344, %add3A_345 : vector<512x256xf32>
    %mul3A_347 = arith.constant 2.000000e+00 : f32
    %mul3A_348 = vector.broadcast %mul3A_347 : f32 to vector<512x256xf32>
    %mul3A_349 = arith.mulf %mul3A_348, %dot_general3A_342 : vector<512x256xf32>
    %sub3A_350 = arith.subf %add3A_346, %mul3A_349 : vector<512x256xf32>
    %reduce_min3A_351 = arith.constant dense<0x7F800000> : vector<512xf32>
    %reduce_min3A_352 = vector.multi_reduction <minimumf>, %sub3A_350, %reduce_min3A_351 [1] : vector<512x256xf32> to vector<512xf32>
    %broadcast_in_dim3A_353 = vector.shape_cast %reduce_min3A_352 : vector<512xf32> to vector<512x1xf32>
    %iota3A_354 = tpu.iota {dimensions = array<i32: 1>} : vector<512x256xi32>
    %eq3A_355 = vector.broadcast %broadcast_in_dim3A_353 : vector<512x1xf32> to vector<512x256xf32>
    %eq3A_356 = arith.cmpf oeq, %sub3A_350, %eq3A_355 : vector<512x256xf32>
    %jit3A_357 = arith.constant 8192 : i32
    %broadcast_in_dim3A_358 = vector.broadcast %jit3A_357 : i32 to vector<512x256xi32>
    %select_n3A_359 = arith.select %eq3A_356, %iota3A_354, %broadcast_in_dim3A_358 : vector<512x256xi1>, vector<512x256xi32>
    %reduce_min3A_360 = arith.constant dense<2147483647> : vector<512xi32>
    %reduce_min3A_361 = vector.multi_reduction <minsi>, %select_n3A_359, %reduce_min3A_360 [1] : vector<512x256xi32> to vector<512xi32>
    %broadcast_in_dim3A_362 = vector.shape_cast %reduce_min3A_361 : vector<512xi32> to vector<512x1xi32>
    %mul3A_363 = arith.constant 4096 : i32
    %mul3A_364 = arith.muli %arg1, %mul3A_363 : i32
    %add3A_365 = arith.constant 2560 : i32
    %add3A_366 = arith.addi %mul3A_364, %add3A_365 : i32
    %add3A_367 = vector.broadcast %add3A_366 : i32 to vector<512x1xi32>
    %add3A_368 = arith.addi %broadcast_in_dim3A_362, %add3A_367 : vector<512x1xi32>
    %get3A_369 = arith.constant 2816 : index
    %get3A_370 = arith.constant 0 : index
    %get3A_371 = vector.load %arg3[%get3A_369, %get3A_370] : memref<4096x32xf32, #tpu.memory_space<vmem>>, vector<256x32xf32>
    %mul3A_372 = arith.mulf %get3A_371, %get3A_371 : vector<256x32xf32>
    %reduce_sum3A_373 = arith.constant dense<0.000000e+00> : vector<256xf32>
    %reduce_sum3A_374 = vector.multi_reduction <add>, %mul3A_372, %reduce_sum3A_373 [1] : vector<256x32xf32> to vector<256xf32>
    %dot_general3A_375 = arith.constant dense<0.000000e+00> : vector<512x256xf32>
    %dot_general3A_376 = tpu.matmul %get3A_1, %get3A_371, %dot_general3A_375 {dimension_numbers = #tpu.dot_dimension_numbers<[1], [1], [0], [0], [0, 0, 1, 0], [], []>, transpose_lhs_hint = false} : vector<512x32xf32>, vector<256x32xf32>, vector<512x256xf32> -> vector<512x256xf32>
    %broadcast_in_dim3A_377 = vector.shape_cast %reduce_sum3A_374 : vector<256xf32> to vector<1x256xf32>
    %add3A_378 = vector.broadcast %broadcast_in_dim3A : vector<512x1xf32> to vector<512x256xf32>
    %add3A_379 = vector.broadcast %broadcast_in_dim3A_377 : vector<1x256xf32> to vector<512x256xf32>
    %add3A_380 = arith.addf %add3A_378, %add3A_379 : vector<512x256xf32>
    %mul3A_381 = arith.constant 2.000000e+00 : f32
    %mul3A_382 = vector.broadcast %mul3A_381 : f32 to vector<512x256xf32>
    %mul3A_383 = arith.mulf %mul3A_382, %dot_general3A_376 : vector<512x256xf32>
    %sub3A_384 = arith.subf %add3A_380, %mul3A_383 : vector<512x256xf32>
    %reduce_min3A_385 = arith.constant dense<0x7F800000> : vector<512xf32>
    %reduce_min3A_386 = vector.multi_reduction <minimumf>, %sub3A_384, %reduce_min3A_385 [1] : vector<512x256xf32> to vector<512xf32>
    %broadcast_in_dim3A_387 = vector.shape_cast %reduce_min3A_386 : vector<512xf32> to vector<512x1xf32>
    %iota3A_388 = tpu.iota {dimensions = array<i32: 1>} : vector<512x256xi32>
    %eq3A_389 = vector.broadcast %broadcast_in_dim3A_387 : vector<512x1xf32> to vector<512x256xf32>
    %eq3A_390 = arith.cmpf oeq, %sub3A_384, %eq3A_389 : vector<512x256xf32>
    %jit3A_391 = arith.constant 8192 : i32
    %broadcast_in_dim3A_392 = vector.broadcast %jit3A_391 : i32 to vector<512x256xi32>
    %select_n3A_393 = arith.select %eq3A_390, %iota3A_388, %broadcast_in_dim3A_392 : vector<512x256xi1>, vector<512x256xi32>
    %reduce_min3A_394 = arith.constant dense<2147483647> : vector<512xi32>
    %reduce_min3A_395 = vector.multi_reduction <minsi>, %select_n3A_393, %reduce_min3A_394 [1] : vector<512x256xi32> to vector<512xi32>
    %broadcast_in_dim3A_396 = vector.shape_cast %reduce_min3A_395 : vector<512xi32> to vector<512x1xi32>
    %mul3A_397 = arith.constant 4096 : i32
    %mul3A_398 = arith.muli %arg1, %mul3A_397 : i32
    %add3A_399 = arith.constant 2816 : i32
    %add3A_400 = arith.addi %mul3A_398, %add3A_399 : i32
    %add3A_401 = vector.broadcast %add3A_400 : i32 to vector<512x1xi32>
    %add3A_402 = arith.addi %broadcast_in_dim3A_396, %add3A_401 : vector<512x1xi32>
    %get3A_403 = arith.constant 3072 : index
    %get3A_404 = arith.constant 0 : index
    %get3A_405 = vector.load %arg3[%get3A_403, %get3A_404] : memref<4096x32xf32, #tpu.memory_space<vmem>>, vector<256x32xf32>
    %mul3A_406 = arith.mulf %get3A_405, %get3A_405 : vector<256x32xf32>
    %reduce_sum3A_407 = arith.constant dense<0.000000e+00> : vector<256xf32>
    %reduce_sum3A_408 = vector.multi_reduction <add>, %mul3A_406, %reduce_sum3A_407 [1] : vector<256x32xf32> to vector<256xf32>
    %dot_general3A_409 = arith.constant dense<0.000000e+00> : vector<512x256xf32>
    %dot_general3A_410 = tpu.matmul %get3A_1, %get3A_405, %dot_general3A_409 {dimension_numbers = #tpu.dot_dimension_numbers<[1], [1], [0], [0], [0, 0, 1, 0], [], []>, transpose_lhs_hint = false} : vector<512x32xf32>, vector<256x32xf32>, vector<512x256xf32> -> vector<512x256xf32>
    %broadcast_in_dim3A_411 = vector.shape_cast %reduce_sum3A_408 : vector<256xf32> to vector<1x256xf32>
    %add3A_412 = vector.broadcast %broadcast_in_dim3A : vector<512x1xf32> to vector<512x256xf32>
    %add3A_413 = vector.broadcast %broadcast_in_dim3A_411 : vector<1x256xf32> to vector<512x256xf32>
    %add3A_414 = arith.addf %add3A_412, %add3A_413 : vector<512x256xf32>
    %mul3A_415 = arith.constant 2.000000e+00 : f32
    %mul3A_416 = vector.broadcast %mul3A_415 : f32 to vector<512x256xf32>
    %mul3A_417 = arith.mulf %mul3A_416, %dot_general3A_410 : vector<512x256xf32>
    %sub3A_418 = arith.subf %add3A_414, %mul3A_417 : vector<512x256xf32>
    %reduce_min3A_419 = arith.constant dense<0x7F800000> : vector<512xf32>
    %reduce_min3A_420 = vector.multi_reduction <minimumf>, %sub3A_418, %reduce_min3A_419 [1] : vector<512x256xf32> to vector<512xf32>
    %broadcast_in_dim3A_421 = vector.shape_cast %reduce_min3A_420 : vector<512xf32> to vector<512x1xf32>
    %iota3A_422 = tpu.iota {dimensions = array<i32: 1>} : vector<512x256xi32>
    %eq3A_423 = vector.broadcast %broadcast_in_dim3A_421 : vector<512x1xf32> to vector<512x256xf32>
    %eq3A_424 = arith.cmpf oeq, %sub3A_418, %eq3A_423 : vector<512x256xf32>
    %jit3A_425 = arith.constant 8192 : i32
    %broadcast_in_dim3A_426 = vector.broadcast %jit3A_425 : i32 to vector<512x256xi32>
    %select_n3A_427 = arith.select %eq3A_424, %iota3A_422, %broadcast_in_dim3A_426 : vector<512x256xi1>, vector<512x256xi32>
    %reduce_min3A_428 = arith.constant dense<2147483647> : vector<512xi32>
    %reduce_min3A_429 = vector.multi_reduction <minsi>, %select_n3A_427, %reduce_min3A_428 [1] : vector<512x256xi32> to vector<512xi32>
    %broadcast_in_dim3A_430 = vector.shape_cast %reduce_min3A_429 : vector<512xi32> to vector<512x1xi32>
    %mul3A_431 = arith.constant 4096 : i32
    %mul3A_432 = arith.muli %arg1, %mul3A_431 : i32
    %add3A_433 = arith.constant 3072 : i32
    %add3A_434 = arith.addi %mul3A_432, %add3A_433 : i32
    %add3A_435 = vector.broadcast %add3A_434 : i32 to vector<512x1xi32>
    %add3A_436 = arith.addi %broadcast_in_dim3A_430, %add3A_435 : vector<512x1xi32>
    %get3A_437 = arith.constant 3328 : index
    %get3A_438 = arith.constant 0 : index
    %get3A_439 = vector.load %arg3[%get3A_437, %get3A_438] : memref<4096x32xf32, #tpu.memory_space<vmem>>, vector<256x32xf32>
    %mul3A_440 = arith.mulf %get3A_439, %get3A_439 : vector<256x32xf32>
    %reduce_sum3A_441 = arith.constant dense<0.000000e+00> : vector<256xf32>
    %reduce_sum3A_442 = vector.multi_reduction <add>, %mul3A_440, %reduce_sum3A_441 [1] : vector<256x32xf32> to vector<256xf32>
    %dot_general3A_443 = arith.constant dense<0.000000e+00> : vector<512x256xf32>
    %dot_general3A_444 = tpu.matmul %get3A_1, %get3A_439, %dot_general3A_443 {dimension_numbers = #tpu.dot_dimension_numbers<[1], [1], [0], [0], [0, 0, 1, 0], [], []>, transpose_lhs_hint = false} : vector<512x32xf32>, vector<256x32xf32>, vector<512x256xf32> -> vector<512x256xf32>
    %broadcast_in_dim3A_445 = vector.shape_cast %reduce_sum3A_442 : vector<256xf32> to vector<1x256xf32>
    %add3A_446 = vector.broadcast %broadcast_in_dim3A : vector<512x1xf32> to vector<512x256xf32>
    %add3A_447 = vector.broadcast %broadcast_in_dim3A_445 : vector<1x256xf32> to vector<512x256xf32>
    %add3A_448 = arith.addf %add3A_446, %add3A_447 : vector<512x256xf32>
    %mul3A_449 = arith.constant 2.000000e+00 : f32
    %mul3A_450 = vector.broadcast %mul3A_449 : f32 to vector<512x256xf32>
    %mul3A_451 = arith.mulf %mul3A_450, %dot_general3A_444 : vector<512x256xf32>
    %sub3A_452 = arith.subf %add3A_448, %mul3A_451 : vector<512x256xf32>
    %reduce_min3A_453 = arith.constant dense<0x7F800000> : vector<512xf32>
    %reduce_min3A_454 = vector.multi_reduction <minimumf>, %sub3A_452, %reduce_min3A_453 [1] : vector<512x256xf32> to vector<512xf32>
    %broadcast_in_dim3A_455 = vector.shape_cast %reduce_min3A_454 : vector<512xf32> to vector<512x1xf32>
    %iota3A_456 = tpu.iota {dimensions = array<i32: 1>} : vector<512x256xi32>
    %eq3A_457 = vector.broadcast %broadcast_in_dim3A_455 : vector<512x1xf32> to vector<512x256xf32>
    %eq3A_458 = arith.cmpf oeq, %sub3A_452, %eq3A_457 : vector<512x256xf32>
    %jit3A_459 = arith.constant 8192 : i32
    %broadcast_in_dim3A_460 = vector.broadcast %jit3A_459 : i32 to vector<512x256xi32>
    %select_n3A_461 = arith.select %eq3A_458, %iota3A_456, %broadcast_in_dim3A_460 : vector<512x256xi1>, vector<512x256xi32>
    %reduce_min3A_462 = arith.constant dense<2147483647> : vector<512xi32>
    %reduce_min3A_463 = vector.multi_reduction <minsi>, %select_n3A_461, %reduce_min3A_462 [1] : vector<512x256xi32> to vector<512xi32>
    %broadcast_in_dim3A_464 = vector.shape_cast %reduce_min3A_463 : vector<512xi32> to vector<512x1xi32>
    %mul3A_465 = arith.constant 4096 : i32
    %mul3A_466 = arith.muli %arg1, %mul3A_465 : i32
    %add3A_467 = arith.constant 3328 : i32
    %add3A_468 = arith.addi %mul3A_466, %add3A_467 : i32
    %add3A_469 = vector.broadcast %add3A_468 : i32 to vector<512x1xi32>
    %add3A_470 = arith.addi %broadcast_in_dim3A_464, %add3A_469 : vector<512x1xi32>
    %get3A_471 = arith.constant 3584 : index
    %get3A_472 = arith.constant 0 : index
    %get3A_473 = vector.load %arg3[%get3A_471, %get3A_472] : memref<4096x32xf32, #tpu.memory_space<vmem>>, vector<256x32xf32>
    %mul3A_474 = arith.mulf %get3A_473, %get3A_473 : vector<256x32xf32>
    %reduce_sum3A_475 = arith.constant dense<0.000000e+00> : vector<256xf32>
    %reduce_sum3A_476 = vector.multi_reduction <add>, %mul3A_474, %reduce_sum3A_475 [1] : vector<256x32xf32> to vector<256xf32>
    %dot_general3A_477 = arith.constant dense<0.000000e+00> : vector<512x256xf32>
    %dot_general3A_478 = tpu.matmul %get3A_1, %get3A_473, %dot_general3A_477 {dimension_numbers = #tpu.dot_dimension_numbers<[1], [1], [0], [0], [0, 0, 1, 0], [], []>, transpose_lhs_hint = false} : vector<512x32xf32>, vector<256x32xf32>, vector<512x256xf32> -> vector<512x256xf32>
    %broadcast_in_dim3A_479 = vector.shape_cast %reduce_sum3A_476 : vector<256xf32> to vector<1x256xf32>
    %add3A_480 = vector.broadcast %broadcast_in_dim3A : vector<512x1xf32> to vector<512x256xf32>
    %add3A_481 = vector.broadcast %broadcast_in_dim3A_479 : vector<1x256xf32> to vector<512x256xf32>
    %add3A_482 = arith.addf %add3A_480, %add3A_481 : vector<512x256xf32>
    %mul3A_483 = arith.constant 2.000000e+00 : f32
    %mul3A_484 = vector.broadcast %mul3A_483 : f32 to vector<512x256xf32>
    %mul3A_485 = arith.mulf %mul3A_484, %dot_general3A_478 : vector<512x256xf32>
    %sub3A_486 = arith.subf %add3A_482, %mul3A_485 : vector<512x256xf32>
    %reduce_min3A_487 = arith.constant dense<0x7F800000> : vector<512xf32>
    %reduce_min3A_488 = vector.multi_reduction <minimumf>, %sub3A_486, %reduce_min3A_487 [1] : vector<512x256xf32> to vector<512xf32>
    %broadcast_in_dim3A_489 = vector.shape_cast %reduce_min3A_488 : vector<512xf32> to vector<512x1xf32>
    %iota3A_490 = tpu.iota {dimensions = array<i32: 1>} : vector<512x256xi32>
    %eq3A_491 = vector.broadcast %broadcast_in_dim3A_489 : vector<512x1xf32> to vector<512x256xf32>
    %eq3A_492 = arith.cmpf oeq, %sub3A_486, %eq3A_491 : vector<512x256xf32>
    %jit3A_493 = arith.constant 8192 : i32
    %broadcast_in_dim3A_494 = vector.broadcast %jit3A_493 : i32 to vector<512x256xi32>
    %select_n3A_495 = arith.select %eq3A_492, %iota3A_490, %broadcast_in_dim3A_494 : vector<512x256xi1>, vector<512x256xi32>
    %reduce_min3A_496 = arith.constant dense<2147483647> : vector<512xi32>
    %reduce_min3A_497 = vector.multi_reduction <minsi>, %select_n3A_495, %reduce_min3A_496 [1] : vector<512x256xi32> to vector<512xi32>
    %broadcast_in_dim3A_498 = vector.shape_cast %reduce_min3A_497 : vector<512xi32> to vector<512x1xi32>
    %mul3A_499 = arith.constant 4096 : i32
    %mul3A_500 = arith.muli %arg1, %mul3A_499 : i32
    %add3A_501 = arith.constant 3584 : i32
    %add3A_502 = arith.addi %mul3A_500, %add3A_501 : i32
    %add3A_503 = vector.broadcast %add3A_502 : i32 to vector<512x1xi32>
    %add3A_504 = arith.addi %broadcast_in_dim3A_498, %add3A_503 : vector<512x1xi32>
    %get3A_505 = arith.constant 3840 : index
    %get3A_506 = arith.constant 0 : index
    %get3A_507 = vector.load %arg3[%get3A_505, %get3A_506] : memref<4096x32xf32, #tpu.memory_space<vmem>>, vector<256x32xf32>
    %mul3A_508 = arith.mulf %get3A_507, %get3A_507 : vector<256x32xf32>
    %reduce_sum3A_509 = arith.constant dense<0.000000e+00> : vector<256xf32>
    %reduce_sum3A_510 = vector.multi_reduction <add>, %mul3A_508, %reduce_sum3A_509 [1] : vector<256x32xf32> to vector<256xf32>
    %dot_general3A_511 = arith.constant dense<0.000000e+00> : vector<512x256xf32>
    %dot_general3A_512 = tpu.matmul %get3A_1, %get3A_507, %dot_general3A_511 {dimension_numbers = #tpu.dot_dimension_numbers<[1], [1], [0], [0], [0, 0, 1, 0], [], []>, transpose_lhs_hint = false} : vector<512x32xf32>, vector<256x32xf32>, vector<512x256xf32> -> vector<512x256xf32>
    %broadcast_in_dim3A_513 = vector.shape_cast %reduce_sum3A_510 : vector<256xf32> to vector<1x256xf32>
    %add3A_514 = vector.broadcast %broadcast_in_dim3A : vector<512x1xf32> to vector<512x256xf32>
    %add3A_515 = vector.broadcast %broadcast_in_dim3A_513 : vector<1x256xf32> to vector<512x256xf32>
    %add3A_516 = arith.addf %add3A_514, %add3A_515 : vector<512x256xf32>
    %mul3A_517 = arith.constant 2.000000e+00 : f32
    %mul3A_518 = vector.broadcast %mul3A_517 : f32 to vector<512x256xf32>
    %mul3A_519 = arith.mulf %mul3A_518, %dot_general3A_512 : vector<512x256xf32>
    %sub3A_520 = arith.subf %add3A_516, %mul3A_519 : vector<512x256xf32>
    %reduce_min3A_521 = arith.constant dense<0x7F800000> : vector<512xf32>
    %reduce_min3A_522 = vector.multi_reduction <minimumf>, %sub3A_520, %reduce_min3A_521 [1] : vector<512x256xf32> to vector<512xf32>
    %broadcast_in_dim3A_523 = vector.shape_cast %reduce_min3A_522 : vector<512xf32> to vector<512x1xf32>
    %iota3A_524 = tpu.iota {dimensions = array<i32: 1>} : vector<512x256xi32>
    %eq3A_525 = vector.broadcast %broadcast_in_dim3A_523 : vector<512x1xf32> to vector<512x256xf32>
    %eq3A_526 = arith.cmpf oeq, %sub3A_520, %eq3A_525 : vector<512x256xf32>
    %jit3A_527 = arith.constant 8192 : i32
    %broadcast_in_dim3A_528 = vector.broadcast %jit3A_527 : i32 to vector<512x256xi32>
    %select_n3A_529 = arith.select %eq3A_526, %iota3A_524, %broadcast_in_dim3A_528 : vector<512x256xi1>, vector<512x256xi32>
    %reduce_min3A_530 = arith.constant dense<2147483647> : vector<512xi32>
    %reduce_min3A_531 = vector.multi_reduction <minsi>, %select_n3A_529, %reduce_min3A_530 [1] : vector<512x256xi32> to vector<512xi32>
    %broadcast_in_dim3A_532 = vector.shape_cast %reduce_min3A_531 : vector<512xi32> to vector<512x1xi32>
    %mul3A_533 = arith.constant 4096 : i32
    %mul3A_534 = arith.muli %arg1, %mul3A_533 : i32
    %add3A_535 = arith.constant 3840 : i32
    %add3A_536 = arith.addi %mul3A_534, %add3A_535 : i32
    %add3A_537 = vector.broadcast %add3A_536 : i32 to vector<512x1xi32>
    %add3A_538 = arith.addi %broadcast_in_dim3A_532, %add3A_537 : vector<512x1xi32>
    %lt3A = arith.cmpf olt, %broadcast_in_dim3A_47, %broadcast_in_dim3A_17 : vector<512x1xf32>
    %select_n3A_539 = arith.select %lt3A, %broadcast_in_dim3A_47, %broadcast_in_dim3A_17 : vector<512x1xi1>, vector<512x1xf32>
    %select_n3A_540 = arith.select %lt3A, %add3A_62, %add3A_28 : vector<512x1xi1>, vector<512x1xi32>
    %lt3A_541 = arith.cmpf olt, %broadcast_in_dim3A_115, %broadcast_in_dim3A_81 : vector<512x1xf32>
    %select_n3A_542 = arith.select %lt3A_541, %broadcast_in_dim3A_115, %broadcast_in_dim3A_81 : vector<512x1xi1>, vector<512x1xf32>
    %select_n3A_543 = arith.select %lt3A_541, %add3A_130, %add3A_96 : vector<512x1xi1>, vector<512x1xi32>
    %lt3A_544 = arith.cmpf olt, %broadcast_in_dim3A_183, %broadcast_in_dim3A_149 : vector<512x1xf32>
    %select_n3A_545 = arith.select %lt3A_544, %broadcast_in_dim3A_183, %broadcast_in_dim3A_149 : vector<512x1xi1>, vector<512x1xf32>
    %select_n3A_546 = arith.select %lt3A_544, %add3A_198, %add3A_164 : vector<512x1xi1>, vector<512x1xi32>
    %lt3A_547 = arith.cmpf olt, %broadcast_in_dim3A_251, %broadcast_in_dim3A_217 : vector<512x1xf32>
    %select_n3A_548 = arith.select %lt3A_547, %broadcast_in_dim3A_251, %broadcast_in_dim3A_217 : vector<512x1xi1>, vector<512x1xf32>
    %select_n3A_549 = arith.select %lt3A_547, %add3A_266, %add3A_232 : vector<512x1xi1>, vector<512x1xi32>
    %lt3A_550 = arith.cmpf olt, %broadcast_in_dim3A_319, %broadcast_in_dim3A_285 : vector<512x1xf32>
    %select_n3A_551 = arith.select %lt3A_550, %broadcast_in_dim3A_319, %broadcast_in_dim3A_285 : vector<512x1xi1>, vector<512x1xf32>
    %select_n3A_552 = arith.select %lt3A_550, %add3A_334, %add3A_300 : vector<512x1xi1>, vector<512x1xi32>
    %lt3A_553 = arith.cmpf olt, %broadcast_in_dim3A_387, %broadcast_in_dim3A_353 : vector<512x1xf32>
    %select_n3A_554 = arith.select %lt3A_553, %broadcast_in_dim3A_387, %broadcast_in_dim3A_353 : vector<512x1xi1>, vector<512x1xf32>
    %select_n3A_555 = arith.select %lt3A_553, %add3A_402, %add3A_368 : vector<512x1xi1>, vector<512x1xi32>
    %lt3A_556 = arith.cmpf olt, %broadcast_in_dim3A_455, %broadcast_in_dim3A_421 : vector<512x1xf32>
    %select_n3A_557 = arith.select %lt3A_556, %broadcast_in_dim3A_455, %broadcast_in_dim3A_421 : vector<512x1xi1>, vector<512x1xf32>
    %select_n3A_558 = arith.select %lt3A_556, %add3A_470, %add3A_436 : vector<512x1xi1>, vector<512x1xi32>
    %lt3A_559 = arith.cmpf olt, %broadcast_in_dim3A_523, %broadcast_in_dim3A_489 : vector<512x1xf32>
    %select_n3A_560 = arith.select %lt3A_559, %broadcast_in_dim3A_523, %broadcast_in_dim3A_489 : vector<512x1xi1>, vector<512x1xf32>
    %select_n3A_561 = arith.select %lt3A_559, %add3A_538, %add3A_504 : vector<512x1xi1>, vector<512x1xi32>
    %lt3A_562 = arith.cmpf olt, %select_n3A_542, %select_n3A_539 : vector<512x1xf32>
    %select_n3A_563 = arith.select %lt3A_562, %select_n3A_542, %select_n3A_539 : vector<512x1xi1>, vector<512x1xf32>
    %select_n3A_564 = arith.select %lt3A_562, %select_n3A_543, %select_n3A_540 : vector<512x1xi1>, vector<512x1xi32>
    %lt3A_565 = arith.cmpf olt, %select_n3A_548, %select_n3A_545 : vector<512x1xf32>
    %select_n3A_566 = arith.select %lt3A_565, %select_n3A_548, %select_n3A_545 : vector<512x1xi1>, vector<512x1xf32>
    %select_n3A_567 = arith.select %lt3A_565, %select_n3A_549, %select_n3A_546 : vector<512x1xi1>, vector<512x1xi32>
    %lt3A_568 = arith.cmpf olt, %select_n3A_554, %select_n3A_551 : vector<512x1xf32>
    %select_n3A_569 = arith.select %lt3A_568, %select_n3A_554, %select_n3A_551 : vector<512x1xi1>, vector<512x1xf32>
    %select_n3A_570 = arith.select %lt3A_568, %select_n3A_555, %select_n3A_552 : vector<512x1xi1>, vector<512x1xi32>
    %lt3A_571 = arith.cmpf olt, %select_n3A_560, %select_n3A_557 : vector<512x1xf32>
    %select_n3A_572 = arith.select %lt3A_571, %select_n3A_560, %select_n3A_557 : vector<512x1xi1>, vector<512x1xf32>
    %select_n3A_573 = arith.select %lt3A_571, %select_n3A_561, %select_n3A_558 : vector<512x1xi1>, vector<512x1xi32>
    %lt3A_574 = arith.cmpf olt, %select_n3A_566, %select_n3A_563 : vector<512x1xf32>
    %select_n3A_575 = arith.select %lt3A_574, %select_n3A_566, %select_n3A_563 : vector<512x1xi1>, vector<512x1xf32>
    %select_n3A_576 = arith.select %lt3A_574, %select_n3A_567, %select_n3A_564 : vector<512x1xi1>, vector<512x1xi32>
    %lt3A_577 = arith.cmpf olt, %select_n3A_572, %select_n3A_569 : vector<512x1xf32>
    %select_n3A_578 = arith.select %lt3A_577, %select_n3A_572, %select_n3A_569 : vector<512x1xi1>, vector<512x1xf32>
    %select_n3A_579 = arith.select %lt3A_577, %select_n3A_573, %select_n3A_570 : vector<512x1xi1>, vector<512x1xi32>
    %lt3A_580 = arith.cmpf olt, %select_n3A_578, %select_n3A_575 : vector<512x1xf32>
    %select_n3A_581 = arith.select %lt3A_580, %select_n3A_578, %select_n3A_575 : vector<512x1xi1>, vector<512x1xf32>
    %select_n3A_582 = arith.select %lt3A_580, %select_n3A_579, %select_n3A_576 : vector<512x1xi1>, vector<512x1xi32>
    %eq3A_583 = arith.constant 0 : i32
    %eq3A_584 = arith.cmpi eq, %arg1, %eq3A_583 : i32
    %convert_element_type3A = arith.extui %eq3A_584 : i1 to i32
    %cond3A = arith.constant 0 : i32
    %cond3A_585 = arith.cmpi ne, %convert_element_type3A, %cond3A : i32
    scf.if %cond3A_585 {
      %swap3A = arith.constant 0 : index
      %swap3A_595 = arith.constant 0 : index
      %swap3A_596 = vector.load %arg5[%swap3A, %swap3A_595] : memref<512x1xf32, #tpu.memory_space<vmem>>, vector<512x1xf32>
      tpu.vector_store %arg5[%swap3A, %swap3A_595], %select_n3A_581 {strides = array<i32>} : memref<512x1xf32, #tpu.memory_space<vmem>>, vector<512x1xf32>,
      %swap3A_597 = arith.constant 0 : index
      %swap3A_598 = arith.constant 0 : index
      %swap3A_599 = vector.load %arg6[%swap3A_597, %swap3A_598] : memref<512x1xi32, #tpu.memory_space<vmem>>, vector<512x1xi32>
      tpu.vector_store %arg6[%swap3A_597, %swap3A_598], %select_n3A_582 {strides = array<i32>} : memref<512x1xi32, #tpu.memory_space<vmem>>, vector<512x1xi32>,
    } else {
    }
    %gt3A = arith.constant 0 : i32
    %gt3A_586 = arith.cmpi sgt, %arg1, %gt3A : i32
    %convert_element_type3A_587 = arith.extui %gt3A_586 : i1 to i32
    %cond3A_588 = arith.constant 0 : i32
    %cond3A_589 = arith.cmpi ne, %convert_element_type3A_587, %cond3A_588 : i32
    scf.if %cond3A_589 {
      %get3A_595 = arith.constant 0 : index
      %get3A_596 = arith.constant 0 : index
      %get3A_597 = vector.load %arg5[%get3A_595, %get3A_596] : memref<512x1xf32, #tpu.memory_space<vmem>>, vector<512x1xf32>
      %lt3A_598 = arith.cmpf olt, %select_n3A_581, %get3A_597 : vector<512x1xf32>
      %get3A_599 = arith.constant 0 : index
      %get3A_600 = arith.constant 0 : index
      %get3A_601 = vector.load %arg6[%get3A_599, %get3A_600] : memref<512x1xi32, #tpu.memory_space<vmem>>, vector<512x1xi32>
      %select_n3A_602 = arith.select %lt3A_598, %select_n3A_582, %get3A_601 : vector<512x1xi1>, vector<512x1xi32>
      %swap3A = arith.constant 0 : index
      %swap3A_603 = arith.constant 0 : index
      %swap3A_604 = vector.load %arg6[%swap3A, %swap3A_603] : memref<512x1xi32, #tpu.memory_space<vmem>>, vector<512x1xi32>
      tpu.vector_store %arg6[%swap3A, %swap3A_603], %select_n3A_602 {strides = array<i32>} : memref<512x1xi32, #tpu.memory_space<vmem>>, vector<512x1xi32>,
      %get3A_605 = arith.constant 0 : index
      %get3A_606 = arith.constant 0 : index
      %get3A_607 = vector.load %arg5[%get3A_605, %get3A_606] : memref<512x1xf32, #tpu.memory_space<vmem>>, vector<512x1xf32>
      %select_n3A_608 = arith.select %lt3A_598, %select_n3A_581, %get3A_607 : vector<512x1xi1>, vector<512x1xf32>
      %swap3A_609 = arith.constant 0 : index
      %swap3A_610 = arith.constant 0 : index
      %swap3A_611 = vector.load %arg5[%swap3A_609, %swap3A_610] : memref<512x1xf32, #tpu.memory_space<vmem>>, vector<512x1xf32>
      tpu.vector_store %arg5[%swap3A_609, %swap3A_610], %select_n3A_608 {strides = array<i32>} : memref<512x1xf32, #tpu.memory_space<vmem>>, vector<512x1xf32>,
    } else {
    }
    %eq3A_590 = arith.constant 1 : i32
    %eq3A_591 = arith.cmpi eq, %arg1, %eq3A_590 : i32
    %convert_element_type3A_592 = arith.extui %eq3A_591 : i1 to i32
    %cond3A_593 = arith.constant 0 : i32
    %cond3A_594 = arith.cmpi ne, %convert_element_type3A_592, %cond3A_593 : i32
    scf.if %cond3A_594 {
      %get3A_595 = arith.constant 0 : index
      %get3A_596 = arith.constant 0 : index
      %get3A_597 = vector.load %arg6[%get3A_595, %get3A_596] : memref<512x1xi32, #tpu.memory_space<vmem>>, vector<512x1xi32>
      %swap3A = arith.constant 0 : index
      %swap3A_598 = arith.constant 0 : index
      %swap3A_599 = vector.load %arg4[%swap3A, %swap3A_598] : memref<512x1xi32, #tpu.memory_space<vmem>>, vector<512x1xi32>
      tpu.vector_store %arg4[%swap3A, %swap3A_598], %get3A_597 {strides = array<i32>} : memref<512x1xi32, #tpu.memory_space<vmem>>, vector<512x1xi32>,
    } else {
    }
    return
  }
  func.func @transform_0(%arg0: i32, %arg1: i32) -> (i32, i32) {
    %c0_i32 = arith.constant 0 : i32
    %c0_i32_0 = arith.constant 0 : i32
    return %arg0, %c0_i32 : i32, i32
  }
  func.func @transform_1(%arg0: i32, %arg1: i32) -> (i32, i32) {
    %c0_i32 = arith.constant 0 : i32
    %c0_i32_0 = arith.constant 0 : i32
    return %arg1, %c0_i32 : i32, i32
  }
  func.func @transform_2(%arg0: i32, %arg1: i32) -> (i32, i32) {
    %c0_i32 = arith.constant 0 : i32
    %c0_i32_0 = arith.constant 0 : i32
    return %arg0, %c0_i32 : i32, i32
  }
}

</mosaic_0001>

<sc_bundles>
// kernel: kernel.10.cloned.1.call-start
scs
__scs_entry_jumppad:
0x0: {  	(pc) =	sbr.rel $0x88, $3  }
0x1: {  	(tag) =	ssettag $0x0;
	lr =	simm.s32 $0x1  }
0x2: {  	[smem:$0x3F9F] =	sst lr;
	_ =	strace $0xD0000000  }
0x3: {  	_ = 	snop  }
0x4: {  	_ = 	snop  }
0x5: {  	_ = 	snop  }
0x6: {  	_ = 	snop  }
0x7: {  	_ = 	snop  }
__scs_overlays_trampoline_lowered:
0x8: {  	[smem:$0x3FAE] =	sst s0  }
0x9: {  	[smem:$0x3FAF] =	sst s1  }
0xa: {  	[smem:$0x3FB0] =	sst s2  }
0xb: {  	[smem:$0x3FB1] =	sst s3  }
0xc: {  	[smem:$0x3FB2] =	sst s4  }
0xd: {  	[smem:$0x3FB3] =	sst s5  }
0xe: {  	[smem:$0x3FB4] =	sst s6  }
0xf: {  	[smem:$0x3FB5] =	sst s7  }
0x10: {  	[smem:$0x3FB6] =	sst s8  }
0x11: {  	[smem:$0x3FB7] =	sst s9;
	s0 =	simm.s32 @!p0 $0x0  }
0x12: {  	s1 =	sld [smem:$0x3F9D];
	s0 =	simm.s32 @p0 $0x1  }
0x13: {  	[smem:$0x3FB8] =	sst s0;
	s0 =	simm.s32 @!p1 $0x0  }
0x14: {  	s2 =	sld [smem:$0x3F9C];
	s0 =	simm.s32 @p1 $0x1  }
0x15: {  	[smem:$0x3FB9] =	sst s0;
	s0 =	simm.s32 @!p2 $0x0  }
0x16: {  	s3 =	sld [smem:$0x3FDB];
	s0 =	simm.s32 @p2 $0x1  }
0x17: {  	s4 =	simm.s32 $0x1BF5;
	[smem:$0x3FBB] =	sst s0  }
0x18: {  	s0 =	sld [smem:$0x3F9E];
	_ =	swait.ge [sflag:s4], $0x0  }
0x19: {  	s7 =	sld [smem:$0x3F9F]  }
0x1a: {  	s8 =	sadd.s32 $0xFFFFE003, lr  }
0x1b: {  	s9 =	sadd.s32 $0xFFFFFEF7, lr;
	s5 =	simm.s32 $0xFFFFFFFF;
	p2 =	slt.u32 s8, $0xFFFFF086  }
0x1c: {  	p1 =	slt.u32 s9, $0xF7A;
	s5 =	simm.s32 @!p2 $0x0  }
0x1d: {  	s5 =	simm.s32 @p1 $0x1;
	p0 =	seq.s32 s7, s2  }
0x1e: {  	s7 =	smul.u32 @!p0 $0xF7A, s2;
	p2 =	seq.s32 @!p0 s5, $0x0  }
0x1f: {  	s9 =	smul.u32 $0xF7A, s1;
	s8 =	simm.s32 @!p0 $0x1BF5;
	p2 =	por !p2, p0  }
0x20: {  	[sflag:s8] =	ssyncset.s32 @!p0 $0xFFFFF086;
	s6 =	sadd.s32 @!p0 s3, s7;
	s7 =	simm.s32 @!p0 $0x108  }
0x21: {  	s3 =	sadd.s32 s3, s9;
	s6 =	sadd.s32 @!p0 $0x88, s6;
	s7 =	simm.s32 @p2 $0x1082  }
0x22: {  	[simem:s7], [sflag:s8] =	dma.local @!p0 [hbm:s6], $0xF7A  }
0x23: {  	s9 =	sor.u32 $0xD0000000, s2;
	s6 =	simm.s32 $0x108;
	_ =	swait.ge @!p0 [sflag:s8], $0x0  }
0x24: {  	s3 =	sadd.s32 $0x88, s3;
	s6 =	simm.s32 @!p1 $0x1082;
	[sflag:s4] =	ssyncset.s32 $0xFFFFF086  }
0x25: {  	[simem:s6], [sflag:s4] =	dma.local [hbm:s3], $0xF7A  }
0x26: {  	[smem:$0x3F9F] =	sst s1;
	(tag) =	ssettag s2;
	_ =	strace s9  }
0x27: {  	s1 =	sld [smem:$0x3FAF]  }
0x28: {  	s2 =	sld [smem:$0x3FB0]  }
0x29: {  	s4 =	sld [smem:$0x3FB2]  }
0x2a: {  	p0 =	seq.s32 s5, $0x0;
	s5 =	sld [smem:$0x3FB3]  }
0x2b: {  	s6 =	sld [smem:$0x3FB4]  }
0x2c: {  	s7 =	sld [smem:$0x3FB5]  }
0x2d: {  	s3 =	simm.s32 $0x108;
	s8 =	sld [smem:$0x3FB6]  }
0x2e: {  	s3 =	simm.s32 @!p0 $0x1082;
	s9 =	sld [smem:$0x3FB7]  }
0x2f: {  	lr =	sadd.s32 s0, s3;
	s0 =	sld [smem:$0x3FAE]  }
0x30: {  	s3 =	sld [smem:$0x3FB1]  }
0x31: {  	[smem:$0x3FBA] =	sst s10  }
0x32: {  	s10 =	sld [smem:$0x3FB8];
	_ =	sdelay $0x3  }
0x33: {  	p0 =	seq.s32 s10, $0x1;
	s10 =	sld [smem:$0x3FBA];
	_ =	sdelay $0x3  }
0x34: {  	[smem:$0x3FBA] =	sst s10  }
0x35: {  	s10 =	sld [smem:$0x3FB9];
	_ =	sdelay $0x3  }
0x36: {  	p1 =	seq.s32 s10, $0x1;
	s10 =	sld [smem:$0x3FBA];
	_ =	sdelay $0x3  }
0x37: {  	[smem:$0x3FBA] =	sst s10  }
0x38: {  	s10 =	sld [smem:$0x3FBB]  }
0x39: {  	_ = 	snop;
	(pc) =	sbr.ind lr, $3  }
0x3a: {  	_ = 	snop  }
0x3b: {  	_ = 	snop  }
0x3c: {  	p2 =	seq.s32 s10, $0x1;
	s10 =	sld [smem:$0x3FBA]  }
0x3d: {  	_ =	shalt  }
0x3e: {  	_ =	shalt  }
0x3f: {  	_ =	shalt  }
0x40: {  	_ =	shalt  }
0x41: {  	_ =	shalt  }
0x42: {  	_ =	shalt  }
0x43: {  	_ =	shalt  }
0x44: {  	_ =	shalt  }
0x45: {  	_ =	shalt  }
0x46: {  	_ =	shalt  }
0x47: {  	_ =	shalt  }
0x48: {  	_ =	shalt  }
0x49: {  	_ =	shalt  }
0x4a: {  	_ =	shalt  }
0x4b: {  	_ =	shalt  }
0x4c: {  	_ =	shalt  }
0x4d: {  	_ =	shalt  }
0x4e: {  	_ =	shalt  }
0x4f: {  	_ =	shalt  }
0x50: {  	_ =	shalt  }
0x51: {  	_ =	shalt  }
0x52: {  	_ =	shalt  }
0x53: {  	_ =	shalt  }
0x54: {  	_ =	shalt  }
0x55: {  	_ =	shalt  }
0x56: {  	_ =	shalt  }
0x57: {  	_ =	shalt  }
0x58: {  	_ =	shalt  }
0x59: {  	_ =	shalt  }
0x5a: {  	_ =	shalt  }
0x5b: {  	_ =	shalt  }
0x5c: {  	_ =	shalt  }
0x5d: {  	_ =	shalt  }
0x5e: {  	_ =	shalt  }
0x5f: {  	_ =	shalt  }
0x60: {  	_ =	shalt  }
0x61: {  	_ =	shalt  }
0x62: {  	_ =	shalt  }
0x63: {  	_ =	shalt  }
0x64: {  	_ =	shalt  }
0x65: {  	_ =	shalt  }
0x66: {  	_ =	shalt  }
0x67: {  	_ =	shalt  }
0x68: {  	_ =	shalt  }
0x69: {  	_ =	shalt  }
0x6a: {  	_ =	shalt  }
0x6b: {  	_ =	shalt  }
0x6c: {  	_ =	shalt  }
0x6d: {  	_ =	shalt  }
0x6e: {  	_ =	shalt  }
0x6f: {  	_ =	shalt  }
0x70: {  	_ =	shalt  }
0x71: {  	_ =	shalt  }
0x72: {  	_ =	shalt  }
0x73: {  	_ =	shalt  }
0x74: {  	_ =	shalt  }
0x75: {  	_ =	shalt  }
0x76: {  	_ =	shalt  }
0x77: {  	_ =	shalt  }
0x78: {  	_ =	shalt  }
0x79: {  	_ =	shalt  }
0x7a: {  	_ =	shalt  }
0x7b: {  	_ =	shalt  }
0x7c: {  	_ =	shalt  }
0x7d: {  	_ =	shalt  }
0x7e: {  	_ =	shalt  }
0x7f: {  	_ =	shalt  }
0x80: {  	_ =	shalt  }
0x81: {  	_ =	shalt  }
0x82: {  	_ =	shalt  }
0x83: {  	_ =	shalt  }
0x84: {  	_ =	shalt  }
0x85: {  	_ =	shalt  }
0x86: {  	_ =	shalt  }
0x87: {  	_ =	shalt  }
.Lfunc_end0:
.L_simem_size_0:
called_computation_lowered:
.L_overlay_start_0:
0x88: {  	s2 =	sld [smem:$0x3FD9]  }
0x89: {  	s3 =	sld [smem:$0x3FFE];
	_ =	sdelay $0x1  }
0x8a: {  	s1 =	srdreg.scid  }
0x8b: {  	s0 =	sand.u32 $0x1, s1  }
0x8c: {  	s14 =	sshll.u32 s0, $0xA;
	s2 =	sadd.s32 s3, s2  }
0x8d: {  	s2 =	sadd.s32 s2, s14  }
0x8e: {  	[smem:$0x3FC6] =	sst s2  }
0x8f: {  	_ = 	snop  }
0x90: {  	s2 =	sld [smem:$0x3FD0];
	_ =	sdelay $0x2  }
0x91: {  	s15 =	simm.s32 $0xA;
	s4 =	simm.s32 $0x10  }
0x92: {  	[smem:s4], [sflag:s15] =	dma.local [hbm:s2], $0x1  }
0x93: {  	_ =	swait.eq [sflag:s15], $0x1  }
0x94: {  	[sflag:s15] =	ssyncset.done $0x0  }
0x95: {  	s16 =	sld [smem:$0x10];
	[sflag:s15] =	ssyncadd.s32 $0xFFFFFFFF  }
0x96: {  	s17 =	sld [smem:$0x11];
	(tm) =	ssettm $0x1  }
0x97: {  	s18 =	sld [smem:$0x3FFB];
	_ =	sdelay $0x3  }
0x98: {  	_ =	strace s18  }
0x99: {  	s4 =	sld [smem:$0x3FFC];
	_ =	sdelay $0x3  }
0x9a: {  	_ =	strace s4  }
0x9b: {  	s4 =	sld [smem:$0x3FFD];
	_ =	sdelay $0x3  }
0x9c: {  	_ =	strace s4  }
0x9d: {  	_ =	strace $0x8FFFFFFF  }
0x9e: {  	s19 =	sld [smem:$0x3FDB];
	_ =	sdelay $0x1  }
0x9f: {  	s5 =	simm.s32 $_scs_section_size  }
0xa0: {  	s6 =	simm.s32 $_size__tile_overlayer_lowered;
	s7 =	simm.s32 $_tile_overlayer_lowered  }
0xa1: {  	s22 =	simm.s32 $0x1BFF;
	s21 =	sshll.u32 s7, $0x1;
	s4 =	sadd.s32 s5, s19  }
0xa2: {  	s8 =	simm.s32 $0x0;
	s20 =	sshll.u32 s6, $0x1;
	s6 =	sadd.s32 s21, s4  }
0xa3: {  	[timem:s8], [sflag:s22] =	dma.local [hbm:s6], s20  }
0xa4: {  	_ =	swait.ge [sflag:s22], s20  }
0xa5: {  	s5 =	ssub.s32 $0x0, s20;
	[sflag:s22] =	ssyncset.done $0x0  }
0xa6: {  	[sflag:s22] =	ssyncadd.s32 s5;
	_ =	sdelay $0x1  }
0xa7: {  	s23 =	simm.s32 $0x1B8B  }
0xa8: {  	_ =	swait.ge [sflag:s23], $0x1  }
0xa9: {  	[sflag:s23] =	ssyncset.done $0x0  }
0xaa: {  	s25 =	simm.s32 $0x1B8E;
	s24 =	sld [smem:$0x3FFE];
	[sflag:s23] =	ssyncadd.s32 $0xFFFFFFFF  }
0xab: {  	s26 =	simm.s32 $execute0_lowered;
	[smem:$0x3FD2] =	sst s25  }
0xac: {  	s6 =	sshll.u32 s26, $0x1;
	_ =	strace $0x80000046;
	[dreg:$0x1] =	wrdreg $0xFFFFFFFF  }
0xad: {  	s28 =	simm.s32 $_size_execute0_lowered;
	s4 =	sadd.s32 s4, s6;
	[dreg:$0x0] =	wrdreg $0x0  }
0xae: {  	s6 =	sshll.u32 s28, $0x1;
	[dreg:$0x2] =	wrdreg s4  }
0xaf: {  	[dreg:$0x3] =	wrdreg s6  }
0xb0: {  	[dreg:$0x4] =	wrdreg $0xC0  }
0xb1: {  	_ =	task [dreg:s8], $0x5FFFF  }
0xb2: {  	[dreg:$0x1] =	wrdreg $0xFFFFFFFF  }
0xb3: {  	[dreg:$0x0] =	wrdreg $0x60  }
0xb4: {  	[dreg:$0x2] =	wrdreg s24  }
0xb5: {  	[dreg:$0x3] =	wrdreg s17  }
0xb6: {  	[dreg:$0x4] =	wrdreg s16  }
0xb7: {  	[dreg:$0x5] =	wrdreg $0x9  }
0xb8: {  	_ =	task.clear_ibuf [dreg:s8], $0x6FFFF;
	_ =	strace $0x90000046  }
0xb9: {  	s29 =	simm.s32 $0x9;
	_ =	strace $0x80000048  }
0xba: {  	_ =	swait.ge [sflag:s29], $0x1  }
0xbb: {  	[sflag:s29] =	ssyncadd.s32 $0xFFFFFFFF  }
0xbc: {  	_ =	strace $0x90000048  }
0xbd: {  	_ =	sfence  }
0xbe: {  	s30 =	sld [smem:$0x0];
	_ =	sdelay $0x2  }
0xbf: {  	s31 =	sshll.u32 s1, $0xD;
	s1 =	sshrl.u32 s1, $0x2  }
0xc0: {  	s3 =	sand.u32 $0x4000, s31;
	s1 =	sadd.s32 s1, s30  }
0xc1: {  	s0 =	sor.u32 s3, s0;
	s1 =	sshll.u32 s1, $0x11  }
0xc2: {  	s0 =	sor.u32 s1, s0  }
0xc3: {  	s0 =	sadd.s32 $0x8F2B, s0  }
0xc4: {  	[sflag:s0] =	ssyncadd.remote.s32 $0x1  }
0xc5: {  	_ =	sfence.sel $0xFFFF  }
0xc6: {  	[dreg:$0x0] =	wrdreg $0xFFFFFFFF;
	(pc) =	sbr.abs _section_cstart, $3  }
0xc7: {  	[dreg:$0x1] =	wrdreg $0xFFFFFFFF  }
0xc8: {  	_ =	task.clear_ibuf [dreg:s8], $0x2FFFF;
	_ =	strace $0x9FFFFFFF  }
0xc9: {  	(tm) =	ssettm $0x7FFFFFFF  }
tec
execute0_lowered:
.L_overlay_start_1:
0x0: {  	(tag) =	ssettag $0x1  }
0x1: {  	s4 =	rddreg [dreg:$0x0]  }
0x2: {  	s5 =	rddreg [dreg:$0x1]  }
0x3: {  	s6 =	rddreg [dreg:$0x2]  }
0x4: {  	s0 =	rddreg [dreg:$0x3];
	s3 =	srdreg.scid  }
0x5: {  	s1 =	stileid.u32;
	s2 =	simm.s32 $0x0;
	s13 =	simm.s32 $0x8200  }
0x6: {  	s14 =	simm.s32 $0x0;
	s7 =	sand.u32 $0x1, s3;
	s30 =	sshll.u32 s1, $0x1  }
0x7: {  	[smem:$0x7FF] =	sst s2;
	s3 =	sadd.s32 $0x1C00, s4;
	s8 =	sor.u32 s7, s30  }
0x8: {  	_ =	strace $0x80000047;
	s7 =	ssub.s32 $0x2, s7;
	s9 =	sshll.u32 s8, $0xB  }
0x9: {  	s11 =	sshll.u32 s8, $0x1;
	s31 =	sshrl.u32 s7, $0x1;
	s8 =	sshll.u32 s8, $0x6  }
0xa: {  	s10 =	sadd.s32 s9, s4;
	s11 =	sadd.s32 s11, s4;
	s12 =	ssub.s32 s7, s31  }
0xb: {  	s4 =	sadd.s32 s5, s8;
	s5 =	sadd.s32 s6, s9;
	s9 =	simm.s32 $0x2  }
0xc: {  	s6 =	sadd.s32 $0x49C00, s10;
	s7 =	sadd.s32 $0x59C00, s11;
	s8 =	smax.u32 s12, $0x1  }
0xd: {  	s10 =	simm.s32 $0x200;
	s11 =	simm.s32 $0x4200;
	s12 =	simm.s32 $0x1  }
.LBB2_1:
0xe: {  	[tilespmem:s2], [sflag:$0x2] =	stream.linear.gather [hbm4b:s4+s2], $0x200, $0x38;
	[tilespmem:$0x8210] =	vst v63  }
0xf: {  	_ =	swait.ge [sflag:s9], $0x200  }
0x10: {  	[sflag:s9] =	ssyncset.done $0x0  }
0x11: {  	[sflag:s9] =	ssyncadd.s32 $0xFFFFFE00  }
0x12: {  	[tilespmem:s10], [sflag:$0x1] =	stream.indirect.gather [hbm4b:s3+s10], $0x20, s2, s10, $0xb8;
	[tilespmem:$0x8210] =	vst v63  }
0x13: {  	_ = 	snop  }
0x14: {  	[tilespmem:s11], [sflag:$0x2] =	stream.linear.gather [hbm4b:s5+s2], $0x4000, $0x38;
	[tilespmem:$0x8210] =	vst v63  }
0x15: {  	_ =	swait.ge [sflag:s9], $0x4000  }
0x16: {  	[sflag:s9] =	ssyncset.done $0x0  }
0x17: {  	[sflag:s9] =	ssyncadd.s32 $0xFFFFC000  }
0x18: {  	_ =	swait.ge [sflag:s12], $0x4000  }
0x19: {  	[sflag:s12] =	ssyncset.done $0x0  }
0x1a: {  	s15 =	simm.s32 $0x0;
	[sflag:s12] =	ssyncadd.s32 $0xFFFFC000  }
0x1b: {  	v2 =	vld [tilespmem:s15+$0x200]  }
0x1c: {  	v3 =	vld [tilespmem:s15+$0x210]  }
0x1d: {  	v0 =	vimm.f32 $0.0e+00;
	s16 =	simm.s32 $0x80;
	v1 =	vld [tilespmem:s15+$0x4200]  }
.LBB2_2:
0x1e: {  	p0 =	sne.s32 s16, $0xFF80;
	v4 =	vld [tilespmem:s15+$0x4210];
	_ =	sdelay $0x3  }
0x1f: {  	v2 =	vsub.f32 v2, v1  }
0x20: {  	v3 =	vsub.f32 v3, v4  }
0x21: {  	v5 =	vmul.f32 v2, v2;
	v2 =	vadd.f32 v2, v1  }
.Ltmp0:
0x22: {  	v6 =	vmul.f32 v3, v3;
	v3 =	vadd.f32 v3, v4;
	(pc) =	sbr.rel @p0 .LBB2_2-.Ltmp0, $4  }
0x23: {  	s17 =	sshra.s32 s16, $0x2;
	v0 =	vadd.f32 v5, v0;
	v1 =	vsub.f32 v1, v2  }
0x24: {  	v2 =	vld [tilespmem:s17+$0x200];
	v4 =	vsub.f32 v4, v3  }
0x25: {  	v3 =	vld [tilespmem:s17+$0x210];
	[tilespmem:s15+$0x4200] =	vst v1;
	v0 =	vadd.f32 v6, v0  }
0x26: {  	s16 =	sadd.s32 $0x80, s16;
	v1 =	vld [tilespmem:s17+$0x4200];
	[tilespmem:s15+$0x4210] =	vst v4;
	s15 =	smov.u32 s17  }
0x27: {  	v4 =	vld [tilespmem:s15+$0x4210];
	_ =	sdelay $0x3  }
0x28: {  	v2 =	vsub.f32 v2, v1  }
0x29: {  	v3 =	vsub.f32 v3, v4  }
0x2a: {  	v5 =	vmul.f32 v2, v2;
	v2 =	vadd.f32 v2, v1  }
0x2b: {  	v6 =	vadd.f32 v3, v4  }
0x2c: {  	v3 =	vmul.f32 v3, v3;
	v0 =	vadd.f32 v5, v0;
	v1 =	vsub.f32 v1, v2  }
0x2d: {  	v63 =	vsub.f32 v4, v6  }
0x2e: {  	[tilespmem:s15+$0x4200] =	vst v1;
	v0 =	vadd.f32 v3, v0  }
0x2f: {  	[tilespmem:s15+$0x4210] =	vst v63  }
0x30: {  	[tilespmem:$0x8200] =	vst v0  }
0x31: {  	[hbm4b:s6+s2] =	stream.linear.scatter [tilespmem:s11], [sflag:$0x2], $0x4000, $0x38;
	[tilespmem:$0x8210] =	vst v63  }
0x32: {  	s14 =	sadd.s32 $0x1, s14;
	_ =	swait.ge [sflag:s9], $0x4000  }
0x33: {  	p0 =	sne.s32 s14, s8;
	[sflag:s9] =	ssyncset.done $0x0  }
.Ltmp1:
0x34: {  	[sflag:s9] =	ssyncadd.s32 $0xFFFFC000;
	(pc) =	sbr.rel @p0 .LBB2_1-.Ltmp1, $4  }
0x35: {  	[hbm4b:s7+s2] =	stream.linear.scatter [tilespmem:s13], [sflag:$0x2], $0x10, $0x38;
	[tilespmem:$0x8210] =	vst v63  }
0x36: {  	_ =	swait.ge [sflag:s9], $0x10  }
0x37: {  	[sflag:s9] =	ssyncset.done $0x0  }
0x38: {  	[sflag:s9] =	ssyncadd.s32 $0xFFFFFFF0  }
0x39: {  	_ =	sfence.sel $0x180000  }
0x3a: {  	[bflag:$0x0] =	sbarrier.arrive $0xFFFF  }
0x3b: {  	p0 =	sne.s32 s1, $0x0;
	_ =	strace $0x90000047  }
0x3c: {  	s0 =	sadd.s32 @!p0 $0x100000, s0;
	[bflag:$0x2] =	sbarrier.arrive $0xFFFF  }
0x3d: {  	[sflag:s0] =	ssyncadd.tile.s32 @!p0 $0x1;
	_ =	shalt  }
.Lfunc_end2:
_tile_overlayer_lowered:
.L_overlay_start_2:
0x3e: {  	(tag) =	ssettag $0x2  }
0x3f: {  	s0 =	rddreg [dreg:$0x0];
	s2 =	stileid.u32  }
0x40: {  	s1 =	rddreg [dreg:$0x1];
	p0 =	sne.s32 s2, $0x0  }
0x41: {  	s3 =	rddreg [dreg:$0x2];
	[bflag:$0x3] =	sbarrier.arrive $0xFFFF;
	s2 =	simm.s32 @!p0 $0x1C02  }
0x42: {  	[timem:s3], [sflag:s2] =	dma.local @!p0 [hbm:s0], s1  }
0x43: {  	s0 =	simm.s32 @!p0 $0x2  }
0x44: {  	_ =	swait.ge @!p0 [sflag:s0], s1  }
0x45: {  	s1 =	ssub.s32 @!p0 $0x0, s1;
	[sflag:s0] =	ssyncset.done @!p0 $0x0  }
0x46: {  	[sflag:s0] =	ssyncadd.s32 @!p0 s1  }
0x47: {  	[bflag:$0x3] =	sbarrier.arrive $0xFFFF  }
0x48: {  	_ =	shalt  }

// kernel: kernel.13.cloned.1.call-start
scs
__scs_entry_jumppad:
0x0: {  	(pc) =	sbr.rel $0x88, $3  }
0x1: {  	(tag) =	ssettag $0x0;
	lr =	simm.s32 $0x1  }
0x2: {  	[smem:$0x3F9F] =	sst lr;
	_ =	strace $0xD0000000  }
0x3: {  	_ = 	snop  }
0x4: {  	_ = 	snop  }
0x5: {  	_ = 	snop  }
0x6: {  	_ = 	snop  }
0x7: {  	_ = 	snop  }
__scs_overlays_trampoline_lowered:
0x8: {  	[smem:$0x3FAE] =	sst s0  }
0x9: {  	[smem:$0x3FAF] =	sst s1  }
0xa: {  	[smem:$0x3FB0] =	sst s2  }
0xb: {  	[smem:$0x3FB1] =	sst s3  }
0xc: {  	[smem:$0x3FB2] =	sst s4  }
0xd: {  	[smem:$0x3FB3] =	sst s5  }
0xe: {  	[smem:$0x3FB4] =	sst s6  }
0xf: {  	[smem:$0x3FB5] =	sst s7  }
0x10: {  	[smem:$0x3FB6] =	sst s8  }
0x11: {  	[smem:$0x3FB7] =	sst s9;
	s0 =	simm.s32 @!p0 $0x0  }
0x12: {  	s1 =	sld [smem:$0x3F9D];
	s0 =	simm.s32 @p0 $0x1  }
0x13: {  	[smem:$0x3FB8] =	sst s0;
	s0 =	simm.s32 @!p1 $0x0  }
0x14: {  	s2 =	sld [smem:$0x3F9C];
	s0 =	simm.s32 @p1 $0x1  }
0x15: {  	[smem:$0x3FB9] =	sst s0;
	s0 =	simm.s32 @!p2 $0x0  }
0x16: {  	s3 =	sld [smem:$0x3FDB];
	s0 =	simm.s32 @p2 $0x1  }
0x17: {  	s4 =	simm.s32 $0x1BF5;
	[smem:$0x3FBB] =	sst s0  }
0x18: {  	s0 =	sld [smem:$0x3F9E];
	_ =	swait.ge [sflag:s4], $0x0  }
0x19: {  	s7 =	sld [smem:$0x3F9F]  }
0x1a: {  	s8 =	sadd.s32 $0xFFFFE003, lr  }
0x1b: {  	s9 =	sadd.s32 $0xFFFFFEF7, lr;
	s5 =	simm.s32 $0xFFFFFFFF;
	p2 =	slt.u32 s8, $0xFFFFF086  }
0x1c: {  	p1 =	slt.u32 s9, $0xF7A;
	s5 =	simm.s32 @!p2 $0x0  }
0x1d: {  	s5 =	simm.s32 @p1 $0x1;
	p0 =	seq.s32 s7, s2  }
0x1e: {  	s7 =	smul.u32 @!p0 $0xF7A, s2;
	p2 =	seq.s32 @!p0 s5, $0x0  }
0x1f: {  	s9 =	smul.u32 $0xF7A, s1;
	s8 =	simm.s32 @!p0 $0x1BF5;
	p2 =	por !p2, p0  }
0x20: {  	[sflag:s8] =	ssyncset.s32 @!p0 $0xFFFFF086;
	s6 =	sadd.s32 @!p0 s3, s7;
	s7 =	simm.s32 @!p0 $0x108  }
0x21: {  	s3 =	sadd.s32 s3, s9;
	s6 =	sadd.s32 @!p0 $0x88, s6;
	s7 =	simm.s32 @p2 $0x1082  }
0x22: {  	[simem:s7], [sflag:s8] =	dma.local @!p0 [hbm:s6], $0xF7A  }
0x23: {  	s9 =	sor.u32 $0xD0000000, s2;
	s6 =	simm.s32 $0x108;
	_ =	swait.ge @!p0 [sflag:s8], $0x0  }
0x24: {  	s3 =	sadd.s32 $0x88, s3;
	s6 =	simm.s32 @!p1 $0x1082;
	[sflag:s4] =	ssyncset.s32 $0xFFFFF086  }
0x25: {  	[simem:s6], [sflag:s4] =	dma.local [hbm:s3], $0xF7A  }
0x26: {  	[smem:$0x3F9F] =	sst s1;
	(tag) =	ssettag s2;
	_ =	strace s9  }
0x27: {  	s1 =	sld [smem:$0x3FAF]  }
0x28: {  	s2 =	sld [smem:$0x3FB0]  }
0x29: {  	s4 =	sld [smem:$0x3FB2]  }
0x2a: {  	p0 =	seq.s32 s5, $0x0;
	s5 =	sld [smem:$0x3FB3]  }
0x2b: {  	s6 =	sld [smem:$0x3FB4]  }
0x2c: {  	s7 =	sld [smem:$0x3FB5]  }
0x2d: {  	s3 =	simm.s32 $0x108;
	s8 =	sld [smem:$0x3FB6]  }
0x2e: {  	s3 =	simm.s32 @!p0 $0x1082;
	s9 =	sld [smem:$0x3FB7]  }
0x2f: {  	lr =	sadd.s32 s0, s3;
	s0 =	sld [smem:$0x3FAE]  }
0x30: {  	s3 =	sld [smem:$0x3FB1]  }
0x31: {  	[smem:$0x3FBA] =	sst s10  }
0x32: {  	s10 =	sld [smem:$0x3FB8];
	_ =	sdelay $0x3  }
0x33: {  	p0 =	seq.s32 s10, $0x1;
	s10 =	sld [smem:$0x3FBA];
	_ =	sdelay $0x3  }
0x34: {  	[smem:$0x3FBA] =	sst s10  }
0x35: {  	s10 =	sld [smem:$0x3FB9];
	_ =	sdelay $0x3  }
0x36: {  	p1 =	seq.s32 s10, $0x1;
	s10 =	sld [smem:$0x3FBA];
	_ =	sdelay $0x3  }
0x37: {  	[smem:$0x3FBA] =	sst s10  }
0x38: {  	s10 =	sld [smem:$0x3FBB]  }
0x39: {  	_ = 	snop;
	(pc) =	sbr.ind lr, $3  }
0x3a: {  	_ = 	snop  }
0x3b: {  	_ = 	snop  }
0x3c: {  	p2 =	seq.s32 s10, $0x1;
	s10 =	sld [smem:$0x3FBA]  }
0x3d: {  	_ =	shalt  }
0x3e: {  	_ =	shalt  }
0x3f: {  	_ =	shalt  }
0x40: {  	_ =	shalt  }
0x41: {  	_ =	shalt  }
0x42: {  	_ =	shalt  }
0x43: {  	_ =	shalt  }
0x44: {  	_ =	shalt  }
0x45: {  	_ =	shalt  }
0x46: {  	_ =	shalt  }
0x47: {  	_ =	shalt  }
0x48: {  	_ =	shalt  }
0x49: {  	_ =	shalt  }
0x4a: {  	_ =	shalt  }
0x4b: {  	_ =	shalt  }
0x4c: {  	_ =	shalt  }
0x4d: {  	_ =	shalt  }
0x4e: {  	_ =	shalt  }
0x4f: {  	_ =	shalt  }
0x50: {  	_ =	shalt  }
0x51: {  	_ =	shalt  }
0x52: {  	_ =	shalt  }
0x53: {  	_ =	shalt  }
0x54: {  	_ =	shalt  }
0x55: {  	_ =	shalt  }
0x56: {  	_ =	shalt  }
0x57: {  	_ =	shalt  }
0x58: {  	_ =	shalt  }
0x59: {  	_ =	shalt  }
0x5a: {  	_ =	shalt  }
0x5b: {  	_ =	shalt  }
0x5c: {  	_ =	shalt  }
0x5d: {  	_ =	shalt  }
0x5e: {  	_ =	shalt  }
0x5f: {  	_ =	shalt  }
0x60: {  	_ =	shalt  }
0x61: {  	_ =	shalt  }
0x62: {  	_ =	shalt  }
0x63: {  	_ =	shalt  }
0x64: {  	_ =	shalt  }
0x65: {  	_ =	shalt  }
0x66: {  	_ =	shalt  }
0x67: {  	_ =	shalt  }
0x68: {  	_ =	shalt  }
0x69: {  	_ =	shalt  }
0x6a: {  	_ =	shalt  }
0x6b: {  	_ =	shalt  }
0x6c: {  	_ =	shalt  }
0x6d: {  	_ =	shalt  }
0x6e: {  	_ =	shalt  }
0x6f: {  	_ =	shalt  }
0x70: {  	_ =	shalt  }
0x71: {  	_ =	shalt  }
0x72: {  	_ =	shalt  }
0x73: {  	_ =	shalt  }
0x74: {  	_ =	shalt  }
0x75: {  	_ =	shalt  }
0x76: {  	_ =	shalt  }
0x77: {  	_ =	shalt  }
0x78: {  	_ =	shalt  }
0x79: {  	_ =	shalt  }
0x7a: {  	_ =	shalt  }
0x7b: {  	_ =	shalt  }
0x7c: {  	_ =	shalt  }
0x7d: {  	_ =	shalt  }
0x7e: {  	_ =	shalt  }
0x7f: {  	_ =	shalt  }
0x80: {  	_ =	shalt  }
0x81: {  	_ =	shalt  }
0x82: {  	_ =	shalt  }
0x83: {  	_ =	shalt  }
0x84: {  	_ =	shalt  }
0x85: {  	_ =	shalt  }
0x86: {  	_ =	shalt  }
0x87: {  	_ =	shalt  }
.Lfunc_end0:
.L_simem_size_0:
called_computation.1_lowered:
.L_overlay_start_0:
0x88: {  	s2 =	sld [smem:$0x3FD9]  }
0x89: {  	s3 =	sld [smem:$0x3FFE];
	_ =	sdelay $0x1  }
0x8a: {  	s1 =	srdreg.scid  }
0x8b: {  	s0 =	sand.u32 $0x1, s1  }
0x8c: {  	s14 =	sshll.u32 s0, $0xA;
	s2 =	sadd.s32 s3, s2  }
0x8d: {  	s2 =	sadd.s32 s2, s14  }
0x8e: {  	[smem:$0x3FC6] =	sst s2  }
0x8f: {  	_ = 	snop  }
0x90: {  	s2 =	sld [smem:$0x3FD0];
	_ =	sdelay $0x2  }
0x91: {  	s15 =	simm.s32 $0xA;
	s4 =	simm.s32 $0x10  }
0x92: {  	[smem:s4], [sflag:s15] =	dma.local [hbm:s2], $0x1  }
0x93: {  	_ =	swait.eq [sflag:s15], $0x1  }
0x94: {  	[sflag:s15] =	ssyncset.done $0x0  }
0x95: {  	[sflag:s15] =	ssyncadd.s32 $0xFFFFFFFF  }
0x96: {  	s16 =	sld [smem:$0x11];
	(tm) =	ssettm $0x1  }
0x97: {  	s17 =	sld [smem:$0x3FFB];
	_ =	sdelay $0x3  }
0x98: {  	_ =	strace s17  }
0x99: {  	s3 =	sld [smem:$0x3FFC];
	_ =	sdelay $0x3  }
0x9a: {  	_ =	strace s3  }
0x9b: {  	s3 =	sld [smem:$0x3FFD];
	_ =	sdelay $0x3  }
0x9c: {  	_ =	strace s3  }
0x9d: {  	_ =	strace $0x8FFFFFFF  }
0x9e: {  	s18 =	sld [smem:$0x3FDB];
	_ =	sdelay $0x1  }
0x9f: {  	s19 =	simm.s32 $_scs_section_size  }
0xa0: {  	s5 =	simm.s32 $_size__tile_overlayer_lowered;
	s6 =	simm.s32 $_tile_overlayer_lowered  }
0xa1: {  	s22 =	simm.s32 $0x1BFF;
	s21 =	sshll.u32 s6, $0x1;
	s3 =	sadd.s32 s19, s18  }
0xa2: {  	s7 =	simm.s32 $0x0;
	s20 =	sshll.u32 s5, $0x1;
	s5 =	sadd.s32 s21, s3  }
0xa3: {  	[timem:s7], [sflag:s22] =	dma.local [hbm:s5], s20  }
0xa4: {  	_ =	swait.ge [sflag:s22], s20  }
0xa5: {  	s4 =	ssub.s32 $0x0, s20;
	[sflag:s22] =	ssyncset.done $0x0  }
0xa6: {  	[sflag:s22] =	ssyncadd.s32 s4;
	_ =	sdelay $0x1  }
0xa7: {  	s23 =	simm.s32 $0x1B8B  }
0xa8: {  	_ =	swait.ge [sflag:s23], $0x1  }
0xa9: {  	[sflag:s23] =	ssyncset.done $0x0  }
0xaa: {  	s25 =	simm.s32 $0x1B8E;
	s24 =	sld [smem:$0x3FFE];
	[sflag:s23] =	ssyncadd.s32 $0xFFFFFFFF  }
0xab: {  	s26 =	simm.s32 $execute0_lowered;
	[smem:$0x3FD2] =	sst s25  }
0xac: {  	s5 =	sshll.u32 s26, $0x1;
	_ =	strace $0x80000049;
	[dreg:$0x1] =	wrdreg $0xFFFFFFFF  }
0xad: {  	s28 =	simm.s32 $_size_execute0_lowered;
	s3 =	sadd.s32 s3, s5;
	[dreg:$0x0] =	wrdreg $0x0  }
0xae: {  	s5 =	sshll.u32 s28, $0x1;
	[dreg:$0x2] =	wrdreg s3  }
0xaf: {  	[dreg:$0x3] =	wrdreg s5  }
0xb0: {  	[dreg:$0x4] =	wrdreg $0xC0  }
0xb1: {  	_ =	task [dreg:s7], $0x5FFFF  }
0xb2: {  	[dreg:$0x1] =	wrdreg $0xFFFFFFFF  }
0xb3: {  	[dreg:$0x0] =	wrdreg $0x60  }
0xb4: {  	[dreg:$0x2] =	wrdreg s24  }
0xb5: {  	[dreg:$0x3] =	wrdreg s16  }
0xb6: {  	[dreg:$0x4] =	wrdreg $0x9  }
0xb7: {  	_ =	task.clear_ibuf [dreg:s7], $0x5FFFF;
	_ =	strace $0x90000049  }
0xb8: {  	s29 =	simm.s32 $0x9;
	_ =	strace $0x8000004B  }
0xb9: {  	_ =	swait.ge [sflag:s29], $0x1  }
0xba: {  	[sflag:s29] =	ssyncadd.s32 $0xFFFFFFFF  }
0xbb: {  	_ =	strace $0x9000004B  }
0xbc: {  	_ =	sfence  }
0xbd: {  	s30 =	sld [smem:$0x0];
	_ =	sdelay $0x2  }
0xbe: {  	s31 =	sshll.u32 s1, $0xD;
	s1 =	sshrl.u32 s1, $0x2  }
0xbf: {  	s3 =	sand.u32 $0x4000, s31;
	s1 =	sadd.s32 s1, s30  }
0xc0: {  	s0 =	sor.u32 s3, s0;
	s1 =	sshll.u32 s1, $0x11  }
0xc1: {  	s0 =	sor.u32 s1, s0  }
0xc2: {  	s0 =	sadd.s32 $0x8F2B, s0  }
0xc3: {  	[sflag:s0] =	ssyncadd.remote.s32 $0x1  }
0xc4: {  	_ =	sfence.sel $0xFFFF  }
0xc5: {  	[dreg:$0x0] =	wrdreg $0xFFFFFFFF;
	(pc) =	sbr.abs _section_cstart, $3  }
0xc6: {  	[dreg:$0x1] =	wrdreg $0xFFFFFFFF  }
0xc7: {  	_ =	task.clear_ibuf [dreg:s7], $0x2FFFF;
	_ =	strace $0x9FFFFFFF  }
0xc8: {  	(tm) =	ssettm $0x7FFFFFFF  }
0xc9: {  	_ =	shalt  }
tec
execute0_lowered:
.L_overlay_start_1:
0x0: {  	(tag) =	ssettag $0x1  }
0x1: {  	s4 =	rddreg [dreg:$0x0]  }
0x2: {  	s5 =	rddreg [dreg:$0x1]  }
0x3: {  	s0 =	rddreg [dreg:$0x2];
	s3 =	srdreg.scid  }
0x4: {  	s1 =	stileid.u32;
	s2 =	simm.s32 $0x0;
	s11 =	simm.s32 $0x4200  }
0x5: {  	s12 =	simm.s32 $0x1;
	s13 =	simm.s32 $0x8200;
	s14 =	simm.s32 $0x0  }
0x6: {  	s6 =	sand.u32 $0x1, s3;
	s30 =	sshll.u32 s1, $0x1;
	[smem:$0x7FF] =	sst s2  }
0x7: {  	s3 =	sadd.s32 $0x59E00, s4;
	s7 =	sor.u32 s6, s30;
	_ =	strace $0x8000004A  }
0x8: {  	s6 =	ssub.s32 $0x2, s6;
	s8 =	sshll.u32 s7, $0xB;
	s9 =	sshll.u32 s7, $0x1  }
0x9: {  	s31 =	sshrl.u32 s6, $0x1;
	s7 =	sshll.u32 s7, $0x6;
	s8 =	sadd.s32 s8, s4  }
0xa: {  	s9 =	sadd.s32 s9, s4;
	s10 =	ssub.s32 s6, s31;
	s4 =	sadd.s32 s5, s7  }
0xb: {  	s5 =	sadd.s32 $0x49C00, s8;
	s6 =	sadd.s32 $0x61E00, s8;
	s7 =	sadd.s32 $0x1C00, s9  }
0xc: {  	s8 =	smax.u32 s10, $0x1;
	s9 =	simm.s32 $0x2;
	s10 =	simm.s32 $0x200  }
.LBB2_1:
0xd: {  	[tilespmem:s2], [sflag:$0x2] =	stream.linear.gather [hbm4b:s4+s2], $0x200, $0x38;
	[tilespmem:$0x8210] =	vst v63  }
0xe: {  	_ =	swait.ge [sflag:s9], $0x200  }
0xf: {  	[sflag:s9] =	ssyncset.done $0x0  }
0x10: {  	[sflag:s9] =	ssyncadd.s32 $0xFFFFFE00  }
0x11: {  	[tilespmem:s10], [sflag:$0x1] =	stream.indirect.gather [hbm4b:s3+s10], $0x20, s2, s10, $0xb8;
	[tilespmem:$0x8210] =	vst v63  }
0x12: {  	_ = 	snop  }
0x13: {  	[tilespmem:s11], [sflag:$0x2] =	stream.linear.gather [hbm4b:s5+s2], $0x4000, $0x38;
	[tilespmem:$0x8210] =	vst v63  }
0x14: {  	_ =	swait.ge [sflag:s9], $0x4000  }
0x15: {  	[sflag:s9] =	ssyncset.done $0x0  }
0x16: {  	[sflag:s9] =	ssyncadd.s32 $0xFFFFC000  }
0x17: {  	_ =	swait.ge [sflag:s12], $0x4000  }
0x18: {  	[sflag:s12] =	ssyncset.done $0x0  }
0x19: {  	s15 =	simm.s32 $0x0;
	[sflag:s12] =	ssyncadd.s32 $0xFFFFC000  }
0x1a: {  	v2 =	vld [tilespmem:s15+$0x200]  }
0x1b: {  	v3 =	vld [tilespmem:s15+$0x210]  }
0x1c: {  	v0 =	vimm.f32 $0.0e+00;
	s16 =	simm.s32 $0x80;
	v1 =	vld [tilespmem:s15+$0x4200]  }
.LBB2_2:
0x1d: {  	p0 =	sne.s32 s16, $0xFF80;
	v4 =	vld [tilespmem:s15+$0x4210];
	_ =	sdelay $0x3  }
0x1e: {  	v2 =	vsub.f32 v2, v1  }
0x1f: {  	v3 =	vsub.f32 v3, v4  }
0x20: {  	v5 =	vmul.f32 v2, v2;
	v2 =	vadd.f32 v2, v1  }
.Ltmp0:
0x21: {  	v6 =	vmul.f32 v3, v3;
	v3 =	vadd.f32 v3, v4;
	(pc) =	sbr.rel @p0 .LBB2_2-.Ltmp0, $4  }
0x22: {  	s17 =	sshra.s32 s16, $0x2;
	v0 =	vadd.f32 v5, v0;
	v1 =	vsub.f32 v1, v2  }
0x23: {  	v2 =	vld [tilespmem:s17+$0x200];
	v4 =	vsub.f32 v4, v3  }
0x24: {  	v3 =	vld [tilespmem:s17+$0x210];
	[tilespmem:s15+$0x4200] =	vst v1;
	v0 =	vadd.f32 v6, v0  }
0x25: {  	s16 =	sadd.s32 $0x80, s16;
	v1 =	vld [tilespmem:s17+$0x4200];
	[tilespmem:s15+$0x4210] =	vst v4;
	s15 =	smov.u32 s17  }
0x26: {  	v4 =	vld [tilespmem:s15+$0x4210];
	_ =	sdelay $0x3  }
0x27: {  	v2 =	vsub.f32 v2, v1  }
0x28: {  	v3 =	vsub.f32 v3, v4  }
0x29: {  	v5 =	vmul.f32 v2, v2;
	v2 =	vadd.f32 v2, v1  }
0x2a: {  	v6 =	vadd.f32 v3, v4  }
0x2b: {  	v3 =	vmul.f32 v3, v3;
	v0 =	vadd.f32 v5, v0;
	v1 =	vsub.f32 v1, v2  }
0x2c: {  	v63 =	vsub.f32 v4, v6  }
0x2d: {  	[tilespmem:s15+$0x4200] =	vst v1;
	v0 =	vadd.f32 v3, v0  }
0x2e: {  	[tilespmem:s15+$0x4210] =	vst v63  }
0x2f: {  	[tilespmem:$0x8200] =	vst v0  }
0x30: {  	[hbm4b:s6+s2] =	stream.linear.scatter [tilespmem:s11], [sflag:$0x2], $0x4000, $0x38;
	[tilespmem:$0x8210] =	vst v63  }
0x31: {  	s14 =	sadd.s32 $0x1, s14;
	_ =	swait.ge [sflag:s9], $0x4000  }
0x32: {  	p0 =	sne.s32 s14, s8;
	[sflag:s9] =	ssyncset.done $0x0  }
.Ltmp1:
0x33: {  	[sflag:s9] =	ssyncadd.s32 $0xFFFFC000;
	(pc) =	sbr.rel @p0 .LBB2_1-.Ltmp1, $4  }
0x34: {  	[hbm4b:s7+s2] =	stream.linear.scatter [tilespmem:s13], [sflag:$0x2], $0x10, $0x38;
	[tilespmem:$0x8210] =	vst v63  }
0x35: {  	_ =	swait.ge [sflag:s9], $0x10  }
0x36: {  	[sflag:s9] =	ssyncset.done $0x0  }
0x37: {  	[sflag:s9] =	ssyncadd.s32 $0xFFFFFFF0  }
0x38: {  	_ =	sfence.sel $0x180000  }
0x39: {  	[bflag:$0x0] =	sbarrier.arrive $0xFFFF  }
0x3a: {  	p0 =	sne.s32 s1, $0x0;
	_ =	strace $0x9000004A  }
0x3b: {  	s0 =	sadd.s32 @!p0 $0x100000, s0;
	[bflag:$0x2] =	sbarrier.arrive $0xFFFF  }
0x3c: {  	[sflag:s0] =	ssyncadd.tile.s32 @!p0 $0x1;
	_ =	shalt  }
.Lfunc_end2:
_tile_overlayer_lowered:
.L_overlay_start_2:
0x3d: {  	(tag) =	ssettag $0x2  }
0x3e: {  	s0 =	rddreg [dreg:$0x0];
	s2 =	stileid.u32  }
0x3f: {  	s1 =	rddreg [dreg:$0x1];
	p0 =	sne.s32 s2, $0x0  }
0x40: {  	s3 =	rddreg [dreg:$0x2];
	[bflag:$0x3] =	sbarrier.arrive $0xFFFF;
	s2 =	simm.s32 @!p0 $0x1C02  }
0x41: {  	[timem:s3], [sflag:s2] =	dma.local @!p0 [hbm:s0], s1  }
0x42: {  	s0 =	simm.s32 @!p0 $0x2  }
0x43: {  	_ =	swait.ge @!p0 [sflag:s0], s1  }
0x44: {  	s1 =	ssub.s32 @!p0 $0x0, s1;
	[sflag:s0] =	ssyncset.done @!p0 $0x0  }
0x45: {  	[sflag:s0] =	ssyncadd.s32 @!p0 s1  }
0x46: {  	[bflag:$0x3] =	sbarrier.arrive $0xFFFF  }
0x47: {  	_ =	shalt  }

// kernel: kernel.16.cloned.1.call-start
scs
__scs_entry_jumppad:
0x0: {  	(pc) =	sbr.rel $0x88, $3  }
0x1: {  	(tag) =	ssettag $0x0;
	lr =	simm.s32 $0x1  }
0x2: {  	[smem:$0x3F9F] =	sst lr;
	_ =	strace $0xD0000000  }
0x3: {  	_ = 	snop  }
0x4: {  	_ = 	snop  }
0x5: {  	_ = 	snop  }
0x6: {  	_ = 	snop  }
0x7: {  	_ = 	snop  }
__scs_overlays_trampoline_lowered:
0x8: {  	[smem:$0x3FAE] =	sst s0  }
0x9: {  	[smem:$0x3FAF] =	sst s1  }
0xa: {  	[smem:$0x3FB0] =	sst s2  }
0xb: {  	[smem:$0x3FB1] =	sst s3  }
0xc: {  	[smem:$0x3FB2] =	sst s4  }
0xd: {  	[smem:$0x3FB3] =	sst s5  }
0xe: {  	[smem:$0x3FB4] =	sst s6  }
0xf: {  	[smem:$0x3FB5] =	sst s7  }
0x10: {  	[smem:$0x3FB6] =	sst s8  }
0x11: {  	[smem:$0x3FB7] =	sst s9;
	s0 =	simm.s32 @!p0 $0x0  }
0x12: {  	s1 =	sld [smem:$0x3F9D];
	s0 =	simm.s32 @p0 $0x1  }
0x13: {  	[smem:$0x3FB8] =	sst s0;
	s0 =	simm.s32 @!p1 $0x0  }
0x14: {  	s2 =	sld [smem:$0x3F9C];
	s0 =	simm.s32 @p1 $0x1  }
0x15: {  	[smem:$0x3FB9] =	sst s0;
	s0 =	simm.s32 @!p2 $0x0  }
0x16: {  	s3 =	sld [smem:$0x3FDB];
	s0 =	simm.s32 @p2 $0x1  }
0x17: {  	s4 =	simm.s32 $0x1BF5;
	[smem:$0x3FBB] =	sst s0  }
0x18: {  	s0 =	sld [smem:$0x3F9E];
	_ =	swait.ge [sflag:s4], $0x0  }
0x19: {  	s7 =	sld [smem:$0x3F9F]  }
0x1a: {  	s8 =	sadd.s32 $0xFFFFE003, lr  }
0x1b: {  	s9 =	sadd.s32 $0xFFFFFEF7, lr;
	s5 =	simm.s32 $0xFFFFFFFF;
	p2 =	slt.u32 s8, $0xFFFFF086  }
0x1c: {  	p1 =	slt.u32 s9, $0xF7A;
	s5 =	simm.s32 @!p2 $0x0  }
0x1d: {  	s5 =	simm.s32 @p1 $0x1;
	p0 =	seq.s32 s7, s2  }
0x1e: {  	s7 =	smul.u32 @!p0 $0xF7A, s2;
	p2 =	seq.s32 @!p0 s5, $0x0  }
0x1f: {  	s9 =	smul.u32 $0xF7A, s1;
	s8 =	simm.s32 @!p0 $0x1BF5;
	p2 =	por !p2, p0  }
0x20: {  	[sflag:s8] =	ssyncset.s32 @!p0 $0xFFFFF086;
	s6 =	sadd.s32 @!p0 s3, s7;
	s7 =	simm.s32 @!p0 $0x108  }
0x21: {  	s3 =	sadd.s32 s3, s9;
	s6 =	sadd.s32 @!p0 $0x88, s6;
	s7 =	simm.s32 @p2 $0x1082  }
0x22: {  	[simem:s7], [sflag:s8] =	dma.local @!p0 [hbm:s6], $0xF7A  }
0x23: {  	s9 =	sor.u32 $0xD0000000, s2;
	s6 =	simm.s32 $0x108;
	_ =	swait.ge @!p0 [sflag:s8], $0x0  }
0x24: {  	s3 =	sadd.s32 $0x88, s3;
	s6 =	simm.s32 @!p1 $0x1082;
	[sflag:s4] =	ssyncset.s32 $0xFFFFF086  }
0x25: {  	[simem:s6], [sflag:s4] =	dma.local [hbm:s3], $0xF7A  }
0x26: {  	[smem:$0x3F9F] =	sst s1;
	(tag) =	ssettag s2;
	_ =	strace s9  }
0x27: {  	s1 =	sld [smem:$0x3FAF]  }
0x28: {  	s2 =	sld [smem:$0x3FB0]  }
0x29: {  	s4 =	sld [smem:$0x3FB2]  }
0x2a: {  	p0 =	seq.s32 s5, $0x0;
	s5 =	sld [smem:$0x3FB3]  }
0x2b: {  	s6 =	sld [smem:$0x3FB4]  }
0x2c: {  	s7 =	sld [smem:$0x3FB5]  }
0x2d: {  	s3 =	simm.s32 $0x108;
	s8 =	sld [smem:$0x3FB6]  }
0x2e: {  	s3 =	simm.s32 @!p0 $0x1082;
	s9 =	sld [smem:$0x3FB7]  }
0x2f: {  	lr =	sadd.s32 s0, s3;
	s0 =	sld [smem:$0x3FAE]  }
0x30: {  	s3 =	sld [smem:$0x3FB1]  }
0x31: {  	[smem:$0x3FBA] =	sst s10  }
0x32: {  	s10 =	sld [smem:$0x3FB8];
	_ =	sdelay $0x3  }
0x33: {  	p0 =	seq.s32 s10, $0x1;
	s10 =	sld [smem:$0x3FBA];
	_ =	sdelay $0x3  }
0x34: {  	[smem:$0x3FBA] =	sst s10  }
0x35: {  	s10 =	sld [smem:$0x3FB9];
	_ =	sdelay $0x3  }
0x36: {  	p1 =	seq.s32 s10, $0x1;
	s10 =	sld [smem:$0x3FBA];
	_ =	sdelay $0x3  }
0x37: {  	[smem:$0x3FBA] =	sst s10  }
0x38: {  	s10 =	sld [smem:$0x3FBB]  }
0x39: {  	_ = 	snop;
	(pc) =	sbr.ind lr, $3  }
0x3a: {  	_ = 	snop  }
0x3b: {  	_ = 	snop  }
0x3c: {  	p2 =	seq.s32 s10, $0x1;
	s10 =	sld [smem:$0x3FBA]  }
0x3d: {  	_ =	shalt  }
0x3e: {  	_ =	shalt  }
0x3f: {  	_ =	shalt  }
0x40: {  	_ =	shalt  }
0x41: {  	_ =	shalt  }
0x42: {  	_ =	shalt  }
0x43: {  	_ =	shalt  }
0x44: {  	_ =	shalt  }
0x45: {  	_ =	shalt  }
0x46: {  	_ =	shalt  }
0x47: {  	_ =	shalt  }
0x48: {  	_ =	shalt  }
0x49: {  	_ =	shalt  }
0x4a: {  	_ =	shalt  }
0x4b: {  	_ =	shalt  }
0x4c: {  	_ =	shalt  }
0x4d: {  	_ =	shalt  }
0x4e: {  	_ =	shalt  }
0x4f: {  	_ =	shalt  }
0x50: {  	_ =	shalt  }
0x51: {  	_ =	shalt  }
0x52: {  	_ =	shalt  }
0x53: {  	_ =	shalt  }
0x54: {  	_ =	shalt  }
0x55: {  	_ =	shalt  }
0x56: {  	_ =	shalt  }
0x57: {  	_ =	shalt  }
0x58: {  	_ =	shalt  }
0x59: {  	_ =	shalt  }
0x5a: {  	_ =	shalt  }
0x5b: {  	_ =	shalt  }
0x5c: {  	_ =	shalt  }
0x5d: {  	_ =	shalt  }
0x5e: {  	_ =	shalt  }
0x5f: {  	_ =	shalt  }
0x60: {  	_ =	shalt  }
0x61: {  	_ =	shalt  }
0x62: {  	_ =	shalt  }
0x63: {  	_ =	shalt  }
0x64: {  	_ =	shalt  }
0x65: {  	_ =	shalt  }
0x66: {  	_ =	shalt  }
0x67: {  	_ =	shalt  }
0x68: {  	_ =	shalt  }
0x69: {  	_ =	shalt  }
0x6a: {  	_ =	shalt  }
0x6b: {  	_ =	shalt  }
0x6c: {  	_ =	shalt  }
0x6d: {  	_ =	shalt  }
0x6e: {  	_ =	shalt  }
0x6f: {  	_ =	shalt  }
0x70: {  	_ =	shalt  }
0x71: {  	_ =	shalt  }
0x72: {  	_ =	shalt  }
0x73: {  	_ =	shalt  }
0x74: {  	_ =	shalt  }
0x75: {  	_ =	shalt  }
0x76: {  	_ =	shalt  }
0x77: {  	_ =	shalt  }
0x78: {  	_ =	shalt  }
0x79: {  	_ =	shalt  }
0x7a: {  	_ =	shalt  }
0x7b: {  	_ =	shalt  }
0x7c: {  	_ =	shalt  }
0x7d: {  	_ =	shalt  }
0x7e: {  	_ =	shalt  }
0x7f: {  	_ =	shalt  }
0x80: {  	_ =	shalt  }
0x81: {  	_ =	shalt  }
0x82: {  	_ =	shalt  }
0x83: {  	_ =	shalt  }
0x84: {  	_ =	shalt  }
0x85: {  	_ =	shalt  }
0x86: {  	_ =	shalt  }
0x87: {  	_ =	shalt  }
.Lfunc_end0:
.L_simem_size_0:
called_computation.2_lowered:
.L_overlay_start_0:
0x88: {  	s2 =	sld [smem:$0x3FD9]  }
0x89: {  	s3 =	sld [smem:$0x3FFE];
	_ =	sdelay $0x1  }
0x8a: {  	s1 =	srdreg.scid  }
0x8b: {  	s0 =	sand.u32 $0x1, s1  }
0x8c: {  	s14 =	sshll.u32 s0, $0xA;
	s2 =	sadd.s32 s3, s2  }
0x8d: {  	s2 =	sadd.s32 s2, s14  }
0x8e: {  	[smem:$0x3FC6] =	sst s2  }
0x8f: {  	_ = 	snop  }
0x90: {  	s2 =	sld [smem:$0x3FD0];
	_ =	sdelay $0x2  }
0x91: {  	s15 =	simm.s32 $0xA;
	s4 =	simm.s32 $0x10  }
0x92: {  	[smem:s4], [sflag:s15] =	dma.local [hbm:s2], $0x1  }
0x93: {  	_ =	swait.eq [sflag:s15], $0x1  }
0x94: {  	[sflag:s15] =	ssyncset.done $0x0  }
0x95: {  	[sflag:s15] =	ssyncadd.s32 $0xFFFFFFFF  }
0x96: {  	s16 =	sld [smem:$0x11];
	(tm) =	ssettm $0x1  }
0x97: {  	s17 =	sld [smem:$0x3FFB];
	_ =	sdelay $0x3  }
0x98: {  	_ =	strace s17  }
0x99: {  	s3 =	sld [smem:$0x3FFC];
	_ =	sdelay $0x3  }
0x9a: {  	_ =	strace s3  }
0x9b: {  	s3 =	sld [smem:$0x3FFD];
	_ =	sdelay $0x3  }
0x9c: {  	_ =	strace s3  }
0x9d: {  	_ =	strace $0x8FFFFFFF  }
0x9e: {  	s18 =	sld [smem:$0x3FDB];
	_ =	sdelay $0x1  }
0x9f: {  	s19 =	simm.s32 $_scs_section_size  }
0xa0: {  	s5 =	simm.s32 $_size__tile_overlayer_lowered;
	s6 =	simm.s32 $_tile_overlayer_lowered  }
0xa1: {  	s22 =	simm.s32 $0x1BFF;
	s21 =	sshll.u32 s6, $0x1;
	s3 =	sadd.s32 s19, s18  }
0xa2: {  	s7 =	simm.s32 $0x0;
	s20 =	sshll.u32 s5, $0x1;
	s5 =	sadd.s32 s21, s3  }
0xa3: {  	[timem:s7], [sflag:s22] =	dma.local [hbm:s5], s20  }
0xa4: {  	_ =	swait.ge [sflag:s22], s20  }
0xa5: {  	s4 =	ssub.s32 $0x0, s20;
	[sflag:s22] =	ssyncset.done $0x0  }
0xa6: {  	[sflag:s22] =	ssyncadd.s32 s4;
	_ =	sdelay $0x1  }
0xa7: {  	s23 =	simm.s32 $0x1B8B  }
0xa8: {  	_ =	swait.ge [sflag:s23], $0x1  }
0xa9: {  	[sflag:s23] =	ssyncset.done $0x0  }
0xaa: {  	s25 =	simm.s32 $0x1B8E;
	s24 =	sld [smem:$0x3FFE];
	[sflag:s23] =	ssyncadd.s32 $0xFFFFFFFF  }
0xab: {  	s26 =	simm.s32 $execute0_lowered;
	[smem:$0x3FD2] =	sst s25  }
0xac: {  	s5 =	sshll.u32 s26, $0x1;
	_ =	strace $0x8000004C;
	[dreg:$0x1] =	wrdreg $0xFFFFFFFF  }
0xad: {  	s28 =	simm.s32 $_size_execute0_lowered;
	s3 =	sadd.s32 s3, s5;
	[dreg:$0x0] =	wrdreg $0x0  }
0xae: {  	s5 =	sshll.u32 s28, $0x1;
	[dreg:$0x2] =	wrdreg s3  }
0xaf: {  	[dreg:$0x3] =	wrdreg s5  }
0xb0: {  	[dreg:$0x4] =	wrdreg $0xC0  }
0xb1: {  	_ =	task [dreg:s7], $0x5FFFF  }
0xb2: {  	[dreg:$0x1] =	wrdreg $0xFFFFFFFF  }
0xb3: {  	[dreg:$0x0] =	wrdreg $0x60  }
0xb4: {  	[dreg:$0x2] =	wrdreg s24  }
0xb5: {  	[dreg:$0x3] =	wrdreg s16  }
0xb6: {  	[dreg:$0x4] =	wrdreg $0x9  }
0xb7: {  	_ =	task.clear_ibuf [dreg:s7], $0x5FFFF;
	_ =	strace $0x9000004C  }
0xb8: {  	s29 =	simm.s32 $0x9;
	_ =	strace $0x8000004E  }
0xb9: {  	_ =	swait.ge [sflag:s29], $0x1  }
0xba: {  	[sflag:s29] =	ssyncadd.s32 $0xFFFFFFFF  }
0xbb: {  	_ =	strace $0x9000004E  }
0xbc: {  	_ =	sfence  }
0xbd: {  	s30 =	sld [smem:$0x0];
	_ =	sdelay $0x2  }
0xbe: {  	s31 =	sshll.u32 s1, $0xD;
	s1 =	sshrl.u32 s1, $0x2  }
0xbf: {  	s3 =	sand.u32 $0x4000, s31;
	s1 =	sadd.s32 s1, s30  }
0xc0: {  	s0 =	sor.u32 s3, s0;
	s1 =	sshll.u32 s1, $0x11  }
0xc1: {  	s0 =	sor.u32 s1, s0  }
0xc2: {  	s0 =	sadd.s32 $0x8F2B, s0  }
0xc3: {  	[sflag:s0] =	ssyncadd.remote.s32 $0x1  }
0xc4: {  	_ =	sfence.sel $0xFFFF  }
0xc5: {  	[dreg:$0x0] =	wrdreg $0xFFFFFFFF;
	(pc) =	sbr.abs _section_cstart, $3  }
0xc6: {  	[dreg:$0x1] =	wrdreg $0xFFFFFFFF  }
0xc7: {  	_ =	task.clear_ibuf [dreg:s7], $0x2FFFF;
	_ =	strace $0x9FFFFFFF  }
0xc8: {  	(tm) =	ssettm $0x7FFFFFFF  }
0xc9: {  	_ =	shalt  }
tec
execute0_lowered:
.L_overlay_start_1:
0x0: {  	(tag) =	ssettag $0x1  }
0x1: {  	s4 =	rddreg [dreg:$0x0]  }
0x2: {  	s5 =	rddreg [dreg:$0x1]  }
0x3: {  	s0 =	rddreg [dreg:$0x2];
	s3 =	srdreg.scid  }
0x4: {  	s1 =	stileid.u32;
	s2 =	simm.s32 $0x0;
	s11 =	simm.s32 $0x4200  }
0x5: {  	s12 =	simm.s32 $0x1;
	s13 =	simm.s32 $0x8200;
	s14 =	simm.s32 $0x0  }
0x6: {  	s6 =	sand.u32 $0x1, s3;
	s30 =	sshll.u32 s1, $0x1;
	[smem:$0x7FF] =	sst s2  }
0x7: {  	s3 =	sadd.s32 $0x91E00, s4;
	s7 =	sor.u32 s6, s30;
	_ =	strace $0x8000004D  }
0x8: {  	s6 =	ssub.s32 $0x2, s6;
	s8 =	sshll.u32 s7, $0xB;
	s9 =	sshll.u32 s7, $0x1  }
0x9: {  	s31 =	sshrl.u32 s6, $0x1;
	s7 =	sshll.u32 s7, $0x6;
	s8 =	sadd.s32 s8, s4  }
0xa: {  	s9 =	sadd.s32 s9, s4;
	s10 =	ssub.s32 s6, s31;
	s4 =	sadd.s32 s5, s7  }
0xb: {  	s5 =	sadd.s32 $0x61E00, s8;
	s6 =	sadd.s32 $0x49C00, s8;
	s7 =	sadd.s32 $0x1E00, s9  }
0xc: {  	s8 =	smax.u32 s10, $0x1;
	s9 =	simm.s32 $0x2;
	s10 =	simm.s32 $0x200  }
.LBB2_1:
0xd: {  	[tilespmem:s2], [sflag:$0x2] =	stream.linear.gather [hbm4b:s4+s2], $0x200, $0x38;
	[tilespmem:$0x8210] =	vst v63  }
0xe: {  	_ =	swait.ge [sflag:s9], $0x200  }
0xf: {  	[sflag:s9] =	ssyncset.done $0x0  }
0x10: {  	[sflag:s9] =	ssyncadd.s32 $0xFFFFFE00  }
0x11: {  	[tilespmem:s10], [sflag:$0x1] =	stream.indirect.gather [hbm4b:s3+s10], $0x20, s2, s10, $0xb8;
	[tilespmem:$0x8210] =	vst v63  }
0x12: {  	_ = 	snop  }
0x13: {  	[tilespmem:s11], [sflag:$0x2] =	stream.linear.gather [hbm4b:s5+s2], $0x4000, $0x38;
	[tilespmem:$0x8210] =	vst v63  }
0x14: {  	_ =	swait.ge [sflag:s9], $0x4000  }
0x15: {  	[sflag:s9] =	ssyncset.done $0x0  }
0x16: {  	[sflag:s9] =	ssyncadd.s32 $0xFFFFC000  }
0x17: {  	_ =	swait.ge [sflag:s12], $0x4000  }
0x18: {  	[sflag:s12] =	ssyncset.done $0x0  }
0x19: {  	s15 =	simm.s32 $0x0;
	[sflag:s12] =	ssyncadd.s32 $0xFFFFC000  }
0x1a: {  	v2 =	vld [tilespmem:s15+$0x200]  }
0x1b: {  	v3 =	vld [tilespmem:s15+$0x210]  }
0x1c: {  	v0 =	vimm.f32 $0.0e+00;
	s16 =	simm.s32 $0x80;
	v1 =	vld [tilespmem:s15+$0x4200]  }
.LBB2_2:
0x1d: {  	p0 =	sne.s32 s16, $0xFF80;
	v4 =	vld [tilespmem:s15+$0x4210];
	_ =	sdelay $0x3  }
0x1e: {  	v2 =	vsub.f32 v2, v1  }
0x1f: {  	v3 =	vsub.f32 v3, v4  }
0x20: {  	v5 =	vmul.f32 v2, v2;
	v2 =	vadd.f32 v2, v1  }
.Ltmp0:
0x21: {  	v6 =	vmul.f32 v3, v3;
	v3 =	vadd.f32 v3, v4;
	(pc) =	sbr.rel @p0 .LBB2_2-.Ltmp0, $4  }
0x22: {  	s17 =	sshra.s32 s16, $0x2;
	v0 =	vadd.f32 v5, v0;
	v1 =	vsub.f32 v1, v2  }
0x23: {  	v2 =	vld [tilespmem:s17+$0x200];
	v4 =	vsub.f32 v4, v3  }
0x24: {  	v3 =	vld [tilespmem:s17+$0x210];
	[tilespmem:s15+$0x4200] =	vst v1;
	v0 =	vadd.f32 v6, v0  }
0x25: {  	s16 =	sadd.s32 $0x80, s16;
	v1 =	vld [tilespmem:s17+$0x4200];
	[tilespmem:s15+$0x4210] =	vst v4;
	s15 =	smov.u32 s17  }
0x26: {  	v4 =	vld [tilespmem:s15+$0x4210];
	_ =	sdelay $0x3  }
0x27: {  	v2 =	vsub.f32 v2, v1  }
0x28: {  	v3 =	vsub.f32 v3, v4  }
0x29: {  	v5 =	vmul.f32 v2, v2;
	v2 =	vadd.f32 v2, v1  }
0x2a: {  	v6 =	vadd.f32 v3, v4  }
0x2b: {  	v3 =	vmul.f32 v3, v3;
	v0 =	vadd.f32 v5, v0;
	v1 =	vsub.f32 v1, v2  }
0x2c: {  	v63 =	vsub.f32 v4, v6  }
0x2d: {  	[tilespmem:s15+$0x4200] =	vst v1;
	v0 =	vadd.f32 v3, v0  }
0x2e: {  	[tilespmem:s15+$0x4210] =	vst v63  }
0x2f: {  	[tilespmem:$0x8200] =	vst v0  }
0x30: {  	[hbm4b:s6+s2] =	stream.linear.scatter [tilespmem:s11], [sflag:$0x2], $0x4000, $0x38;
	[tilespmem:$0x8210] =	vst v63  }
0x31: {  	s14 =	sadd.s32 $0x1, s14;
	_ =	swait.ge [sflag:s9], $0x4000  }
0x32: {  	p0 =	sne.s32 s14, s8;
	[sflag:s9] =	ssyncset.done $0x0  }
.Ltmp1:
0x33: {  	[sflag:s9] =	ssyncadd.s32 $0xFFFFC000;
	(pc) =	sbr.rel @p0 .LBB2_1-.Ltmp1, $4  }
0x34: {  	[hbm4b:s7+s2] =	stream.linear.scatter [tilespmem:s13], [sflag:$0x2], $0x10, $0x38;
	[tilespmem:$0x8210] =	vst v63  }
0x35: {  	_ =	swait.ge [sflag:s9], $0x10  }
0x36: {  	[sflag:s9] =	ssyncset.done $0x0  }
0x37: {  	[sflag:s9] =	ssyncadd.s32 $0xFFFFFFF0  }
0x38: {  	_ =	sfence.sel $0x180000  }
0x39: {  	[bflag:$0x0] =	sbarrier.arrive $0xFFFF  }
0x3a: {  	p0 =	sne.s32 s1, $0x0;
	_ =	strace $0x9000004D  }
0x3b: {  	s0 =	sadd.s32 @!p0 $0x100000, s0;
	[bflag:$0x2] =	sbarrier.arrive $0xFFFF  }
0x3c: {  	[sflag:s0] =	ssyncadd.tile.s32 @!p0 $0x1;
	_ =	shalt  }
.Lfunc_end2:
_tile_overlayer_lowered:
.L_overlay_start_2:
0x3d: {  	(tag) =	ssettag $0x2  }
0x3e: {  	s0 =	rddreg [dreg:$0x0];
	s2 =	stileid.u32  }
0x3f: {  	s1 =	rddreg [dreg:$0x1];
	p0 =	sne.s32 s2, $0x0  }
0x40: {  	s3 =	rddreg [dreg:$0x2];
	[bflag:$0x3] =	sbarrier.arrive $0xFFFF;
	s2 =	simm.s32 @!p0 $0x1C02  }
0x41: {  	[timem:s3], [sflag:s2] =	dma.local @!p0 [hbm:s0], s1  }
0x42: {  	s0 =	simm.s32 @!p0 $0x2  }
0x43: {  	_ =	swait.ge @!p0 [sflag:s0], s1  }
0x44: {  	s1 =	ssub.s32 @!p0 $0x0, s1;
	[sflag:s0] =	ssyncset.done @!p0 $0x0  }
0x45: {  	[sflag:s0] =	ssyncadd.s32 @!p0 s1  }
0x46: {  	[bflag:$0x3] =	sbarrier.arrive $0xFFFF  }
0x47: {  	_ =	shalt  }

// kernel: kernel.19.cloned.1.call-start
scs
__scs_entry_jumppad:
0x0: {  	(pc) =	sbr.rel $0x88, $3  }
0x1: {  	(tag) =	ssettag $0x0;
	lr =	simm.s32 $0x1  }
0x2: {  	[smem:$0x3F9F] =	sst lr;
	_ =	strace $0xD0000000  }
0x3: {  	_ = 	snop  }
0x4: {  	_ = 	snop  }
0x5: {  	_ = 	snop  }
0x6: {  	_ = 	snop  }
0x7: {  	_ = 	snop  }
__scs_overlays_trampoline_lowered:
0x8: {  	[smem:$0x3FAE] =	sst s0  }
0x9: {  	[smem:$0x3FAF] =	sst s1  }
0xa: {  	[smem:$0x3FB0] =	sst s2  }
0xb: {  	[smem:$0x3FB1] =	sst s3  }
0xc: {  	[smem:$0x3FB2] =	sst s4  }
0xd: {  	[smem:$0x3FB3] =	sst s5  }
0xe: {  	[smem:$0x3FB4] =	sst s6  }
0xf: {  	[smem:$0x3FB5] =	sst s7  }
0x10: {  	[smem:$0x3FB6] =	sst s8  }
0x11: {  	[smem:$0x3FB7] =	sst s9;
	s0 =	simm.s32 @!p0 $0x0  }
0x12: {  	s1 =	sld [smem:$0x3F9D];
	s0 =	simm.s32 @p0 $0x1  }
0x13: {  	[smem:$0x3FB8] =	sst s0;
	s0 =	simm.s32 @!p1 $0x0  }
0x14: {  	s2 =	sld [smem:$0x3F9C];
	s0 =	simm.s32 @p1 $0x1  }
0x15: {  	[smem:$0x3FB9] =	sst s0;
	s0 =	simm.s32 @!p2 $0x0  }
0x16: {  	s3 =	sld [smem:$0x3FDB];
	s0 =	simm.s32 @p2 $0x1  }
0x17: {  	s4 =	simm.s32 $0x1BF5;
	[smem:$0x3FBB] =	sst s0  }
0x18: {  	s0 =	sld [smem:$0x3F9E];
	_ =	swait.ge [sflag:s4], $0x0  }
0x19: {  	s7 =	sld [smem:$0x3F9F]  }
0x1a: {  	s8 =	sadd.s32 $0xFFFFE003, lr  }
0x1b: {  	s9 =	sadd.s32 $0xFFFFFEF7, lr;
	s5 =	simm.s32 $0xFFFFFFFF;
	p2 =	slt.u32 s8, $0xFFFFF086  }
0x1c: {  	p1 =	slt.u32 s9, $0xF7A;
	s5 =	simm.s32 @!p2 $0x0  }
0x1d: {  	s5 =	simm.s32 @p1 $0x1;
	p0 =	seq.s32 s7, s2  }
0x1e: {  	s7 =	smul.u32 @!p0 $0xF7A, s2;
	p2 =	seq.s32 @!p0 s5, $0x0  }
0x1f: {  	s9 =	smul.u32 $0xF7A, s1;
	s8 =	simm.s32 @!p0 $0x1BF5;
	p2 =	por !p2, p0  }
0x20: {  	[sflag:s8] =	ssyncset.s32 @!p0 $0xFFFFF086;
	s6 =	sadd.s32 @!p0 s3, s7;
	s7 =	simm.s32 @!p0 $0x108  }
0x21: {  	s3 =	sadd.s32 s3, s9;
	s6 =	sadd.s32 @!p0 $0x88, s6;
	s7 =	simm.s32 @p2 $0x1082  }
0x22: {  	[simem:s7], [sflag:s8] =	dma.local @!p0 [hbm:s6], $0xF7A  }
0x23: {  	s9 =	sor.u32 $0xD0000000, s2;
	s6 =	simm.s32 $0x108;
	_ =	swait.ge @!p0 [sflag:s8], $0x0  }
0x24: {  	s3 =	sadd.s32 $0x88, s3;
	s6 =	simm.s32 @!p1 $0x1082;
	[sflag:s4] =	ssyncset.s32 $0xFFFFF086  }
0x25: {  	[simem:s6], [sflag:s4] =	dma.local [hbm:s3], $0xF7A  }
0x26: {  	[smem:$0x3F9F] =	sst s1;
	(tag) =	ssettag s2;
	_ =	strace s9  }
0x27: {  	s1 =	sld [smem:$0x3FAF]  }
0x28: {  	s2 =	sld [smem:$0x3FB0]  }
0x29: {  	s4 =	sld [smem:$0x3FB2]  }
0x2a: {  	p0 =	seq.s32 s5, $0x0;
	s5 =	sld [smem:$0x3FB3]  }
0x2b: {  	s6 =	sld [smem:$0x3FB4]  }
0x2c: {  	s7 =	sld [smem:$0x3FB5]  }
0x2d: {  	s3 =	simm.s32 $0x108;
	s8 =	sld [smem:$0x3FB6]  }
0x2e: {  	s3 =	simm.s32 @!p0 $0x1082;
	s9 =	sld [smem:$0x3FB7]  }
0x2f: {  	lr =	sadd.s32 s0, s3;
	s0 =	sld [smem:$0x3FAE]  }
0x30: {  	s3 =	sld [smem:$0x3FB1]  }
0x31: {  	[smem:$0x3FBA] =	sst s10  }
0x32: {  	s10 =	sld [smem:$0x3FB8];
	_ =	sdelay $0x3  }
0x33: {  	p0 =	seq.s32 s10, $0x1;
	s10 =	sld [smem:$0x3FBA];
	_ =	sdelay $0x3  }
0x34: {  	[smem:$0x3FBA] =	sst s10  }
0x35: {  	s10 =	sld [smem:$0x3FB9];
	_ =	sdelay $0x3  }
0x36: {  	p1 =	seq.s32 s10, $0x1;
	s10 =	sld [smem:$0x3FBA];
	_ =	sdelay $0x3  }
0x37: {  	[smem:$0x3FBA] =	sst s10  }
0x38: {  	s10 =	sld [smem:$0x3FBB]  }
0x39: {  	_ = 	snop;
	(pc) =	sbr.ind lr, $3  }
0x3a: {  	_ = 	snop  }
0x3b: {  	_ = 	snop  }
0x3c: {  	p2 =	seq.s32 s10, $0x1;
	s10 =	sld [smem:$0x3FBA]  }
0x3d: {  	_ =	shalt  }
0x3e: {  	_ =	shalt  }
0x3f: {  	_ =	shalt  }
0x40: {  	_ =	shalt  }
0x41: {  	_ =	shalt  }
0x42: {  	_ =	shalt  }
0x43: {  	_ =	shalt  }
0x44: {  	_ =	shalt  }
0x45: {  	_ =	shalt  }
0x46: {  	_ =	shalt  }
0x47: {  	_ =	shalt  }
0x48: {  	_ =	shalt  }
0x49: {  	_ =	shalt  }
0x4a: {  	_ =	shalt  }
0x4b: {  	_ =	shalt  }
0x4c: {  	_ =	shalt  }
0x4d: {  	_ =	shalt  }
0x4e: {  	_ =	shalt  }
0x4f: {  	_ =	shalt  }
0x50: {  	_ =	shalt  }
0x51: {  	_ =	shalt  }
0x52: {  	_ =	shalt  }
0x53: {  	_ =	shalt  }
0x54: {  	_ =	shalt  }
0x55: {  	_ =	shalt  }
0x56: {  	_ =	shalt  }
0x57: {  	_ =	shalt  }
0x58: {  	_ =	shalt  }
0x59: {  	_ =	shalt  }
0x5a: {  	_ =	shalt  }
0x5b: {  	_ =	shalt  }
0x5c: {  	_ =	shalt  }
0x5d: {  	_ =	shalt  }
0x5e: {  	_ =	shalt  }
0x5f: {  	_ =	shalt  }
0x60: {  	_ =	shalt  }
0x61: {  	_ =	shalt  }
0x62: {  	_ =	shalt  }
0x63: {  	_ =	shalt  }
0x64: {  	_ =	shalt  }
0x65: {  	_ =	shalt  }
0x66: {  	_ =	shalt  }
0x67: {  	_ =	shalt  }
0x68: {  	_ =	shalt  }
0x69: {  	_ =	shalt  }
0x6a: {  	_ =	shalt  }
0x6b: {  	_ =	shalt  }
0x6c: {  	_ =	shalt  }
0x6d: {  	_ =	shalt  }
0x6e: {  	_ =	shalt  }
0x6f: {  	_ =	shalt  }
0x70: {  	_ =	shalt  }
0x71: {  	_ =	shalt  }
0x72: {  	_ =	shalt  }
0x73: {  	_ =	shalt  }
0x74: {  	_ =	shalt  }
0x75: {  	_ =	shalt  }
0x76: {  	_ =	shalt  }
0x77: {  	_ =	shalt  }
0x78: {  	_ =	shalt  }
0x79: {  	_ =	shalt  }
0x7a: {  	_ =	shalt  }
0x7b: {  	_ =	shalt  }
0x7c: {  	_ =	shalt  }
0x7d: {  	_ =	shalt  }
0x7e: {  	_ =	shalt  }
0x7f: {  	_ =	shalt  }
0x80: {  	_ =	shalt  }
0x81: {  	_ =	shalt  }
0x82: {  	_ =	shalt  }
0x83: {  	_ =	shalt  }
0x84: {  	_ =	shalt  }
0x85: {  	_ =	shalt  }
0x86: {  	_ =	shalt  }
0x87: {  	_ =	shalt  }
.Lfunc_end0:
.L_simem_size_0:
called_computation.3_lowered:
.L_overlay_start_0:
0x88: {  	s2 =	sld [smem:$0x3FD9]  }
0x89: {  	s3 =	sld [smem:$0x3FFE];
	_ =	sdelay $0x1  }
0x8a: {  	s1 =	srdreg.scid  }
0x8b: {  	s0 =	sand.u32 $0x1, s1  }
0x8c: {  	s14 =	sshll.u32 s0, $0xA;
	s2 =	sadd.s32 s3, s2  }
0x8d: {  	s2 =	sadd.s32 s2, s14  }
0x8e: {  	[smem:$0x3FC6] =	sst s2  }
0x8f: {  	_ = 	snop  }
0x90: {  	s2 =	sld [smem:$0x3FD0];
	_ =	sdelay $0x2  }
0x91: {  	s15 =	simm.s32 $0xA;
	s4 =	simm.s32 $0x10  }
0x92: {  	[smem:s4], [sflag:s15] =	dma.local [hbm:s2], $0x1  }
0x93: {  	_ =	swait.eq [sflag:s15], $0x1  }
0x94: {  	[sflag:s15] =	ssyncset.done $0x0  }
0x95: {  	[sflag:s15] =	ssyncadd.s32 $0xFFFFFFFF  }
0x96: {  	s16 =	sld [smem:$0x10];
	(tm) =	ssettm $0x1  }
0x97: {  	s17 =	sld [smem:$0x3FFB];
	_ =	sdelay $0x3  }
0x98: {  	_ =	strace s17  }
0x99: {  	s3 =	sld [smem:$0x3FFC];
	_ =	sdelay $0x3  }
0x9a: {  	_ =	strace s3  }
0x9b: {  	s3 =	sld [smem:$0x3FFD];
	_ =	sdelay $0x3  }
0x9c: {  	_ =	strace s3  }
0x9d: {  	_ =	strace $0x8FFFFFFF  }
0x9e: {  	s18 =	sld [smem:$0x3FDB];
	_ =	sdelay $0x1  }
0x9f: {  	s19 =	simm.s32 $_scs_section_size  }
0xa0: {  	s5 =	simm.s32 $_size__tile_overlayer_lowered;
	s6 =	simm.s32 $_tile_overlayer_lowered  }
0xa1: {  	s22 =	simm.s32 $0x1BFF;
	s21 =	sshll.u32 s6, $0x1;
	s3 =	sadd.s32 s19, s18  }
0xa2: {  	s7 =	simm.s32 $0x0;
	s20 =	sshll.u32 s5, $0x1;
	s5 =	sadd.s32 s21, s3  }
0xa3: {  	[timem:s7], [sflag:s22] =	dma.local [hbm:s5], s20  }
0xa4: {  	_ =	swait.ge [sflag:s22], s20  }
0xa5: {  	s4 =	ssub.s32 $0x0, s20;
	[sflag:s22] =	ssyncset.done $0x0  }
0xa6: {  	[sflag:s22] =	ssyncadd.s32 s4;
	_ =	sdelay $0x1  }
0xa7: {  	s23 =	simm.s32 $0x1B8B  }
0xa8: {  	_ =	swait.ge [sflag:s23], $0x1  }
0xa9: {  	[sflag:s23] =	ssyncset.done $0x0  }
0xaa: {  	s25 =	simm.s32 $0x1B8E;
	s24 =	sld [smem:$0x3FFE];
	[sflag:s23] =	ssyncadd.s32 $0xFFFFFFFF  }
0xab: {  	s26 =	simm.s32 $execute0_lowered;
	[smem:$0x3FD2] =	sst s25  }
0xac: {  	s5 =	sshll.u32 s26, $0x1;
	_ =	strace $0x8000004F;
	[dreg:$0x1] =	wrdreg $0xFFFFFFFF  }
0xad: {  	s28 =	simm.s32 $_size_execute0_lowered;
	s3 =	sadd.s32 s3, s5;
	[dreg:$0x0] =	wrdreg $0x0  }
0xae: {  	s5 =	sshll.u32 s28, $0x1;
	[dreg:$0x2] =	wrdreg s3  }
0xaf: {  	[dreg:$0x3] =	wrdreg s5  }
0xb0: {  	[dreg:$0x4] =	wrdreg $0xC0  }
0xb1: {  	_ =	task [dreg:s7], $0x5FFFF  }
0xb2: {  	[dreg:$0x1] =	wrdreg $0xFFFFFFFF  }
0xb3: {  	[dreg:$0x0] =	wrdreg $0x60  }
0xb4: {  	[dreg:$0x2] =	wrdreg s24  }
0xb5: {  	[dreg:$0x3] =	wrdreg s16  }
0xb6: {  	[dreg:$0x4] =	wrdreg $0x9  }
0xb7: {  	_ =	task.clear_ibuf [dreg:s7], $0x5FFFF;
	_ =	strace $0x9000004F  }
0xb8: {  	s29 =	simm.s32 $0x9;
	_ =	strace $0x80000051  }
0xb9: {  	_ =	swait.ge [sflag:s29], $0x1  }
0xba: {  	[sflag:s29] =	ssyncadd.s32 $0xFFFFFFFF  }
0xbb: {  	_ =	strace $0x90000051  }
0xbc: {  	_ =	sfence  }
0xbd: {  	s30 =	sld [smem:$0x0];
	_ =	sdelay $0x2  }
0xbe: {  	s31 =	sshll.u32 s1, $0xD;
	s1 =	sshrl.u32 s1, $0x2  }
0xbf: {  	s3 =	sand.u32 $0x4000, s31;
	s1 =	sadd.s32 s1, s30  }
0xc0: {  	s0 =	sor.u32 s3, s0;
	s1 =	sshll.u32 s1, $0x11  }
0xc1: {  	s0 =	sor.u32 s1, s0  }
0xc2: {  	s0 =	sadd.s32 $0x8F2B, s0  }
0xc3: {  	[sflag:s0] =	ssyncadd.remote.s32 $0x1  }
0xc4: {  	_ =	sfence.sel $0xFFFF  }
0xc5: {  	[dreg:$0x0] =	wrdreg $0xFFFFFFFF;
	(pc) =	sbr.abs _section_cstart, $3  }
0xc6: {  	[dreg:$0x1] =	wrdreg $0xFFFFFFFF  }
0xc7: {  	_ =	task.clear_ibuf [dreg:s7], $0x2FFFF;
	_ =	strace $0x9FFFFFFF  }
0xc8: {  	(tm) =	ssettm $0x7FFFFFFF  }
0xc9: {  	_ =	shalt  }
tec
execute0_lowered:
.L_overlay_start_1:
0x0: {  	(tag) =	ssettag $0x1  }
0x1: {  	s4 =	rddreg [dreg:$0x0]  }
0x2: {  	s6 =	rddreg [dreg:$0x1]  }
0x3: {  	s0 =	rddreg [dreg:$0x2];
	s3 =	srdreg.scid  }
0x4: {  	s1 =	stileid.u32;
	s2 =	simm.s32 $0x0;
	s13 =	simm.s32 $0x8210  }
0x5: {  	s14 =	simm.s32 $0x1;
	s15 =	simm.s32 $0x8200;
	s16 =	simm.s32 $0x0  }
0x6: {  	s5 =	sand.u32 $0x1, s3;
	s31 =	sshll.u32 s1, $0x1;
	[smem:$0x7FF] =	sst s2  }
0x7: {  	s3 =	sadd.s32 $0x59E00, s4;
	s7 =	sor.u32 s5, s31;
	_ =	strace $0x80000050  }
0x8: {  	s5 =	ssub.s32 $0x2, s5;
	s8 =	sshll.u32 s7, $0x6;
	s9 =	sshll.u32 s7, $0xB  }
0x9: {  	s7 =	sshll.u32 s7, $0x1;
	s11 =	sshrl.u32 s5, $0x1;
	s8 =	sadd.s32 s8, s4  }
0xa: {  	s10 =	sadd.s32 s9, s4;
	s12 =	sadd.s32 s7, s4;
	s11 =	ssub.s32 s5, s11  }
0xb: {  	s6 =	sadd.s32 s6, s9;
	s4 =	sadd.s32 $0x2000, s8;
	s5 =	sadd.s32 $0x49C00, s10  }
0xc: {  	s7 =	sadd.s32 $0x61E00, s10;
	s8 =	sadd.s32 $0x2800, s12;
	s9 =	smax.u32 s11, $0x1  }
0xd: {  	s10 =	simm.s32 $0x2;
	s11 =	simm.s32 $0x200;
	s12 =	simm.s32 $0x4200  }
.LBB2_1:
0xe: {  	[tilespmem:s2], [sflag:$0x2] =	stream.linear.gather [hbm4b:s4+s2], $0x200, $0x38;
	[tilespmem:$0xC210] =	vst v63  }
0xf: {  	_ =	swait.ge [sflag:s10], $0x200  }
0x10: {  	[sflag:s10] =	ssyncset.done $0x0  }
0x11: {  	[sflag:s10] =	ssyncadd.s32 $0xFFFFFE00  }
0x12: {  	[tilespmem:s11], [sflag:$0x1] =	stream.indirect.gather [hbm4b:s3+s11], $0x20, s2, s11, $0xb8;
	[tilespmem:$0xC210] =	vst v63  }
0x13: {  	_ = 	snop  }
0x14: {  	[tilespmem:s12], [sflag:$0x2] =	stream.linear.gather [hbm4b:s5+s2], $0x4000, $0x38;
	[tilespmem:$0xC210] =	vst v63  }
0x15: {  	_ =	swait.ge [sflag:s10], $0x4000  }
0x16: {  	[sflag:s10] =	ssyncset.done $0x0  }
0x17: {  	[sflag:s10] =	ssyncadd.s32 $0xFFFFC000  }
0x18: {  	[tilespmem:s13], [sflag:$0x2] =	stream.linear.gather [hbm4b:s6+s2], $0x4000, $0x38;
	[tilespmem:$0xC210] =	vst v63  }
0x19: {  	_ =	swait.ge [sflag:s10], $0x4000  }
0x1a: {  	[sflag:s10] =	ssyncset.done $0x0  }
0x1b: {  	[sflag:s10] =	ssyncadd.s32 $0xFFFFC000  }
0x1c: {  	_ =	swait.ge [sflag:s14], $0x4000  }
0x1d: {  	[sflag:s14] =	ssyncset.done $0x0  }
0x1e: {  	s17 =	simm.s32 $0x0;
	[sflag:s14] =	ssyncadd.s32 $0xFFFFC000  }
0x1f: {  	v3 =	vld [tilespmem:s17+$0x200]  }
0x20: {  	v2 =	vld [tilespmem:s17+$0x210]  }
0x21: {  	v0 =	vimm.f32 $0.0e+00;
	s18 =	simm.s32 $0x80;
	v1 =	vld [tilespmem:s17+$0x4200]  }
.LBB2_2:
0x22: {  	p0 =	sne.s32 s18, $0xFF80;
	v4 =	vld [tilespmem:s17+$0x4210];
	_ =	sdelay $0x3  }
0x23: {  	v3 =	vsub.f32 v3, v1  }
0x24: {  	v5 =	vld [tilespmem:s17+$0x8210];
	v2 =	vsub.f32 v2, v4  }
0x25: {  	v6 =	vmul.f32 v3, v3;
	v3 =	vadd.f32 v3, v1;
	v7 =	vld [tilespmem:s17+$0x8220]  }
0x26: {  	v8 =	vmul.f32 v2, v2;
	v2 =	vadd.f32 v2, v4  }
0x27: {  	v0 =	vadd.f32 v6, v0;
	v1 =	vsub.f32 v1, v3  }
.Ltmp0:
0x28: {  	v2 =	vsub.f32 v4, v2;
	(pc) =	sbr.rel @p0 .LBB2_2-.Ltmp0, $4  }
0x29: {  	s19 =	sshra.s32 s18, $0x2;
	v1 =	vsub.f32 v5, v1;
	v0 =	vadd.f32 v8, v0  }
0x2a: {  	v3 =	vld [tilespmem:s19+$0x200];
	v4 =	vsub.f32 v7, v2  }
0x2b: {  	v2 =	vld [tilespmem:s19+$0x210];
	[tilespmem:s17+$0x4200] =	vst v1  }
0x2c: {  	s18 =	sadd.s32 $0x80, s18;
	v1 =	vld [tilespmem:s19+$0x4200];
	[tilespmem:s17+$0x4210] =	vst v4;
	s17 =	smov.u32 s19  }
0x2d: {  	v4 =	vld [tilespmem:s17+$0x4210];
	_ =	sdelay $0x3  }
0x2e: {  	v3 =	vsub.f32 v3, v1  }
0x2f: {  	v5 =	vld [tilespmem:s17+$0x8210];
	v2 =	vsub.f32 v2, v4  }
0x30: {  	v7 =	vld [tilespmem:s17+$0x8220];
	v6 =	vadd.f32 v3, v1  }
0x31: {  	v8 =	vadd.f32 v2, v4  }
0x32: {  	v3 =	vmul.f32 v3, v3;
	v1 =	vsub.f32 v1, v6  }
0x33: {  	v4 =	vsub.f32 v4, v8  }
0x34: {  	v2 =	vmul.f32 v2, v2;
	v0 =	vadd.f32 v3, v0;
	v1 =	vsub.f32 v5, v1  }
0x35: {  	v63 =	vsub.f32 v7, v4  }
0x36: {  	v0 =	vadd.f32 v2, v0;
	[tilespmem:s17+$0x4200] =	vst v1  }
0x37: {  	[tilespmem:s17+$0x4210] =	vst v63  }
0x38: {  	[tilespmem:$0x8200] =	vst v0  }
0x39: {  	[hbm4b:s7+s2] =	stream.linear.scatter [tilespmem:s12], [sflag:$0x2], $0x4000, $0x38;
	[tilespmem:$0xC210] =	vst v63  }
0x3a: {  	s16 =	sadd.s32 $0x1, s16;
	_ =	swait.ge [sflag:s10], $0x4000  }
0x3b: {  	p0 =	sne.s32 s16, s9;
	[sflag:s10] =	ssyncset.done $0x0  }
.Ltmp1:
0x3c: {  	[sflag:s10] =	ssyncadd.s32 $0xFFFFC000;
	(pc) =	sbr.rel @p0 .LBB2_1-.Ltmp1, $4  }
0x3d: {  	[hbm4b:s8+s2] =	stream.linear.scatter [tilespmem:s15], [sflag:$0x2], $0x10, $0x38;
	[tilespmem:$0xC210] =	vst v63  }
0x3e: {  	_ =	swait.ge [sflag:s10], $0x10  }
0x3f: {  	[sflag:s10] =	ssyncset.done $0x0  }
0x40: {  	[sflag:s10] =	ssyncadd.s32 $0xFFFFFFF0  }
0x41: {  	_ =	sfence.sel $0x180000  }
0x42: {  	[bflag:$0x0] =	sbarrier.arrive $0xFFFF  }
0x43: {  	p0 =	sne.s32 s1, $0x0;
	_ =	strace $0x90000050  }
0x44: {  	s0 =	sadd.s32 @!p0 $0x100000, s0;
	[bflag:$0x2] =	sbarrier.arrive $0xFFFF  }
0x45: {  	[sflag:s0] =	ssyncadd.tile.s32 @!p0 $0x1;
	_ =	shalt  }
.Lfunc_end2:
_tile_overlayer_lowered:
.L_overlay_start_2:
0x46: {  	(tag) =	ssettag $0x2  }
0x47: {  	s0 =	rddreg [dreg:$0x0];
	s2 =	stileid.u32  }
0x48: {  	s1 =	rddreg [dreg:$0x1];
	p0 =	sne.s32 s2, $0x0  }
0x49: {  	s3 =	rddreg [dreg:$0x2];
	[bflag:$0x3] =	sbarrier.arrive $0xFFFF;
	s2 =	simm.s32 @!p0 $0x1C02  }
0x4a: {  	[timem:s3], [sflag:s2] =	dma.local @!p0 [hbm:s0], s1  }
0x4b: {  	s0 =	simm.s32 @!p0 $0x2  }
0x4c: {  	_ =	swait.ge @!p0 [sflag:s0], s1  }
0x4d: {  	s1 =	ssub.s32 @!p0 $0x0, s1;
	[sflag:s0] =	ssyncset.done @!p0 $0x0  }
0x4e: {  	[sflag:s0] =	ssyncadd.s32 @!p0 s1  }
0x4f: {  	[bflag:$0x3] =	sbarrier.arrive $0xFFFF  }
0x50: {  	_ =	shalt  }

</sc_bundles>
